<compile_context>
chip_gen: v7x
topology: tpu7x:2x2x1
jax: 0.10.2.dev20260603
libtpu: 0.0.44.dev20260713+nightly
codegen_flags: <defaults>
</compile_context>

<pallas_src>
import functools

import jax
import jax.numpy as jnp
from jax import lax
from jax.experimental import pallas as pl
from jax.experimental.pallas import tpu as pltpu
from jax.experimental.pallas import tpu_sc as plsc

N = 10000
E = 320000
D = 128
G = 256

NC = 2
NS = 16
NW = NC * NS

K = 128
CH = 80
EPW = CH * K
EPAD = NW * EPW
RPT = 624
LAST = N - 15 * RPT

BN = 2000
NB = N // BN


def _mm_t(a, b):
    return lax.dot_general(a, b, (((1,), (1,)), ((), ())),
                           preferred_element_type=jnp.float32)



def _sc_edge_body(hr_hbm, src_hbm, dst_hbm, out_hbm,
                  src_v, d0, d1, r0, r1, acc,
                  gsa, gsb, ssa, ssb):
    c = lax.axis_index("c")
    s = lax.axis_index("s")
    wid = c * NS + s
    base = wid * EPW

    pltpu.sync_copy(src_hbm.at[wid], src_v)

    def zrow(i, carry):
        def zcol(j, carry2):
            r0[i, pl.ds(j * 16, 16)] = jnp.zeros((16,), jnp.float32)
            return carry2
        return lax.fori_loop(0, D // 16, zcol, carry)
    lax.fori_loop(0, K, zrow, 0)

    def zslab(i, carry):
        pltpu.sync_copy(r0, acc.at[pl.ds(s * RPT + i * K, K)])
        return carry
    lax.fori_loop(0, RPT // K, zslab, 0)

    @pl.when(s < NS - 1)
    def _zero_rem():
        pltpu.sync_copy(r0.at[pl.ds(0, RPT - (RPT // K) * K)],
                        acc.at[pl.ds(s * RPT + (RPT // K) * K,
                                     RPT - (RPT // K) * K)])

    @pl.when(s == NS - 1)
    def _zero_tail():
        pltpu.sync_copy(r0, acc.at[pl.ds(15 * RPT + (RPT // K) * K, K)])
    plsc.subcore_barrier()

    def gath(i, buf, dbuf, sem):
        pltpu.async_copy(hr_hbm.at[src_v.at[i]], buf, sem)
        pltpu.async_copy(dst_hbm.at[pl.ds(base + i * K, K)], dbuf, sem)

    def gwait(i, buf, dbuf, sem):
        pltpu.make_async_copy(hr_hbm.at[src_v.at[i]], buf, sem).wait()
        pltpu.make_async_copy(dst_hbm.at[pl.ds(base + i * K, K)], dbuf,
                              sem).wait()

    def scat(buf, dbuf, sem):
        pltpu.async_copy(buf, acc.at[dbuf], sem, add=True)

    def swait(buf, dbuf, sem):
        pltpu.make_async_copy(buf, acc.at[dbuf], sem).wait()

    gath(0, r0, d0, gsa)

    def body(t, carry):
        c0 = 2 * t
        gwait(c0, r0, d0, gsa)

        @pl.when(t > 0)
        def _drain_prev():
            swait(r1, d1, ssb)
        gath(c0 + 1, r1, d1, gsb)
        scat(r0, d0, ssa)
        gwait(c0 + 1, r1, d1, gsb)
        swait(r0, d0, ssa)

        @pl.when(t < CH // 2 - 1)
        def _next():
            gath(c0 + 2, r0, d0, gsa)
        scat(r1, d1, ssb)
        return carry
    lax.fori_loop(0, CH // 2, body, 0)
    swait(r1, d1, ssb)

    plsc.subcore_barrier()

    @pl.when(s < NS - 1)
    def _write_main():
        pltpu.sync_copy(acc.at[pl.ds(s * RPT, RPT)],
                        out_hbm.at[pl.ds(c * N + s * RPT, RPT)])

    @pl.when(s == NS - 1)
    def _write_last():
        pltpu.sync_copy(acc.at[pl.ds(15 * RPT, LAST)],
                        out_hbm.at[pl.ds(c * N + 15 * RPT, LAST)])


@functools.cache
def _sc_edge():
    return pl.kernel(
        _sc_edge_body,
        out_type=jax.ShapeDtypeStruct((NC * N, D), jnp.float32),
        mesh=plsc.VectorSubcoreMesh(core_axis_name="c", subcore_axis_name="s",
                                    num_cores=NC, num_subcores=NS),
        scratch_types=[
            pltpu.VMEM((CH, K), jnp.int32),
            pltpu.VMEM((K,), jnp.int32),
            pltpu.VMEM((K,), jnp.int32),
            pltpu.VMEM((K, D), jnp.float32),
            pltpu.VMEM((K, D), jnp.float32),
            pltpu.VMEM_SHARED((N + 128, D), jnp.float32),
            pltpu.SemaphoreType.DMA,
            pltpu.SemaphoreType.DMA,
            pltpu.SemaphoreType.DMA,
            pltpu.SemaphoreType.DMA,
        ],
    )



def _tc_layer_body(a0_ref, a1_ref, h_ref, wr_ref, wro_ref, br_ref, out_ref):
    agg = a0_ref[...] + a1_ref[...]
    out_ref[...] = jax.nn.gelu(_mm_t(agg, wr_ref[...]) + br_ref[...]
                               + _mm_t(h_ref[...], wro_ref[...]))


def _tc_final_body(a0_ref, a1_ref, h_ref, wr_ref, wro_ref, br_ref,
                   bidx_ref, wout_ref, bout_ref,
                   out_ref, sums_ref, cnt_ref):
    i = pl.program_id(0)

    @pl.when(i == 0)
    def _init():
        sums_ref[...] = jnp.zeros_like(sums_ref)
        cnt_ref[...] = jnp.zeros_like(cnt_ref)

    agg = a0_ref[...] + a1_ref[...]
    h = jax.nn.gelu(_mm_t(agg, wr_ref[...]) + br_ref[...]
                    + _mm_t(h_ref[...], wro_ref[...]))
    b2 = bidx_ref[0]
    gids = lax.broadcasted_iota(jnp.int32, (G, BN), 0)
    sel = (b2 == gids).astype(jnp.float32)
    sums_ref[...] += lax.dot_general(sel, h, (((1,), (0,)), ((), ())),
                                     preferred_element_type=jnp.float32)
    cnt_ref[...] += lax.dot_general(sel, jnp.ones((BN, D), jnp.float32),
                                    (((1,), (0,)), ((), ())),
                                    preferred_element_type=jnp.float32)

    @pl.when(i == NB - 1)
    def _finish():
        pooled = sums_ref[...] / jnp.maximum(cnt_ref[...], 1.0)
        val = jnp.sum(pooled * wout_ref[...], axis=1, keepdims=True)
        out_ref[...] = val + bout_ref[0]


_row_spec = pl.BlockSpec((BN, D), lambda i: (i, 0))
_w_spec = pl.BlockSpec((D, D), lambda i: (0, 0))
_b_spec = pl.BlockSpec((1, D), lambda i: (0, 0))

_agg0_spec = pl.BlockSpec((BN, D), lambda i: (i, 0))
_agg1_spec = pl.BlockSpec((BN, D), lambda i: (i + NB, 0))

_tc_layer = pl.pallas_call(
    _tc_layer_body,
    grid=(NB,),
    in_specs=[_agg0_spec, _agg1_spec, _row_spec, _w_spec, _w_spec, _b_spec],
    out_specs=_row_spec,
    out_shape=jax.ShapeDtypeStruct((N, D), jnp.float32),
)

_tc_final = pl.pallas_call(
    _tc_final_body,
    grid=(NB,),
    in_specs=[
        _agg0_spec, _agg1_spec, _row_spec, _w_spec, _w_spec, _b_spec,
        pl.BlockSpec((1, 1, BN), lambda i: (i, 0, 0)),
        pl.BlockSpec((1, D), lambda i: (0, 0)),
        pl.BlockSpec(memory_space=pltpu.SMEM),
    ],
    out_specs=pl.BlockSpec((G, 1), lambda i: (0, 0)),
    out_shape=jax.ShapeDtypeStruct((G, 1), jnp.float32),
    scratch_shapes=[
        pltpu.VMEM((G, D), jnp.float32),
        pltpu.VMEM((G, D), jnp.float32),
    ],
)


def kernel(x, edge_index, batch_index,
           W_rel0, b_rel0, W_root0,
           W_rel1, b_rel1, W_root1,
           W_rel2, b_rel2, W_root2,
           W_rel3, b_rel3, W_root3,
           W_out, b_out):
    pad = EPAD - E
    spread = jnp.arange(pad, dtype=jnp.int32) % 128
    src = jnp.concatenate([edge_index[0], spread * 64]).reshape(NW, CH, K)
    dst = jnp.concatenate([edge_index[1], N + spread])
    bidx3 = batch_index.reshape(NB, 1, BN)

    sc_edge = _sc_edge()
    agg = sc_edge(x, src, dst)
    h = _tc_layer(agg, agg, x, W_rel0, W_root0, b_rel0.reshape(1, D))
    agg = sc_edge(h, src, dst)
    h = _tc_layer(agg, agg, h, W_rel1, W_root1, b_rel1.reshape(1, D))
    agg = sc_edge(h, src, dst)
    h = _tc_layer(agg, agg, h, W_rel2, W_root2, b_rel2.reshape(1, D))
    agg = sc_edge(h, src, dst)
    out = _tc_final(agg, agg, h, W_rel3, W_root3, b_rel3.reshape(1, D),
                    bidx3, W_out, b_out)
    return out

# --- scband reference (transcript-rebuilt; emitter-appended) ---
"""Pipeline reference for scband-graph-conv-model-82875688944202 (READ-ONLY COPY).

The authoritative reference and input builder live on the scoring server;
editing this copy changes nothing except your own understanding.
"""

import jax, jax.numpy as jnp
import numpy as np

N = 10000
E = 320000
D = 128
EMB = 128
G = 256


def setup_inputs(seed: int = 0) -> dict:
    key = jax.random.key(seed)
    ks = jax.random.split(key, 20)
    inp = {}
    inp["x"] = jax.random.normal(ks[0], (N, D), dtype=jnp.float32)
    inp["edge_index"] = jax.random.randint(ks[1], (2, E), 0, N, dtype=jnp.int32)
    inp["batch_index"] = jnp.sort(jax.random.randint(ks[2], (N,), 0, G, dtype=jnp.int32))
    # GraphConv layer 0: in=D, out=EMB. lin_rel has bias, lin_root has no bias.
    s0 = 1.0 / np.sqrt(D)
    inp["W_rel0"] = jax.random.uniform(ks[3], (EMB, D), jnp.float32, -s0, s0)
    inp["b_rel0"] = jax.random.uniform(ks[4], (EMB,), jnp.float32, -s0, s0)
    inp["W_root0"] = jax.random.uniform(ks[5], (EMB, D), jnp.float32, -s0, s0)
    s1 = 1.0 / np.sqrt(EMB)
    inp["W_rel1"] = jax.random.uniform(ks[6], (EMB, EMB), jnp.float32, -s1, s1)
    inp["b_rel1"] = jax.random.uniform(ks[7], (EMB,), jnp.float32, -s1, s1)
    inp["W_root1"] = jax.random.uniform(ks[8], (EMB, EMB), jnp.float32, -s1, s1)
    inp["W_rel2"] = jax.random.uniform(ks[9], (EMB, EMB), jnp.float32, -s1, s1)
    inp["b_rel2"] = jax.random.uniform(ks[10], (EMB,), jnp.float32, -s1, s1)
    inp["W_root2"] = jax.random.uniform(ks[11], (EMB, EMB), jnp.float32, -s1, s1)
    inp["W_rel3"] = jax.random.uniform(ks[12], (EMB, EMB), jnp.float32, -s1, s1)
    inp["b_rel3"] = jax.random.uniform(ks[13], (EMB,), jnp.float32, -s1, s1)
    inp["W_root3"] = jax.random.uniform(ks[14], (EMB, EMB), jnp.float32, -s1, s1)
    inp["W_out"] = jax.random.uniform(ks[15], (1, EMB), jnp.float32, -s1, s1)
    inp["b_out"] = jax.random.uniform(ks[16], (1,), jnp.float32, -s1, s1)
    return inp


def _graph_conv(h, src, dst, W_rel, b_rel, W_root):
    # torch_geometric GraphConv (aggr='add'):
    # out_i = W_root @ x_i + W_rel @ sum_{j in N(i)} x_j + b_rel
    msg = jnp.take(h, src, axis=0)
    agg = jax.ops.segment_sum(msg, dst, num_segments=N)
    return agg @ W_rel.T + b_rel + h @ W_root.T


def reference(x, edge_index, batch_index,
              W_rel0, b_rel0, W_root0,
              W_rel1, b_rel1, W_root1,
              W_rel2, b_rel2, W_root2,
              W_rel3, b_rel3, W_root3,
              W_out, b_out):
    src = edge_index[0]
    dst = edge_index[1]
    h = _graph_conv(x, src, dst, W_rel0, b_rel0, W_root0)
    h = jax.nn.gelu(h)
    # dropout is identity in eval mode
    h = _graph_conv(h, src, dst, W_rel1, b_rel1, W_root1)
    h = jax.nn.gelu(h)
    h = _graph_conv(h, src, dst, W_rel2, b_rel2, W_root2)
    h = jax.nn.gelu(h)
    h = _graph_conv(h, src, dst, W_rel3, b_rel3, W_root3)
    h = jax.nn.gelu(h)
    # gap = global mean pool over batch_index
    sums = jax.ops.segment_sum(h, batch_index, num_segments=G)
    counts = jax.ops.segment_sum(jnp.ones((N,), jnp.float32), batch_index, num_segments=G)
    pooled = sums / jnp.maximum(counts, 1.0)[:, None]
    out = pooled @ W_out.T + b_out
    return out

if __name__ == "__main__":
    import jax
    _d = setup_inputs()
    print(jax.jit(kernel)(*tuple(_d.values())))

</pallas_src>

<mosaic_0001>
#map = affine_map<(d0, d1) -> (0, 0)>
#map1 = affine_map<(d0, d1) -> (0, 0, 0)>
#map2 = affine_map<(d0, d1) -> (0)>
module attributes {stable_mosaic.version = 14 : i64} {
  func.func @_sc_edge_body(%arg0: i32, %arg1: i32, %arg2: memref<10000x128xf32, #tpu.memory_space<hbm>>, %arg3: memref<32x80x128xi32, #tpu.memory_space<hbm>>, %arg4: memref<327680xi32, #tpu.memory_space<hbm>>, %arg5: memref<20000x128xf32, #tpu.memory_space<hbm>>, %arg6: memref<80x128xi32, #tpu.memory_space<vmem>>, %arg7: memref<128xi32, #tpu.memory_space<vmem>>, %arg8: memref<128xi32, #tpu.memory_space<vmem>>, %arg9: memref<128x128xf32, #tpu.memory_space<vmem>>, %arg10: memref<128x128xf32, #tpu.memory_space<vmem>>, %arg11: memref<10128x128xf32, #tpu.memory_space<vmem_shared>>, %arg12: memref<!tpu.dma_semaphore, #tpu.memory_space<semaphore_mem>>, %arg13: memref<!tpu.dma_semaphore, #tpu.memory_space<semaphore_mem>>, %arg14: memref<!tpu.dma_semaphore, #tpu.memory_space<semaphore_mem>>, %arg15: memref<!tpu.dma_semaphore, #tpu.memory_space<semaphore_mem>>) attributes {dimension_semantics = [#tpu.dimension_semantics<core_parallel>, #tpu.dimension_semantics<subcore_parallel>], iteration_bounds = array<i64: 2, 16>, scalar_prefetch = 0 : i64, scratch_operands = 10 : i64, tpu.core_type = #tpu.core_type<sc_vector_subcore>, window_params = [{transform_indices = #map}, {transform_indices = #map1}, {transform_indices = #map2}, {transform_indices = #map}]} {
    %mul3A = arith.constant 16 : i32
    %mul3A_0 = arith.muli %arg0, %mul3A : i32
    %add3A = arith.addi %mul3A_0, %arg1 : i32
    %mul3A_1 = arith.constant 10240 : i32
    %mul3A_2 = arith.muli %add3A, %mul3A_1 : i32
    "tpu.region"() ({
      %run_scoped3A = tpu.sem_alloc : memref<!tpu.dma_semaphore, #tpu.memory_space<semaphore_mem>>
      %dma_start3A_49 = arith.constant 0 : i32
      %dma_start3A_50 = arith.constant 0 : i32
      %dma_start3A_51 = tpu.memref_slice %arg3[%add3A, %dma_start3A_49, %dma_start3A_50] : memref<32x80x128xi32, #tpu.memory_space<hbm>> -> memref<1x80x128xi32, #tpu.memory_space<hbm>>
      %dma_start3A_52 = tpu.memref_squeeze %dma_start3A_51 : memref<1x80x128xi32, #tpu.memory_space<hbm>> -> memref<80x128xi32, #tpu.memory_space<hbm>>
      %dma_start3A_53 = arith.constant 0 : i32
      %dma_start3A_54 = arith.constant 0 : i32
      %dma_start3A_55 = tpu.memref_slice %arg3[%add3A, %dma_start3A_53, %dma_start3A_54] : memref<32x80x128xi32, #tpu.memory_space<hbm>> -> memref<1x80x128xi32, #tpu.memory_space<hbm>>
      %dma_start3A_56 = tpu.memref_squeeze %dma_start3A_55 : memref<1x80x128xi32, #tpu.memory_space<hbm>> -> memref<80x128xi32, #tpu.memory_space<hbm>>
      tpu.enqueue_dma source(%dma_start3A_56 : memref<80x128xi32, #tpu.memory_space<hbm>>) target(%arg6 : memref<80x128xi32, #tpu.memory_space<vmem>>) target_semaphore(%run_scoped3A : memref<!tpu.dma_semaphore, #tpu.memory_space<semaphore_mem>>)
      %dma_wait3A_57 = arith.constant 0 : i32
      %dma_wait3A_58 = arith.constant 0 : i32
      %dma_wait3A_59 = tpu.memref_slice %arg3[%add3A, %dma_wait3A_57, %dma_wait3A_58] : memref<32x80x128xi32, #tpu.memory_space<hbm>> -> memref<1x80x128xi32, #tpu.memory_space<hbm>>
      %dma_wait3A_60 = tpu.memref_squeeze %dma_wait3A_59 : memref<1x80x128xi32, #tpu.memory_space<hbm>> -> memref<80x128xi32, #tpu.memory_space<hbm>>
      %dma_wait3A_61 = arith.constant 0 : i32
      %dma_wait3A_62 = arith.constant 0 : i32
      %dma_wait3A_63 = tpu.memref_slice %arg3[%add3A, %dma_wait3A_61, %dma_wait3A_62] : memref<32x80x128xi32, #tpu.memory_space<hbm>> -> memref<1x80x128xi32, #tpu.memory_space<hbm>>
      %dma_wait3A_64 = tpu.memref_squeeze %dma_wait3A_63 : memref<1x80x128xi32, #tpu.memory_space<hbm>> -> memref<80x128xi32, #tpu.memory_space<hbm>>
      tpu.wait_dma2 semaphore(%run_scoped3A : memref<!tpu.dma_semaphore, #tpu.memory_space<semaphore_mem>>) src(%dma_wait3A_64 : memref<80x128xi32, #tpu.memory_space<hbm>>) dst(%arg6 : memref<80x128xi32, #tpu.memory_space<vmem>>)
      tpu.yield
    }) : () -> ()
    %scan3A = arith.constant 0 : i32
    %scan3A_3 = arith.constant 0 : i32
    %scan3A_4 = arith.constant 128 : i32
    %scan3A_5 = arith.addi %scan3A_3, %scan3A_4 : i32
    %scan3A_6 = arith.constant 1 : i32
    scf.for %scan3A_49 = %scan3A_3 to %scan3A_5 step %scan3A_6  : i32 {
      %scan3A_50 = arith.constant 0 : i32
      %scan3A_51 = arith.constant 8 : i32
      %scan3A_52 = arith.addi %scan3A_50, %scan3A_51 : i32
      %scan3A_53 = arith.constant 1 : i32
      scf.for %scan3A_55 = %scan3A_50 to %scan3A_52 step %scan3A_53  : i32 {
        %broadcast_in_dim3A = arith.constant 0.000000e+00 : f32
        %broadcast_in_dim3A_56 = vector.broadcast %broadcast_in_dim3A : f32 to vector<16xf32>
        %mul3A_57 = arith.constant 16 : i32
        %mul3A_58 = arith.muli %scan3A_55, %mul3A_57 : i32
        %swap3A = arith.index_cast %scan3A_49 : i32 to index
        %swap3A_59 = arith.index_cast %mul3A_58 : i32 to index
        %swap3A_60 = tpu.vector_load %arg9[%swap3A, %swap3A_59] {strides = array<i32>} : memref<128x128xf32, #tpu.memory_space<vmem>>, vector<1x16xf32>,
        %swap3A_61 = vector.shape_cast %swap3A_60 : vector<1x16xf32> to vector<16xf32>
        %swap3A_62 = vector.shape_cast %broadcast_in_dim3A_56 : vector<16xf32> to vector<1x16xf32>
        tpu.vector_store %arg9[%swap3A, %swap3A_59], %swap3A_62 {strides = array<i32>} : memref<128x128xf32, #tpu.memory_space<vmem>>, vector<1x16xf32>,
      }
      %scan3A_54 = arith.constant 8 : i32
    }
    %scan3A_7 = arith.constant 128 : i32
    %scan3A_8 = arith.constant 0 : i32
    %scan3A_9 = arith.constant 0 : i32
    %scan3A_10 = arith.constant 4 : i32
    %scan3A_11 = arith.addi %scan3A_9, %scan3A_10 : i32
    %scan3A_12 = arith.constant 1 : i32
    scf.for %scan3A_49 = %scan3A_9 to %scan3A_11 step %scan3A_12  : i32 {
      %mul3A_50 = arith.constant 624 : i32
      %mul3A_51 = arith.muli %arg1, %mul3A_50 : i32
      %mul3A_52 = arith.constant 128 : i32
      %mul3A_53 = arith.muli %scan3A_49, %mul3A_52 : i32
      %add3A_54 = arith.addi %mul3A_51, %mul3A_53 : i32
      "tpu.region"() ({
        %run_scoped3A = tpu.sem_alloc : memref<!tpu.dma_semaphore, #tpu.memory_space<semaphore_mem>>
        %dma_start3A_55 = arith.constant 0 : i32
        %dma_start3A_56 = tpu.memref_slice %arg11[%add3A_54, %dma_start3A_55] : memref<10128x128xf32, #tpu.memory_space<vmem_shared>> -> memref<128x128xf32, #tpu.memory_space<vmem_shared>>
        %dma_start3A_57 = arith.constant 0 : i32
        %dma_start3A_58 = tpu.memref_slice %arg11[%add3A_54, %dma_start3A_57] : memref<10128x128xf32, #tpu.memory_space<vmem_shared>> -> memref<128x128xf32, #tpu.memory_space<vmem_shared>>
        tpu.enqueue_dma source(%arg9 : memref<128x128xf32, #tpu.memory_space<vmem>>) target(%dma_start3A_58 : memref<128x128xf32, #tpu.memory_space<vmem_shared>>) target_semaphore(%run_scoped3A : memref<!tpu.dma_semaphore, #tpu.memory_space<semaphore_mem>>)
        %dma_wait3A_59 = arith.constant 0 : i32
        %dma_wait3A_60 = tpu.memref_slice %arg11[%add3A_54, %dma_wait3A_59] : memref<10128x128xf32, #tpu.memory_space<vmem_shared>> -> memref<128x128xf32, #tpu.memory_space<vmem_shared>>
        %dma_wait3A_61 = arith.constant 0 : i32
        %dma_wait3A_62 = tpu.memref_slice %arg11[%add3A_54, %dma_wait3A_61] : memref<10128x128xf32, #tpu.memory_space<vmem_shared>> -> memref<128x128xf32, #tpu.memory_space<vmem_shared>>
        tpu.wait_dma2 semaphore(%run_scoped3A : memref<!tpu.dma_semaphore, #tpu.memory_space<semaphore_mem>>) src(%arg9 : memref<128x128xf32, #tpu.memory_space<vmem>>) dst(%dma_wait3A_62 : memref<128x128xf32, #tpu.memory_space<vmem_shared>>)
        tpu.yield
      }) : () -> ()
    }
    %scan3A_13 = arith.constant 4 : i32
    %lt3A = arith.constant 15 : i32
    %lt3A_14 = arith.cmpi slt, %arg1, %lt3A : i32
    %convert_element_type3A = arith.extui %lt3A_14 : i1 to i32
    %cond3A = arith.constant 0 : i32
    %cond3A_15 = arith.cmpi ne, %convert_element_type3A, %cond3A : i32
    scf.if %cond3A_15 {
      %mul3A_49 = arith.constant 624 : i32
      %mul3A_50 = arith.muli %arg1, %mul3A_49 : i32
      %add3A_51 = arith.constant 512 : i32
      %add3A_52 = arith.addi %mul3A_50, %add3A_51 : i32
      "tpu.region"() ({
        %run_scoped3A = tpu.sem_alloc : memref<!tpu.dma_semaphore, #tpu.memory_space<semaphore_mem>>
        %dma_start3A_53 = arith.constant 0 : i32
        %dma_start3A_54 = arith.constant 0 : i32
        %dma_start3A_55 = tpu.memref_slice %arg9[%dma_start3A_53, %dma_start3A_54] : memref<128x128xf32, #tpu.memory_space<vmem>> -> memref<112x128xf32, #tpu.memory_space<vmem>>
        %dma_start3A_56 = arith.constant 0 : i32
        %dma_start3A_57 = tpu.memref_slice %arg11[%add3A_52, %dma_start3A_56] : memref<10128x128xf32, #tpu.memory_space<vmem_shared>> -> memref<112x128xf32, #tpu.memory_space<vmem_shared>>
        %dma_start3A_58 = arith.constant 0 : i32
        %dma_start3A_59 = tpu.memref_slice %arg11[%add3A_52, %dma_start3A_58] : memref<10128x128xf32, #tpu.memory_space<vmem_shared>> -> memref<112x128xf32, #tpu.memory_space<vmem_shared>>
        %dma_start3A_60 = arith.constant 0 : i32
        %dma_start3A_61 = arith.constant 0 : i32
        %dma_start3A_62 = tpu.memref_slice %arg9[%dma_start3A_60, %dma_start3A_61] : memref<128x128xf32, #tpu.memory_space<vmem>> -> memref<112x128xf32, #tpu.memory_space<vmem>>
        tpu.enqueue_dma source(%dma_start3A_62 : memref<112x128xf32, #tpu.memory_space<vmem>>) target(%dma_start3A_59 : memref<112x128xf32, #tpu.memory_space<vmem_shared>>) target_semaphore(%run_scoped3A : memref<!tpu.dma_semaphore, #tpu.memory_space<semaphore_mem>>)
        %dma_wait3A_63 = arith.constant 0 : i32
        %dma_wait3A_64 = arith.constant 0 : i32
        %dma_wait3A_65 = tpu.memref_slice %arg9[%dma_wait3A_63, %dma_wait3A_64] : memref<128x128xf32, #tpu.memory_space<vmem>> -> memref<112x128xf32, #tpu.memory_space<vmem>>
        %dma_wait3A_66 = arith.constant 0 : i32
        %dma_wait3A_67 = tpu.memref_slice %arg11[%add3A_52, %dma_wait3A_66] : memref<10128x128xf32, #tpu.memory_space<vmem_shared>> -> memref<112x128xf32, #tpu.memory_space<vmem_shared>>
        %dma_wait3A_68 = arith.constant 0 : i32
        %dma_wait3A_69 = tpu.memref_slice %arg11[%add3A_52, %dma_wait3A_68] : memref<10128x128xf32, #tpu.memory_space<vmem_shared>> -> memref<112x128xf32, #tpu.memory_space<vmem_shared>>
        %dma_wait3A_70 = arith.constant 0 : i32
        %dma_wait3A_71 = arith.constant 0 : i32
        %dma_wait3A_72 = tpu.memref_slice %arg9[%dma_wait3A_70, %dma_wait3A_71] : memref<128x128xf32, #tpu.memory_space<vmem>> -> memref<112x128xf32, #tpu.memory_space<vmem>>
        tpu.wait_dma2 semaphore(%run_scoped3A : memref<!tpu.dma_semaphore, #tpu.memory_space<semaphore_mem>>) src(%dma_wait3A_72 : memref<112x128xf32, #tpu.memory_space<vmem>>) dst(%dma_wait3A_69 : memref<112x128xf32, #tpu.memory_space<vmem_shared>>)
        tpu.yield
      }) : () -> ()
    } else {
    }
    %eq3A = arith.constant 15 : i32
    %eq3A_16 = arith.cmpi eq, %arg1, %eq3A : i32
    %convert_element_type3A_17 = arith.extui %eq3A_16 : i1 to i32
    %cond3A_18 = arith.constant 0 : i32
    %cond3A_19 = arith.cmpi ne, %convert_element_type3A_17, %cond3A_18 : i32
    scf.if %cond3A_19 {
      "tpu.region"() ({
        %run_scoped3A = tpu.sem_alloc : memref<!tpu.dma_semaphore, #tpu.memory_space<semaphore_mem>>
        %dma_start3A_49 = arith.constant 9872 : i32
        %dma_start3A_50 = arith.constant 0 : i32
        %dma_start3A_51 = tpu.memref_slice %arg11[%dma_start3A_49, %dma_start3A_50] : memref<10128x128xf32, #tpu.memory_space<vmem_shared>> -> memref<128x128xf32, #tpu.memory_space<vmem_shared>>
        %dma_start3A_52 = arith.constant 9872 : i32
        %dma_start3A_53 = arith.constant 0 : i32
        %dma_start3A_54 = tpu.memref_slice %arg11[%dma_start3A_52, %dma_start3A_53] : memref<10128x128xf32, #tpu.memory_space<vmem_shared>> -> memref<128x128xf32, #tpu.memory_space<vmem_shared>>
        tpu.enqueue_dma source(%arg9 : memref<128x128xf32, #tpu.memory_space<vmem>>) target(%dma_start3A_54 : memref<128x128xf32, #tpu.memory_space<vmem_shared>>) target_semaphore(%run_scoped3A : memref<!tpu.dma_semaphore, #tpu.memory_space<semaphore_mem>>)
        %dma_wait3A_55 = arith.constant 9872 : i32
        %dma_wait3A_56 = arith.constant 0 : i32
        %dma_wait3A_57 = tpu.memref_slice %arg11[%dma_wait3A_55, %dma_wait3A_56] : memref<10128x128xf32, #tpu.memory_space<vmem_shared>> -> memref<128x128xf32, #tpu.memory_space<vmem_shared>>
        %dma_wait3A_58 = arith.constant 9872 : i32
        %dma_wait3A_59 = arith.constant 0 : i32
        %dma_wait3A_60 = tpu.memref_slice %arg11[%dma_wait3A_58, %dma_wait3A_59] : memref<10128x128xf32, #tpu.memory_space<vmem_shared>> -> memref<128x128xf32, #tpu.memory_space<vmem_shared>>
        tpu.wait_dma2 semaphore(%run_scoped3A : memref<!tpu.dma_semaphore, #tpu.memory_space<semaphore_mem>>) src(%arg9 : memref<128x128xf32, #tpu.memory_space<vmem>>) dst(%dma_wait3A_60 : memref<128x128xf32, #tpu.memory_space<vmem_shared>>)
        tpu.yield
      }) : () -> ()
    } else {
    }
    %barrier3A = arith.constant 0 : index
    tpu.barrier barrier_id(%barrier3A)
    %dma_start3A = arith.constant 0 : i32
    %dma_start3A_20 = arith.constant 0 : i32
    %dma_start3A_21 = tpu.memref_slice %arg6[%dma_start3A, %dma_start3A_20] : memref<80x128xi32, #tpu.memory_space<vmem>> -> memref<1x128xi32, #tpu.memory_space<vmem>>
    %dma_start3A_22 = tpu.memref_squeeze %dma_start3A_21 : memref<1x128xi32, #tpu.memory_space<vmem>> -> memref<128xi32, #tpu.memory_space<vmem>>
    %dma_start3A_23 = arith.constant 0 : i32
    %dma_start3A_24 = arith.constant 0 : i32
    %dma_start3A_25 = tpu.memref_slice %arg2[%dma_start3A_23, %dma_start3A_24] : memref<10000x128xf32, #tpu.memory_space<hbm>> -> memref<10000x128xf32, #tpu.memory_space<hbm>>
    tpu.enqueue_indirect_dma source(%dma_start3A_25 : memref<10000x128xf32, #tpu.memory_space<hbm>>) target(%arg9 : memref<128x128xf32, #tpu.memory_space<vmem>>) offsets(%dma_start3A_22 : memref<128xi32, #tpu.memory_space<vmem>>) semaphore(%arg12 : memref<!tpu.dma_semaphore, #tpu.memory_space<semaphore_mem>>)
    %add3A_26 = arith.constant 0 : i32
    %add3A_27 = arith.addi %mul3A_2, %add3A_26 : i32
    %dma_start3A_28 = tpu.memref_slice %arg4[%add3A_27] : memref<327680xi32, #tpu.memory_space<hbm>> -> memref<128xi32, #tpu.memory_space<hbm>>
    %dma_start3A_29 = tpu.memref_slice %arg4[%add3A_27] : memref<327680xi32, #tpu.memory_space<hbm>> -> memref<128xi32, #tpu.memory_space<hbm>>
    tpu.enqueue_dma source(%dma_start3A_29 : memref<128xi32, #tpu.memory_space<hbm>>) target(%arg7 : memref<128xi32, #tpu.memory_space<vmem>>) target_semaphore(%arg12 : memref<!tpu.dma_semaphore, #tpu.memory_space<semaphore_mem>>)
    %scan3A_30 = arith.constant 0 : i32
    %scan3A_31 = arith.constant 0 : i32
    %scan3A_32 = arith.constant 40 : i32
    %scan3A_33 = arith.addi %scan3A_31, %scan3A_32 : i32
    %scan3A_34 = arith.constant 1 : i32
    scf.for %scan3A_49 = %scan3A_31 to %scan3A_33 step %scan3A_34  : i32 {
      %mul3A_50 = arith.constant 2 : i32
      %mul3A_51 = arith.muli %mul3A_50, %scan3A_49 : i32
      %dma_wait3A_52 = arith.constant 0 : i32
      %dma_wait3A_53 = tpu.memref_slice %arg6[%mul3A_51, %dma_wait3A_52] : memref<80x128xi32, #tpu.memory_space<vmem>> -> memref<1x128xi32, #tpu.memory_space<vmem>>
      %dma_wait3A_54 = tpu.memref_squeeze %dma_wait3A_53 : memref<1x128xi32, #tpu.memory_space<vmem>> -> memref<128xi32, #tpu.memory_space<vmem>>
      %dma_wait3A_55 = arith.constant 0 : i32
      %dma_wait3A_56 = arith.constant 0 : i32
      %dma_wait3A_57 = tpu.memref_slice %arg2[%dma_wait3A_55, %dma_wait3A_56] : memref<10000x128xf32, #tpu.memory_space<hbm>> -> memref<10000x128xf32, #tpu.memory_space<hbm>>
      tpu.wait_indirect_dma semaphore(%arg12 : memref<!tpu.dma_semaphore, #tpu.memory_space<semaphore_mem>>) src(%dma_wait3A_57 : memref<10000x128xf32, #tpu.memory_space<hbm>>) dst(%arg9 : memref<128x128xf32, #tpu.memory_space<vmem>>)
      %mul3A_58 = arith.constant 128 : i32
      %mul3A_59 = arith.muli %mul3A_51, %mul3A_58 : i32
      %add3A_60 = arith.addi %mul3A_2, %mul3A_59 : i32
      %dma_wait3A_61 = tpu.memref_slice %arg4[%add3A_60] : memref<327680xi32, #tpu.memory_space<hbm>> -> memref<128xi32, #tpu.memory_space<hbm>>
      %dma_wait3A_62 = tpu.memref_slice %arg4[%add3A_60] : memref<327680xi32, #tpu.memory_space<hbm>> -> memref<128xi32, #tpu.memory_space<hbm>>
      tpu.wait_dma2 semaphore(%arg12 : memref<!tpu.dma_semaphore, #tpu.memory_space<semaphore_mem>>) src(%dma_wait3A_62 : memref<128xi32, #tpu.memory_space<hbm>>) dst(%arg7 : memref<128xi32, #tpu.memory_space<vmem>>)
      %gt3A = arith.constant 0 : i32
      %gt3A_63 = arith.cmpi sgt, %scan3A_49, %gt3A : i32
      %convert_element_type3A_64 = arith.extui %gt3A_63 : i1 to i32
      %cond3A_65 = arith.constant 0 : i32
      %cond3A_66 = arith.cmpi ne, %convert_element_type3A_64, %cond3A_65 : i32
      scf.if %cond3A_66 {
        %dma_wait3A_107 = arith.constant 0 : i32
        %dma_wait3A_108 = arith.constant 0 : i32
        %dma_wait3A_109 = tpu.memref_slice %arg11[%dma_wait3A_107, %dma_wait3A_108] : memref<10128x128xf32, #tpu.memory_space<vmem_shared>> -> memref<10128x128xf32, #tpu.memory_space<vmem_shared>>
        tpu.wait_indirect_dma semaphore(%arg15 : memref<!tpu.dma_semaphore, #tpu.memory_space<semaphore_mem>>) src(%arg10 : memref<128x128xf32, #tpu.memory_space<vmem>>) dst(%dma_wait3A_109 : memref<10128x128xf32, #tpu.memory_space<vmem_shared>>)
      } else {
      }
      %add3A_67 = arith.constant 1 : i32
      %add3A_68 = arith.addi %mul3A_51, %add3A_67 : i32
      %dma_start3A_69 = arith.constant 0 : i32
      %dma_start3A_70 = tpu.memref_slice %arg6[%add3A_68, %dma_start3A_69] : memref<80x128xi32, #tpu.memory_space<vmem>> -> memref<1x128xi32, #tpu.memory_space<vmem>>
      %dma_start3A_71 = tpu.memref_squeeze %dma_start3A_70 : memref<1x128xi32, #tpu.memory_space<vmem>> -> memref<128xi32, #tpu.memory_space<vmem>>
      %dma_start3A_72 = arith.constant 0 : i32
      %dma_start3A_73 = arith.constant 0 : i32
      %dma_start3A_74 = tpu.memref_slice %arg2[%dma_start3A_72, %dma_start3A_73] : memref<10000x128xf32, #tpu.memory_space<hbm>> -> memref<10000x128xf32, #tpu.memory_space<hbm>>
      tpu.enqueue_indirect_dma source(%dma_start3A_74 : memref<10000x128xf32, #tpu.memory_space<hbm>>) target(%arg10 : memref<128x128xf32, #tpu.memory_space<vmem>>) offsets(%dma_start3A_71 : memref<128xi32, #tpu.memory_space<vmem>>) semaphore(%arg13 : memref<!tpu.dma_semaphore, #tpu.memory_space<semaphore_mem>>)
      %mul3A_75 = arith.constant 128 : i32
      %mul3A_76 = arith.muli %add3A_68, %mul3A_75 : i32
      %add3A_77 = arith.addi %mul3A_2, %mul3A_76 : i32
      %dma_start3A_78 = tpu.memref_slice %arg4[%add3A_77] : memref<327680xi32, #tpu.memory_space<hbm>> -> memref<128xi32, #tpu.memory_space<hbm>>
      %dma_start3A_79 = tpu.memref_slice %arg4[%add3A_77] : memref<327680xi32, #tpu.memory_space<hbm>> -> memref<128xi32, #tpu.memory_space<hbm>>
      tpu.enqueue_dma source(%dma_start3A_79 : memref<128xi32, #tpu.memory_space<hbm>>) target(%arg8 : memref<128xi32, #tpu.memory_space<vmem>>) target_semaphore(%arg13 : memref<!tpu.dma_semaphore, #tpu.memory_space<semaphore_mem>>)
      %dma_start3A_80 = arith.constant 0 : i32
      %dma_start3A_81 = arith.constant 0 : i32
      %dma_start3A_82 = tpu.memref_slice %arg11[%dma_start3A_80, %dma_start3A_81] : memref<10128x128xf32, #tpu.memory_space<vmem_shared>> -> memref<10128x128xf32, #tpu.memory_space<vmem_shared>>
      tpu.enqueue_indirect_dma source(%arg9 : memref<128x128xf32, #tpu.memory_space<vmem>>) target(%dma_start3A_82 : memref<10128x128xf32, #tpu.memory_space<vmem_shared>>) offsets(%arg7 : memref<128xi32, #tpu.memory_space<vmem>>) semaphore(%arg14 : memref<!tpu.dma_semaphore, #tpu.memory_space<semaphore_mem>>) {add = true}
      %add3A_83 = arith.constant 1 : i32
      %add3A_84 = arith.addi %mul3A_51, %add3A_83 : i32
      %dma_wait3A_85 = arith.constant 0 : i32
      %dma_wait3A_86 = tpu.memref_slice %arg6[%add3A_84, %dma_wait3A_85] : memref<80x128xi32, #tpu.memory_space<vmem>> -> memref<1x128xi32, #tpu.memory_space<vmem>>
      %dma_wait3A_87 = tpu.memref_squeeze %dma_wait3A_86 : memref<1x128xi32, #tpu.memory_space<vmem>> -> memref<128xi32, #tpu.memory_space<vmem>>
      %dma_wait3A_88 = arith.constant 0 : i32
      %dma_wait3A_89 = arith.constant 0 : i32
      %dma_wait3A_90 = tpu.memref_slice %arg2[%dma_wait3A_88, %dma_wait3A_89] : memref<10000x128xf32, #tpu.memory_space<hbm>> -> memref<10000x128xf32, #tpu.memory_space<hbm>>
      tpu.wait_indirect_dma semaphore(%arg13 : memref<!tpu.dma_semaphore, #tpu.memory_space<semaphore_mem>>) src(%dma_wait3A_90 : memref<10000x128xf32, #tpu.memory_space<hbm>>) dst(%arg10 : memref<128x128xf32, #tpu.memory_space<vmem>>)
      %mul3A_91 = arith.constant 128 : i32
      %mul3A_92 = arith.muli %add3A_84, %mul3A_91 : i32
      %add3A_93 = arith.addi %mul3A_2, %mul3A_92 : i32
      %dma_wait3A_94 = tpu.memref_slice %arg4[%add3A_93] : memref<327680xi32, #tpu.memory_space<hbm>> -> memref<128xi32, #tpu.memory_space<hbm>>
      %dma_wait3A_95 = tpu.memref_slice %arg4[%add3A_93] : memref<327680xi32, #tpu.memory_space<hbm>> -> memref<128xi32, #tpu.memory_space<hbm>>
      tpu.wait_dma2 semaphore(%arg13 : memref<!tpu.dma_semaphore, #tpu.memory_space<semaphore_mem>>) src(%dma_wait3A_95 : memref<128xi32, #tpu.memory_space<hbm>>) dst(%arg8 : memref<128xi32, #tpu.memory_space<vmem>>)
      %dma_wait3A_96 = arith.constant 0 : i32
      %dma_wait3A_97 = arith.constant 0 : i32
      %dma_wait3A_98 = tpu.memref_slice %arg11[%dma_wait3A_96, %dma_wait3A_97] : memref<10128x128xf32, #tpu.memory_space<vmem_shared>> -> memref<10128x128xf32, #tpu.memory_space<vmem_shared>>
      tpu.wait_indirect_dma semaphore(%arg14 : memref<!tpu.dma_semaphore, #tpu.memory_space<semaphore_mem>>) src(%arg9 : memref<128x128xf32, #tpu.memory_space<vmem>>) dst(%dma_wait3A_98 : memref<10128x128xf32, #tpu.memory_space<vmem_shared>>)
      %lt3A_99 = arith.constant 39 : i32
      %lt3A_100 = arith.cmpi slt, %scan3A_49, %lt3A_99 : i32
      %convert_element_type3A_101 = arith.extui %lt3A_100 : i1 to i32
      %cond3A_102 = arith.constant 0 : i32
      %cond3A_103 = arith.cmpi ne, %convert_element_type3A_101, %cond3A_102 : i32
      scf.if %cond3A_103 {
        %add3A_107 = arith.constant 2 : i32
        %add3A_108 = arith.addi %mul3A_51, %add3A_107 : i32
        %dma_start3A_109 = arith.constant 0 : i32
        %dma_start3A_110 = tpu.memref_slice %arg6[%add3A_108, %dma_start3A_109] : memref<80x128xi32, #tpu.memory_space<vmem>> -> memref<1x128xi32, #tpu.memory_space<vmem>>
        %dma_start3A_111 = tpu.memref_squeeze %dma_start3A_110 : memref<1x128xi32, #tpu.memory_space<vmem>> -> memref<128xi32, #tpu.memory_space<vmem>>
        %dma_start3A_112 = arith.constant 0 : i32
        %dma_start3A_113 = arith.constant 0 : i32
        %dma_start3A_114 = tpu.memref_slice %arg2[%dma_start3A_112, %dma_start3A_113] : memref<10000x128xf32, #tpu.memory_space<hbm>> -> memref<10000x128xf32, #tpu.memory_space<hbm>>
        tpu.enqueue_indirect_dma source(%dma_start3A_114 : memref<10000x128xf32, #tpu.memory_space<hbm>>) target(%arg9 : memref<128x128xf32, #tpu.memory_space<vmem>>) offsets(%dma_start3A_111 : memref<128xi32, #tpu.memory_space<vmem>>) semaphore(%arg12 : memref<!tpu.dma_semaphore, #tpu.memory_space<semaphore_mem>>)
        %mul3A_115 = arith.constant 128 : i32
        %mul3A_116 = arith.muli %add3A_108, %mul3A_115 : i32
        %add3A_117 = arith.addi %mul3A_2, %mul3A_116 : i32
        %dma_start3A_118 = tpu.memref_slice %arg4[%add3A_117] : memref<327680xi32, #tpu.memory_space<hbm>> -> memref<128xi32, #tpu.memory_space<hbm>>
        %dma_start3A_119 = tpu.memref_slice %arg4[%add3A_117] : memref<327680xi32, #tpu.memory_space<hbm>> -> memref<128xi32, #tpu.memory_space<hbm>>
        tpu.enqueue_dma source(%dma_start3A_119 : memref<128xi32, #tpu.memory_space<hbm>>) target(%arg7 : memref<128xi32, #tpu.memory_space<vmem>>) target_semaphore(%arg12 : memref<!tpu.dma_semaphore, #tpu.memory_space<semaphore_mem>>)
      } else {
      }
      %dma_start3A_104 = arith.constant 0 : i32
      %dma_start3A_105 = arith.constant 0 : i32
      %dma_start3A_106 = tpu.memref_slice %arg11[%dma_start3A_104, %dma_start3A_105] : memref<10128x128xf32, #tpu.memory_space<vmem_shared>> -> memref<10128x128xf32, #tpu.memory_space<vmem_shared>>
      tpu.enqueue_indirect_dma source(%arg10 : memref<128x128xf32, #tpu.memory_space<vmem>>) target(%dma_start3A_106 : memref<10128x128xf32, #tpu.memory_space<vmem_shared>>) offsets(%arg8 : memref<128xi32, #tpu.memory_space<vmem>>) semaphore(%arg15 : memref<!tpu.dma_semaphore, #tpu.memory_space<semaphore_mem>>) {add = true}
    }
    %scan3A_35 = arith.constant 40 : i32
    %dma_wait3A = arith.constant 0 : i32
    %dma_wait3A_36 = arith.constant 0 : i32
    %dma_wait3A_37 = tpu.memref_slice %arg11[%dma_wait3A, %dma_wait3A_36] : memref<10128x128xf32, #tpu.memory_space<vmem_shared>> -> memref<10128x128xf32, #tpu.memory_space<vmem_shared>>
    tpu.wait_indirect_dma semaphore(%arg15 : memref<!tpu.dma_semaphore, #tpu.memory_space<semaphore_mem>>) src(%arg10 : memref<128x128xf32, #tpu.memory_space<vmem>>) dst(%dma_wait3A_37 : memref<10128x128xf32, #tpu.memory_space<vmem_shared>>)
    %barrier3A_38 = arith.constant 0 : index
    tpu.barrier barrier_id(%barrier3A_38)
    %lt3A_39 = arith.constant 15 : i32
    %lt3A_40 = arith.cmpi slt, %arg1, %lt3A_39 : i32
    %convert_element_type3A_41 = arith.extui %lt3A_40 : i1 to i32
    %cond3A_42 = arith.constant 0 : i32
    %cond3A_43 = arith.cmpi ne, %convert_element_type3A_41, %cond3A_42 : i32
    scf.if %cond3A_43 {
      %mul3A_49 = arith.constant 624 : i32
      %mul3A_50 = arith.muli %arg1, %mul3A_49 : i32
      %mul3A_51 = arith.constant 10000 : i32
      %mul3A_52 = arith.muli %arg0, %mul3A_51 : i32
      %mul3A_53 = arith.constant 624 : i32
      %mul3A_54 = arith.muli %arg1, %mul3A_53 : i32
      %add3A_55 = arith.addi %mul3A_52, %mul3A_54 : i32
      "tpu.region"() ({
        %run_scoped3A = tpu.sem_alloc : memref<!tpu.dma_semaphore, #tpu.memory_space<semaphore_mem>>
        %dma_start3A_56 = arith.constant 0 : i32
        %dma_start3A_57 = tpu.memref_slice %arg5[%add3A_55, %dma_start3A_56] : memref<20000x128xf32, #tpu.memory_space<hbm>> -> memref<624x128xf32, #tpu.memory_space<hbm>>
        %dma_start3A_58 = arith.constant 0 : i32
        %dma_start3A_59 = tpu.memref_slice %arg11[%mul3A_50, %dma_start3A_58] : memref<10128x128xf32, #tpu.memory_space<vmem_shared>> -> memref<624x128xf32, #tpu.memory_space<vmem_shared>>
        tpu.enqueue_dma source(%dma_start3A_59 : memref<624x128xf32, #tpu.memory_space<vmem_shared>>) target(%dma_start3A_57 : memref<624x128xf32, #tpu.memory_space<hbm>>) target_semaphore(%run_scoped3A : memref<!tpu.dma_semaphore, #tpu.memory_space<semaphore_mem>>)
        %dma_wait3A_60 = arith.constant 0 : i32
        %dma_wait3A_61 = tpu.memref_slice %arg5[%add3A_55, %dma_wait3A_60] : memref<20000x128xf32, #tpu.memory_space<hbm>> -> memref<624x128xf32, #tpu.memory_space<hbm>>
        %dma_wait3A_62 = arith.constant 0 : i32
        %dma_wait3A_63 = tpu.memref_slice %arg11[%mul3A_50, %dma_wait3A_62] : memref<10128x128xf32, #tpu.memory_space<vmem_shared>> -> memref<624x128xf32, #tpu.memory_space<vmem_shared>>
        tpu.wait_dma2 semaphore(%run_scoped3A : memref<!tpu.dma_semaphore, #tpu.memory_space<semaphore_mem>>) src(%dma_wait3A_63 : memref<624x128xf32, #tpu.memory_space<vmem_shared>>) dst(%dma_wait3A_61 : memref<624x128xf32, #tpu.memory_space<hbm>>)
        tpu.yield
      }) : () -> ()
    } else {
    }
    %eq3A_44 = arith.constant 15 : i32
    %eq3A_45 = arith.cmpi eq, %arg1, %eq3A_44 : i32
    %convert_element_type3A_46 = arith.extui %eq3A_45 : i1 to i32
    %cond3A_47 = arith.constant 0 : i32
    %cond3A_48 = arith.cmpi ne, %convert_element_type3A_46, %cond3A_47 : i32
    scf.if %cond3A_48 {
      %mul3A_49 = arith.constant 10000 : i32
      %mul3A_50 = arith.muli %arg0, %mul3A_49 : i32
      %add3A_51 = arith.constant 9360 : i32
      %add3A_52 = arith.addi %mul3A_50, %add3A_51 : i32
      "tpu.region"() ({
        %run_scoped3A = tpu.sem_alloc : memref<!tpu.dma_semaphore, #tpu.memory_space<semaphore_mem>>
        %dma_start3A_53 = arith.constant 0 : i32
        %dma_start3A_54 = tpu.memref_slice %arg5[%add3A_52, %dma_start3A_53] : memref<20000x128xf32, #tpu.memory_space<hbm>> -> memref<640x128xf32, #tpu.memory_space<hbm>>
        %dma_start3A_55 = arith.constant 9360 : i32
        %dma_start3A_56 = arith.constant 0 : i32
        %dma_start3A_57 = tpu.memref_slice %arg11[%dma_start3A_55, %dma_start3A_56] : memref<10128x128xf32, #tpu.memory_space<vmem_shared>> -> memref<640x128xf32, #tpu.memory_space<vmem_shared>>
        tpu.enqueue_dma source(%dma_start3A_57 : memref<640x128xf32, #tpu.memory_space<vmem_shared>>) target(%dma_start3A_54 : memref<640x128xf32, #tpu.memory_space<hbm>>) target_semaphore(%run_scoped3A : memref<!tpu.dma_semaphore, #tpu.memory_space<semaphore_mem>>)
        %dma_wait3A_58 = arith.constant 0 : i32
        %dma_wait3A_59 = tpu.memref_slice %arg5[%add3A_52, %dma_wait3A_58] : memref<20000x128xf32, #tpu.memory_space<hbm>> -> memref<640x128xf32, #tpu.memory_space<hbm>>
        %dma_wait3A_60 = arith.constant 9360 : i32
        %dma_wait3A_61 = arith.constant 0 : i32
        %dma_wait3A_62 = tpu.memref_slice %arg11[%dma_wait3A_60, %dma_wait3A_61] : memref<10128x128xf32, #tpu.memory_space<vmem_shared>> -> memref<640x128xf32, #tpu.memory_space<vmem_shared>>
        tpu.wait_dma2 semaphore(%run_scoped3A : memref<!tpu.dma_semaphore, #tpu.memory_space<semaphore_mem>>) src(%dma_wait3A_62 : memref<640x128xf32, #tpu.memory_space<vmem_shared>>) dst(%dma_wait3A_59 : memref<640x128xf32, #tpu.memory_space<hbm>>)
        tpu.yield
      }) : () -> ()
    } else {
    }
    return
  }
}

#map = affine_map<(d0, d1) -> (0, 0)>
#map1 = affine_map<(d0, d1) -> (0, 0, 0)>
#map2 = affine_map<(d0, d1) -> (0)>
module attributes {stable_mosaic.version = 14 : i64} {
  func.func @_sc_edge_body(%arg0: i32, %arg1: i32, %arg2: memref<10000x128xf32, #tpu.memory_space<hbm>>, %arg3: memref<32x80x128xi32, #tpu.memory_space<hbm>>, %arg4: memref<327680xi32, #tpu.memory_space<hbm>>, %arg5: memref<20000x128xf32, #tpu.memory_space<hbm>>, %arg6: memref<80x128xi32, #tpu.memory_space<vmem>>, %arg7: memref<128xi32, #tpu.memory_space<vmem>>, %arg8: memref<128xi32, #tpu.memory_space<vmem>>, %arg9: memref<128x128xf32, #tpu.memory_space<vmem>>, %arg10: memref<128x128xf32, #tpu.memory_space<vmem>>, %arg11: memref<10128x128xf32, #tpu.memory_space<vmem_shared>>, %arg12: memref<!tpu.dma_semaphore, #tpu.memory_space<semaphore_mem>>, %arg13: memref<!tpu.dma_semaphore, #tpu.memory_space<semaphore_mem>>, %arg14: memref<!tpu.dma_semaphore, #tpu.memory_space<semaphore_mem>>, %arg15: memref<!tpu.dma_semaphore, #tpu.memory_space<semaphore_mem>>) attributes {dimension_semantics = [#tpu.dimension_semantics<core_parallel>, #tpu.dimension_semantics<subcore_parallel>], iteration_bounds = array<i64: 2, 16>, scalar_prefetch = 0 : i64, scratch_operands = 10 : i64, tpu.core_type = #tpu.core_type<sc_vector_subcore>, window_params = [{transform_indices = #map}, {transform_indices = #map1}, {transform_indices = #map2}, {transform_indices = #map}]} {
    %mul3A = arith.constant 16 : i32
    %mul3A_0 = arith.muli %arg0, %mul3A : i32
    %add3A = arith.addi %mul3A_0, %arg1 : i32
    %mul3A_1 = arith.constant 10240 : i32
    %mul3A_2 = arith.muli %add3A, %mul3A_1 : i32
    "tpu.region"() ({
      %run_scoped3A = tpu.sem_alloc : memref<!tpu.dma_semaphore, #tpu.memory_space<semaphore_mem>>
      %dma_start3A_49 = arith.constant 0 : i32
      %dma_start3A_50 = arith.constant 0 : i32
      %dma_start3A_51 = tpu.memref_slice %arg3[%add3A, %dma_start3A_49, %dma_start3A_50] : memref<32x80x128xi32, #tpu.memory_space<hbm>> -> memref<1x80x128xi32, #tpu.memory_space<hbm>>
      %dma_start3A_52 = tpu.memref_squeeze %dma_start3A_51 : memref<1x80x128xi32, #tpu.memory_space<hbm>> -> memref<80x128xi32, #tpu.memory_space<hbm>>
      %dma_start3A_53 = arith.constant 0 : i32
      %dma_start3A_54 = arith.constant 0 : i32
      %dma_start3A_55 = tpu.memref_slice %arg3[%add3A, %dma_start3A_53, %dma_start3A_54] : memref<32x80x128xi32, #tpu.memory_space<hbm>> -> memref<1x80x128xi32, #tpu.memory_space<hbm>>
      %dma_start3A_56 = tpu.memref_squeeze %dma_start3A_55 : memref<1x80x128xi32, #tpu.memory_space<hbm>> -> memref<80x128xi32, #tpu.memory_space<hbm>>
      tpu.enqueue_dma source(%dma_start3A_56 : memref<80x128xi32, #tpu.memory_space<hbm>>) target(%arg6 : memref<80x128xi32, #tpu.memory_space<vmem>>) target_semaphore(%run_scoped3A : memref<!tpu.dma_semaphore, #tpu.memory_space<semaphore_mem>>)
      %dma_wait3A_57 = arith.constant 0 : i32
      %dma_wait3A_58 = arith.constant 0 : i32
      %dma_wait3A_59 = tpu.memref_slice %arg3[%add3A, %dma_wait3A_57, %dma_wait3A_58] : memref<32x80x128xi32, #tpu.memory_space<hbm>> -> memref<1x80x128xi32, #tpu.memory_space<hbm>>
      %dma_wait3A_60 = tpu.memref_squeeze %dma_wait3A_59 : memref<1x80x128xi32, #tpu.memory_space<hbm>> -> memref<80x128xi32, #tpu.memory_space<hbm>>
      %dma_wait3A_61 = arith.constant 0 : i32
      %dma_wait3A_62 = arith.constant 0 : i32
      %dma_wait3A_63 = tpu.memref_slice %arg3[%add3A, %dma_wait3A_61, %dma_wait3A_62] : memref<32x80x128xi32, #tpu.memory_space<hbm>> -> memref<1x80x128xi32, #tpu.memory_space<hbm>>
      %dma_wait3A_64 = tpu.memref_squeeze %dma_wait3A_63 : memref<1x80x128xi32, #tpu.memory_space<hbm>> -> memref<80x128xi32, #tpu.memory_space<hbm>>
      tpu.wait_dma2 semaphore(%run_scoped3A : memref<!tpu.dma_semaphore, #tpu.memory_space<semaphore_mem>>) src(%dma_wait3A_64 : memref<80x128xi32, #tpu.memory_space<hbm>>) dst(%arg6 : memref<80x128xi32, #tpu.memory_space<vmem>>)
      tpu.yield
    }) : () -> ()
    %scan3A = arith.constant 0 : i32
    %scan3A_3 = arith.constant 0 : i32
    %scan3A_4 = arith.constant 128 : i32
    %scan3A_5 = arith.addi %scan3A_3, %scan3A_4 : i32
    %scan3A_6 = arith.constant 1 : i32
    scf.for %scan3A_49 = %scan3A_3 to %scan3A_5 step %scan3A_6  : i32 {
      %scan3A_50 = arith.constant 0 : i32
      %scan3A_51 = arith.constant 8 : i32
      %scan3A_52 = arith.addi %scan3A_50, %scan3A_51 : i32
      %scan3A_53 = arith.constant 1 : i32
      scf.for %scan3A_55 = %scan3A_50 to %scan3A_52 step %scan3A_53  : i32 {
        %broadcast_in_dim3A = arith.constant 0.000000e+00 : f32
        %broadcast_in_dim3A_56 = vector.broadcast %broadcast_in_dim3A : f32 to vector<16xf32>
        %mul3A_57 = arith.constant 16 : i32
        %mul3A_58 = arith.muli %scan3A_55, %mul3A_57 : i32
        %swap3A = arith.index_cast %scan3A_49 : i32 to index
        %swap3A_59 = arith.index_cast %mul3A_58 : i32 to index
        %swap3A_60 = tpu.vector_load %arg9[%swap3A, %swap3A_59] {strides = array<i32>} : memref<128x128xf32, #tpu.memory_space<vmem>>, vector<1x16xf32>,
        %swap3A_61 = vector.shape_cast %swap3A_60 : vector<1x16xf32> to vector<16xf32>
        %swap3A_62 = vector.shape_cast %broadcast_in_dim3A_56 : vector<16xf32> to vector<1x16xf32>
        tpu.vector_store %arg9[%swap3A, %swap3A_59], %swap3A_62 {strides = array<i32>} : memref<128x128xf32, #tpu.memory_space<vmem>>, vector<1x16xf32>,
      }
      %scan3A_54 = arith.constant 8 : i32
    }
    %scan3A_7 = arith.constant 128 : i32
    %scan3A_8 = arith.constant 0 : i32
    %scan3A_9 = arith.constant 0 : i32
    %scan3A_10 = arith.constant 4 : i32
    %scan3A_11 = arith.addi %scan3A_9, %scan3A_10 : i32
    %scan3A_12 = arith.constant 1 : i32
    scf.for %scan3A_49 = %scan3A_9 to %scan3A_11 step %scan3A_12  : i32 {
      %mul3A_50 = arith.constant 624 : i32
      %mul3A_51 = arith.muli %arg1, %mul3A_50 : i32
      %mul3A_52 = arith.constant 128 : i32
      %mul3A_53 = arith.muli %scan3A_49, %mul3A_52 : i32
      %add3A_54 = arith.addi %mul3A_51, %mul3A_53 : i32
      "tpu.region"() ({
        %run_scoped3A = tpu.sem_alloc : memref<!tpu.dma_semaphore, #tpu.memory_space<semaphore_mem>>
        %dma_start3A_55 = arith.constant 0 : i32
        %dma_start3A_56 = tpu.memref_slice %arg11[%add3A_54, %dma_start3A_55] : memref<10128x128xf32, #tpu.memory_space<vmem_shared>> -> memref<128x128xf32, #tpu.memory_space<vmem_shared>>
        %dma_start3A_57 = arith.constant 0 : i32
        %dma_start3A_58 = tpu.memref_slice %arg11[%add3A_54, %dma_start3A_57] : memref<10128x128xf32, #tpu.memory_space<vmem_shared>> -> memref<128x128xf32, #tpu.memory_space<vmem_shared>>
        tpu.enqueue_dma source(%arg9 : memref<128x128xf32, #tpu.memory_space<vmem>>) target(%dma_start3A_58 : memref<128x128xf32, #tpu.memory_space<vmem_shared>>) target_semaphore(%run_scoped3A : memref<!tpu.dma_semaphore, #tpu.memory_space<semaphore_mem>>)
        %dma_wait3A_59 = arith.constant 0 : i32
        %dma_wait3A_60 = tpu.memref_slice %arg11[%add3A_54, %dma_wait3A_59] : memref<10128x128xf32, #tpu.memory_space<vmem_shared>> -> memref<128x128xf32, #tpu.memory_space<vmem_shared>>
        %dma_wait3A_61 = arith.constant 0 : i32
        %dma_wait3A_62 = tpu.memref_slice %arg11[%add3A_54, %dma_wait3A_61] : memref<10128x128xf32, #tpu.memory_space<vmem_shared>> -> memref<128x128xf32, #tpu.memory_space<vmem_shared>>
        tpu.wait_dma2 semaphore(%run_scoped3A : memref<!tpu.dma_semaphore, #tpu.memory_space<semaphore_mem>>) src(%arg9 : memref<128x128xf32, #tpu.memory_space<vmem>>) dst(%dma_wait3A_62 : memref<128x128xf32, #tpu.memory_space<vmem_shared>>)
        tpu.yield
      }) : () -> ()
    }
    %scan3A_13 = arith.constant 4 : i32
    %lt3A = arith.constant 15 : i32
    %lt3A_14 = arith.cmpi slt, %arg1, %lt3A : i32
    %convert_element_type3A = arith.extui %lt3A_14 : i1 to i32
    %cond3A = arith.constant 0 : i32
    %cond3A_15 = arith.cmpi ne, %convert_element_type3A, %cond3A : i32
    scf.if %cond3A_15 {
      %mul3A_49 = arith.constant 624 : i32
      %mul3A_50 = arith.muli %arg1, %mul3A_49 : i32
      %add3A_51 = arith.constant 512 : i32
      %add3A_52 = arith.addi %mul3A_50, %add3A_51 : i32
      "tpu.region"() ({
        %run_scoped3A = tpu.sem_alloc : memref<!tpu.dma_semaphore, #tpu.memory_space<semaphore_mem>>
        %dma_start3A_53 = arith.constant 0 : i32
        %dma_start3A_54 = arith.constant 0 : i32
        %dma_start3A_55 = tpu.memref_slice %arg9[%dma_start3A_53, %dma_start3A_54] : memref<128x128xf32, #tpu.memory_space<vmem>> -> memref<112x128xf32, #tpu.memory_space<vmem>>
        %dma_start3A_56 = arith.constant 0 : i32
        %dma_start3A_57 = tpu.memref_slice %arg11[%add3A_52, %dma_start3A_56] : memref<10128x128xf32, #tpu.memory_space<vmem_shared>> -> memref<112x128xf32, #tpu.memory_space<vmem_shared>>
        %dma_start3A_58 = arith.constant 0 : i32
        %dma_start3A_59 = tpu.memref_slice %arg11[%add3A_52, %dma_start3A_58] : memref<10128x128xf32, #tpu.memory_space<vmem_shared>> -> memref<112x128xf32, #tpu.memory_space<vmem_shared>>
        %dma_start3A_60 = arith.constant 0 : i32
        %dma_start3A_61 = arith.constant 0 : i32
        %dma_start3A_62 = tpu.memref_slice %arg9[%dma_start3A_60, %dma_start3A_61] : memref<128x128xf32, #tpu.memory_space<vmem>> -> memref<112x128xf32, #tpu.memory_space<vmem>>
        tpu.enqueue_dma source(%dma_start3A_62 : memref<112x128xf32, #tpu.memory_space<vmem>>) target(%dma_start3A_59 : memref<112x128xf32, #tpu.memory_space<vmem_shared>>) target_semaphore(%run_scoped3A : memref<!tpu.dma_semaphore, #tpu.memory_space<semaphore_mem>>)
        %dma_wait3A_63 = arith.constant 0 : i32
        %dma_wait3A_64 = arith.constant 0 : i32
        %dma_wait3A_65 = tpu.memref_slice %arg9[%dma_wait3A_63, %dma_wait3A_64] : memref<128x128xf32, #tpu.memory_space<vmem>> -> memref<112x128xf32, #tpu.memory_space<vmem>>
        %dma_wait3A_66 = arith.constant 0 : i32
        %dma_wait3A_67 = tpu.memref_slice %arg11[%add3A_52, %dma_wait3A_66] : memref<10128x128xf32, #tpu.memory_space<vmem_shared>> -> memref<112x128xf32, #tpu.memory_space<vmem_shared>>
        %dma_wait3A_68 = arith.constant 0 : i32
        %dma_wait3A_69 = tpu.memref_slice %arg11[%add3A_52, %dma_wait3A_68] : memref<10128x128xf32, #tpu.memory_space<vmem_shared>> -> memref<112x128xf32, #tpu.memory_space<vmem_shared>>
        %dma_wait3A_70 = arith.constant 0 : i32
        %dma_wait3A_71 = arith.constant 0 : i32
        %dma_wait3A_72 = tpu.memref_slice %arg9[%dma_wait3A_70, %dma_wait3A_71] : memref<128x128xf32, #tpu.memory_space<vmem>> -> memref<112x128xf32, #tpu.memory_space<vmem>>
        tpu.wait_dma2 semaphore(%run_scoped3A : memref<!tpu.dma_semaphore, #tpu.memory_space<semaphore_mem>>) src(%dma_wait3A_72 : memref<112x128xf32, #tpu.memory_space<vmem>>) dst(%dma_wait3A_69 : memref<112x128xf32, #tpu.memory_space<vmem_shared>>)
        tpu.yield
      }) : () -> ()
    } else {
    }
    %eq3A = arith.constant 15 : i32
    %eq3A_16 = arith.cmpi eq, %arg1, %eq3A : i32
    %convert_element_type3A_17 = arith.extui %eq3A_16 : i1 to i32
    %cond3A_18 = arith.constant 0 : i32
    %cond3A_19 = arith.cmpi ne, %convert_element_type3A_17, %cond3A_18 : i32
    scf.if %cond3A_19 {
      "tpu.region"() ({
        %run_scoped3A = tpu.sem_alloc : memref<!tpu.dma_semaphore, #tpu.memory_space<semaphore_mem>>
        %dma_start3A_49 = arith.constant 9872 : i32
        %dma_start3A_50 = arith.constant 0 : i32
        %dma_start3A_51 = tpu.memref_slice %arg11[%dma_start3A_49, %dma_start3A_50] : memref<10128x128xf32, #tpu.memory_space<vmem_shared>> -> memref<128x128xf32, #tpu.memory_space<vmem_shared>>
        %dma_start3A_52 = arith.constant 9872 : i32
        %dma_start3A_53 = arith.constant 0 : i32
        %dma_start3A_54 = tpu.memref_slice %arg11[%dma_start3A_52, %dma_start3A_53] : memref<10128x128xf32, #tpu.memory_space<vmem_shared>> -> memref<128x128xf32, #tpu.memory_space<vmem_shared>>
        tpu.enqueue_dma source(%arg9 : memref<128x128xf32, #tpu.memory_space<vmem>>) target(%dma_start3A_54 : memref<128x128xf32, #tpu.memory_space<vmem_shared>>) target_semaphore(%run_scoped3A : memref<!tpu.dma_semaphore, #tpu.memory_space<semaphore_mem>>)
        %dma_wait3A_55 = arith.constant 9872 : i32
        %dma_wait3A_56 = arith.constant 0 : i32
        %dma_wait3A_57 = tpu.memref_slice %arg11[%dma_wait3A_55, %dma_wait3A_56] : memref<10128x128xf32, #tpu.memory_space<vmem_shared>> -> memref<128x128xf32, #tpu.memory_space<vmem_shared>>
        %dma_wait3A_58 = arith.constant 9872 : i32
        %dma_wait3A_59 = arith.constant 0 : i32
        %dma_wait3A_60 = tpu.memref_slice %arg11[%dma_wait3A_58, %dma_wait3A_59] : memref<10128x128xf32, #tpu.memory_space<vmem_shared>> -> memref<128x128xf32, #tpu.memory_space<vmem_shared>>
        tpu.wait_dma2 semaphore(%run_scoped3A : memref<!tpu.dma_semaphore, #tpu.memory_space<semaphore_mem>>) src(%arg9 : memref<128x128xf32, #tpu.memory_space<vmem>>) dst(%dma_wait3A_60 : memref<128x128xf32, #tpu.memory_space<vmem_shared>>)
        tpu.yield
      }) : () -> ()
    } else {
    }
    %barrier3A = arith.constant 0 : index
    tpu.barrier barrier_id(%barrier3A)
    %dma_start3A = arith.constant 0 : i32
    %dma_start3A_20 = arith.constant 0 : i32
    %dma_start3A_21 = tpu.memref_slice %arg6[%dma_start3A, %dma_start3A_20] : memref<80x128xi32, #tpu.memory_space<vmem>> -> memref<1x128xi32, #tpu.memory_space<vmem>>
    %dma_start3A_22 = tpu.memref_squeeze %dma_start3A_21 : memref<1x128xi32, #tpu.memory_space<vmem>> -> memref<128xi32, #tpu.memory_space<vmem>>
    %dma_start3A_23 = arith.constant 0 : i32
    %dma_start3A_24 = arith.constant 0 : i32
    %dma_start3A_25 = tpu.memref_slice %arg2[%dma_start3A_23, %dma_start3A_24] : memref<10000x128xf32, #tpu.memory_space<hbm>> -> memref<10000x128xf32, #tpu.memory_space<hbm>>
    tpu.enqueue_indirect_dma source(%dma_start3A_25 : memref<10000x128xf32, #tpu.memory_space<hbm>>) target(%arg9 : memref<128x128xf32, #tpu.memory_space<vmem>>) offsets(%dma_start3A_22 : memref<128xi32, #tpu.memory_space<vmem>>) semaphore(%arg12 : memref<!tpu.dma_semaphore, #tpu.memory_space<semaphore_mem>>)
    %add3A_26 = arith.constant 0 : i32
    %add3A_27 = arith.addi %mul3A_2, %add3A_26 : i32
    %dma_start3A_28 = tpu.memref_slice %arg4[%add3A_27] : memref<327680xi32, #tpu.memory_space<hbm>> -> memref<128xi32, #tpu.memory_space<hbm>>
    %dma_start3A_29 = tpu.memref_slice %arg4[%add3A_27] : memref<327680xi32, #tpu.memory_space<hbm>> -> memref<128xi32, #tpu.memory_space<hbm>>
    tpu.enqueue_dma source(%dma_start3A_29 : memref<128xi32, #tpu.memory_space<hbm>>) target(%arg7 : memref<128xi32, #tpu.memory_space<vmem>>) target_semaphore(%arg12 : memref<!tpu.dma_semaphore, #tpu.memory_space<semaphore_mem>>)
    %scan3A_30 = arith.constant 0 : i32
    %scan3A_31 = arith.constant 0 : i32
    %scan3A_32 = arith.constant 40 : i32
    %scan3A_33 = arith.addi %scan3A_31, %scan3A_32 : i32
    %scan3A_34 = arith.constant 1 : i32
    scf.for %scan3A_49 = %scan3A_31 to %scan3A_33 step %scan3A_34  : i32 {
      %mul3A_50 = arith.constant 2 : i32
      %mul3A_51 = arith.muli %mul3A_50, %scan3A_49 : i32
      %dma_wait3A_52 = arith.constant 0 : i32
      %dma_wait3A_53 = tpu.memref_slice %arg6[%mul3A_51, %dma_wait3A_52] : memref<80x128xi32, #tpu.memory_space<vmem>> -> memref<1x128xi32, #tpu.memory_space<vmem>>
      %dma_wait3A_54 = tpu.memref_squeeze %dma_wait3A_53 : memref<1x128xi32, #tpu.memory_space<vmem>> -> memref<128xi32, #tpu.memory_space<vmem>>
      %dma_wait3A_55 = arith.constant 0 : i32
      %dma_wait3A_56 = arith.constant 0 : i32
      %dma_wait3A_57 = tpu.memref_slice %arg2[%dma_wait3A_55, %dma_wait3A_56] : memref<10000x128xf32, #tpu.memory_space<hbm>> -> memref<10000x128xf32, #tpu.memory_space<hbm>>
      tpu.wait_indirect_dma semaphore(%arg12 : memref<!tpu.dma_semaphore, #tpu.memory_space<semaphore_mem>>) src(%dma_wait3A_57 : memref<10000x128xf32, #tpu.memory_space<hbm>>) dst(%arg9 : memref<128x128xf32, #tpu.memory_space<vmem>>)
      %mul3A_58 = arith.constant 128 : i32
      %mul3A_59 = arith.muli %mul3A_51, %mul3A_58 : i32
      %add3A_60 = arith.addi %mul3A_2, %mul3A_59 : i32
      %dma_wait3A_61 = tpu.memref_slice %arg4[%add3A_60] : memref<327680xi32, #tpu.memory_space<hbm>> -> memref<128xi32, #tpu.memory_space<hbm>>
      %dma_wait3A_62 = tpu.memref_slice %arg4[%add3A_60] : memref<327680xi32, #tpu.memory_space<hbm>> -> memref<128xi32, #tpu.memory_space<hbm>>
      tpu.wait_dma2 semaphore(%arg12 : memref<!tpu.dma_semaphore, #tpu.memory_space<semaphore_mem>>) src(%dma_wait3A_62 : memref<128xi32, #tpu.memory_space<hbm>>) dst(%arg7 : memref<128xi32, #tpu.memory_space<vmem>>)
      %gt3A = arith.constant 0 : i32
      %gt3A_63 = arith.cmpi sgt, %scan3A_49, %gt3A : i32
      %convert_element_type3A_64 = arith.extui %gt3A_63 : i1 to i32
      %cond3A_65 = arith.constant 0 : i32
      %cond3A_66 = arith.cmpi ne, %convert_element_type3A_64, %cond3A_65 : i32
      scf.if %cond3A_66 {
        %dma_wait3A_107 = arith.constant 0 : i32
        %dma_wait3A_108 = arith.constant 0 : i32
        %dma_wait3A_109 = tpu.memref_slice %arg11[%dma_wait3A_107, %dma_wait3A_108] : memref<10128x128xf32, #tpu.memory_space<vmem_shared>> -> memref<10128x128xf32, #tpu.memory_space<vmem_shared>>
        tpu.wait_indirect_dma semaphore(%arg15 : memref<!tpu.dma_semaphore, #tpu.memory_space<semaphore_mem>>) src(%arg10 : memref<128x128xf32, #tpu.memory_space<vmem>>) dst(%dma_wait3A_109 : memref<10128x128xf32, #tpu.memory_space<vmem_shared>>)
      } else {
      }
      %add3A_67 = arith.constant 1 : i32
      %add3A_68 = arith.addi %mul3A_51, %add3A_67 : i32
      %dma_start3A_69 = arith.constant 0 : i32
      %dma_start3A_70 = tpu.memref_slice %arg6[%add3A_68, %dma_start3A_69] : memref<80x128xi32, #tpu.memory_space<vmem>> -> memref<1x128xi32, #tpu.memory_space<vmem>>
      %dma_start3A_71 = tpu.memref_squeeze %dma_start3A_70 : memref<1x128xi32, #tpu.memory_space<vmem>> -> memref<128xi32, #tpu.memory_space<vmem>>
      %dma_start3A_72 = arith.constant 0 : i32
      %dma_start3A_73 = arith.constant 0 : i32
      %dma_start3A_74 = tpu.memref_slice %arg2[%dma_start3A_72, %dma_start3A_73] : memref<10000x128xf32, #tpu.memory_space<hbm>> -> memref<10000x128xf32, #tpu.memory_space<hbm>>
      tpu.enqueue_indirect_dma source(%dma_start3A_74 : memref<10000x128xf32, #tpu.memory_space<hbm>>) target(%arg10 : memref<128x128xf32, #tpu.memory_space<vmem>>) offsets(%dma_start3A_71 : memref<128xi32, #tpu.memory_space<vmem>>) semaphore(%arg13 : memref<!tpu.dma_semaphore, #tpu.memory_space<semaphore_mem>>)
      %mul3A_75 = arith.constant 128 : i32
      %mul3A_76 = arith.muli %add3A_68, %mul3A_75 : i32
      %add3A_77 = arith.addi %mul3A_2, %mul3A_76 : i32
      %dma_start3A_78 = tpu.memref_slice %arg4[%add3A_77] : memref<327680xi32, #tpu.memory_space<hbm>> -> memref<128xi32, #tpu.memory_space<hbm>>
      %dma_start3A_79 = tpu.memref_slice %arg4[%add3A_77] : memref<327680xi32, #tpu.memory_space<hbm>> -> memref<128xi32, #tpu.memory_space<hbm>>
      tpu.enqueue_dma source(%dma_start3A_79 : memref<128xi32, #tpu.memory_space<hbm>>) target(%arg8 : memref<128xi32, #tpu.memory_space<vmem>>) target_semaphore(%arg13 : memref<!tpu.dma_semaphore, #tpu.memory_space<semaphore_mem>>)
      %dma_start3A_80 = arith.constant 0 : i32
      %dma_start3A_81 = arith.constant 0 : i32
      %dma_start3A_82 = tpu.memref_slice %arg11[%dma_start3A_80, %dma_start3A_81] : memref<10128x128xf32, #tpu.memory_space<vmem_shared>> -> memref<10128x128xf32, #tpu.memory_space<vmem_shared>>
      tpu.enqueue_indirect_dma source(%arg9 : memref<128x128xf32, #tpu.memory_space<vmem>>) target(%dma_start3A_82 : memref<10128x128xf32, #tpu.memory_space<vmem_shared>>) offsets(%arg7 : memref<128xi32, #tpu.memory_space<vmem>>) semaphore(%arg14 : memref<!tpu.dma_semaphore, #tpu.memory_space<semaphore_mem>>) {add = true}
      %add3A_83 = arith.constant 1 : i32
      %add3A_84 = arith.addi %mul3A_51, %add3A_83 : i32
      %dma_wait3A_85 = arith.constant 0 : i32
      %dma_wait3A_86 = tpu.memref_slice %arg6[%add3A_84, %dma_wait3A_85] : memref<80x128xi32, #tpu.memory_space<vmem>> -> memref<1x128xi32, #tpu.memory_space<vmem>>
      %dma_wait3A_87 = tpu.memref_squeeze %dma_wait3A_86 : memref<1x128xi32, #tpu.memory_space<vmem>> -> memref<128xi32, #tpu.memory_space<vmem>>
      %dma_wait3A_88 = arith.constant 0 : i32
      %dma_wait3A_89 = arith.constant 0 : i32
      %dma_wait3A_90 = tpu.memref_slice %arg2[%dma_wait3A_88, %dma_wait3A_89] : memref<10000x128xf32, #tpu.memory_space<hbm>> -> memref<10000x128xf32, #tpu.memory_space<hbm>>
      tpu.wait_indirect_dma semaphore(%arg13 : memref<!tpu.dma_semaphore, #tpu.memory_space<semaphore_mem>>) src(%dma_wait3A_90 : memref<10000x128xf32, #tpu.memory_space<hbm>>) dst(%arg10 : memref<128x128xf32, #tpu.memory_space<vmem>>)
      %mul3A_91 = arith.constant 128 : i32
      %mul3A_92 = arith.muli %add3A_84, %mul3A_91 : i32
      %add3A_93 = arith.addi %mul3A_2, %mul3A_92 : i32
      %dma_wait3A_94 = tpu.memref_slice %arg4[%add3A_93] : memref<327680xi32, #tpu.memory_space<hbm>> -> memref<128xi32, #tpu.memory_space<hbm>>
      %dma_wait3A_95 = tpu.memref_slice %arg4[%add3A_93] : memref<327680xi32, #tpu.memory_space<hbm>> -> memref<128xi32, #tpu.memory_space<hbm>>
      tpu.wait_dma2 semaphore(%arg13 : memref<!tpu.dma_semaphore, #tpu.memory_space<semaphore_mem>>) src(%dma_wait3A_95 : memref<128xi32, #tpu.memory_space<hbm>>) dst(%arg8 : memref<128xi32, #tpu.memory_space<vmem>>)
      %dma_wait3A_96 = arith.constant 0 : i32
      %dma_wait3A_97 = arith.constant 0 : i32
      %dma_wait3A_98 = tpu.memref_slice %arg11[%dma_wait3A_96, %dma_wait3A_97] : memref<10128x128xf32, #tpu.memory_space<vmem_shared>> -> memref<10128x128xf32, #tpu.memory_space<vmem_shared>>
      tpu.wait_indirect_dma semaphore(%arg14 : memref<!tpu.dma_semaphore, #tpu.memory_space<semaphore_mem>>) src(%arg9 : memref<128x128xf32, #tpu.memory_space<vmem>>) dst(%dma_wait3A_98 : memref<10128x128xf32, #tpu.memory_space<vmem_shared>>)
      %lt3A_99 = arith.constant 39 : i32
      %lt3A_100 = arith.cmpi slt, %scan3A_49, %lt3A_99 : i32
      %convert_element_type3A_101 = arith.extui %lt3A_100 : i1 to i32
      %cond3A_102 = arith.constant 0 : i32
      %cond3A_103 = arith.cmpi ne, %convert_element_type3A_101, %cond3A_102 : i32
      scf.if %cond3A_103 {
        %add3A_107 = arith.constant 2 : i32
        %add3A_108 = arith.addi %mul3A_51, %add3A_107 : i32
        %dma_start3A_109 = arith.constant 0 : i32
        %dma_start3A_110 = tpu.memref_slice %arg6[%add3A_108, %dma_start3A_109] : memref<80x128xi32, #tpu.memory_space<vmem>> -> memref<1x128xi32, #tpu.memory_space<vmem>>
        %dma_start3A_111 = tpu.memref_squeeze %dma_start3A_110 : memref<1x128xi32, #tpu.memory_space<vmem>> -> memref<128xi32, #tpu.memory_space<vmem>>
        %dma_start3A_112 = arith.constant 0 : i32
        %dma_start3A_113 = arith.constant 0 : i32
        %dma_start3A_114 = tpu.memref_slice %arg2[%dma_start3A_112, %dma_start3A_113] : memref<10000x128xf32, #tpu.memory_space<hbm>> -> memref<10000x128xf32, #tpu.memory_space<hbm>>
        tpu.enqueue_indirect_dma source(%dma_start3A_114 : memref<10000x128xf32, #tpu.memory_space<hbm>>) target(%arg9 : memref<128x128xf32, #tpu.memory_space<vmem>>) offsets(%dma_start3A_111 : memref<128xi32, #tpu.memory_space<vmem>>) semaphore(%arg12 : memref<!tpu.dma_semaphore, #tpu.memory_space<semaphore_mem>>)
        %mul3A_115 = arith.constant 128 : i32
        %mul3A_116 = arith.muli %add3A_108, %mul3A_115 : i32
        %add3A_117 = arith.addi %mul3A_2, %mul3A_116 : i32
        %dma_start3A_118 = tpu.memref_slice %arg4[%add3A_117] : memref<327680xi32, #tpu.memory_space<hbm>> -> memref<128xi32, #tpu.memory_space<hbm>>
        %dma_start3A_119 = tpu.memref_slice %arg4[%add3A_117] : memref<327680xi32, #tpu.memory_space<hbm>> -> memref<128xi32, #tpu.memory_space<hbm>>
        tpu.enqueue_dma source(%dma_start3A_119 : memref<128xi32, #tpu.memory_space<hbm>>) target(%arg7 : memref<128xi32, #tpu.memory_space<vmem>>) target_semaphore(%arg12 : memref<!tpu.dma_semaphore, #tpu.memory_space<semaphore_mem>>)
      } else {
      }
      %dma_start3A_104 = arith.constant 0 : i32
      %dma_start3A_105 = arith.constant 0 : i32
      %dma_start3A_106 = tpu.memref_slice %arg11[%dma_start3A_104, %dma_start3A_105] : memref<10128x128xf32, #tpu.memory_space<vmem_shared>> -> memref<10128x128xf32, #tpu.memory_space<vmem_shared>>
      tpu.enqueue_indirect_dma source(%arg10 : memref<128x128xf32, #tpu.memory_space<vmem>>) target(%dma_start3A_106 : memref<10128x128xf32, #tpu.memory_space<vmem_shared>>) offsets(%arg8 : memref<128xi32, #tpu.memory_space<vmem>>) semaphore(%arg15 : memref<!tpu.dma_semaphore, #tpu.memory_space<semaphore_mem>>) {add = true}
    }
    %scan3A_35 = arith.constant 40 : i32
    %dma_wait3A = arith.constant 0 : i32
    %dma_wait3A_36 = arith.constant 0 : i32
    %dma_wait3A_37 = tpu.memref_slice %arg11[%dma_wait3A, %dma_wait3A_36] : memref<10128x128xf32, #tpu.memory_space<vmem_shared>> -> memref<10128x128xf32, #tpu.memory_space<vmem_shared>>
    tpu.wait_indirect_dma semaphore(%arg15 : memref<!tpu.dma_semaphore, #tpu.memory_space<semaphore_mem>>) src(%arg10 : memref<128x128xf32, #tpu.memory_space<vmem>>) dst(%dma_wait3A_37 : memref<10128x128xf32, #tpu.memory_space<vmem_shared>>)
    %barrier3A_38 = arith.constant 0 : index
    tpu.barrier barrier_id(%barrier3A_38)
    %lt3A_39 = arith.constant 15 : i32
    %lt3A_40 = arith.cmpi slt, %arg1, %lt3A_39 : i32
    %convert_element_type3A_41 = arith.extui %lt3A_40 : i1 to i32
    %cond3A_42 = arith.constant 0 : i32
    %cond3A_43 = arith.cmpi ne, %convert_element_type3A_41, %cond3A_42 : i32
    scf.if %cond3A_43 {
      %mul3A_49 = arith.constant 624 : i32
      %mul3A_50 = arith.muli %arg1, %mul3A_49 : i32
      %mul3A_51 = arith.constant 10000 : i32
      %mul3A_52 = arith.muli %arg0, %mul3A_51 : i32
      %mul3A_53 = arith.constant 624 : i32
      %mul3A_54 = arith.muli %arg1, %mul3A_53 : i32
      %add3A_55 = arith.addi %mul3A_52, %mul3A_54 : i32
      "tpu.region"() ({
        %run_scoped3A = tpu.sem_alloc : memref<!tpu.dma_semaphore, #tpu.memory_space<semaphore_mem>>
        %dma_start3A_56 = arith.constant 0 : i32
        %dma_start3A_57 = tpu.memref_slice %arg5[%add3A_55, %dma_start3A_56] : memref<20000x128xf32, #tpu.memory_space<hbm>> -> memref<624x128xf32, #tpu.memory_space<hbm>>
        %dma_start3A_58 = arith.constant 0 : i32
        %dma_start3A_59 = tpu.memref_slice %arg11[%mul3A_50, %dma_start3A_58] : memref<10128x128xf32, #tpu.memory_space<vmem_shared>> -> memref<624x128xf32, #tpu.memory_space<vmem_shared>>
        tpu.enqueue_dma source(%dma_start3A_59 : memref<624x128xf32, #tpu.memory_space<vmem_shared>>) target(%dma_start3A_57 : memref<624x128xf32, #tpu.memory_space<hbm>>) target_semaphore(%run_scoped3A : memref<!tpu.dma_semaphore, #tpu.memory_space<semaphore_mem>>)
        %dma_wait3A_60 = arith.constant 0 : i32
        %dma_wait3A_61 = tpu.memref_slice %arg5[%add3A_55, %dma_wait3A_60] : memref<20000x128xf32, #tpu.memory_space<hbm>> -> memref<624x128xf32, #tpu.memory_space<hbm>>
        %dma_wait3A_62 = arith.constant 0 : i32
        %dma_wait3A_63 = tpu.memref_slice %arg11[%mul3A_50, %dma_wait3A_62] : memref<10128x128xf32, #tpu.memory_space<vmem_shared>> -> memref<624x128xf32, #tpu.memory_space<vmem_shared>>
        tpu.wait_dma2 semaphore(%run_scoped3A : memref<!tpu.dma_semaphore, #tpu.memory_space<semaphore_mem>>) src(%dma_wait3A_63 : memref<624x128xf32, #tpu.memory_space<vmem_shared>>) dst(%dma_wait3A_61 : memref<624x128xf32, #tpu.memory_space<hbm>>)
        tpu.yield
      }) : () -> ()
    } else {
    }
    %eq3A_44 = arith.constant 15 : i32
    %eq3A_45 = arith.cmpi eq, %arg1, %eq3A_44 : i32
    %convert_element_type3A_46 = arith.extui %eq3A_45 : i1 to i32
    %cond3A_47 = arith.constant 0 : i32
    %cond3A_48 = arith.cmpi ne, %convert_element_type3A_46, %cond3A_47 : i32
    scf.if %cond3A_48 {
      %mul3A_49 = arith.constant 10000 : i32
      %mul3A_50 = arith.muli %arg0, %mul3A_49 : i32
      %add3A_51 = arith.constant 9360 : i32
      %add3A_52 = arith.addi %mul3A_50, %add3A_51 : i32
      "tpu.region"() ({
        %run_scoped3A = tpu.sem_alloc : memref<!tpu.dma_semaphore, #tpu.memory_space<semaphore_mem>>
        %dma_start3A_53 = arith.constant 0 : i32
        %dma_start3A_54 = tpu.memref_slice %arg5[%add3A_52, %dma_start3A_53] : memref<20000x128xf32, #tpu.memory_space<hbm>> -> memref<640x128xf32, #tpu.memory_space<hbm>>
        %dma_start3A_55 = arith.constant 9360 : i32
        %dma_start3A_56 = arith.constant 0 : i32
        %dma_start3A_57 = tpu.memref_slice %arg11[%dma_start3A_55, %dma_start3A_56] : memref<10128x128xf32, #tpu.memory_space<vmem_shared>> -> memref<640x128xf32, #tpu.memory_space<vmem_shared>>
        tpu.enqueue_dma source(%dma_start3A_57 : memref<640x128xf32, #tpu.memory_space<vmem_shared>>) target(%dma_start3A_54 : memref<640x128xf32, #tpu.memory_space<hbm>>) target_semaphore(%run_scoped3A : memref<!tpu.dma_semaphore, #tpu.memory_space<semaphore_mem>>)
        %dma_wait3A_58 = arith.constant 0 : i32
        %dma_wait3A_59 = tpu.memref_slice %arg5[%add3A_52, %dma_wait3A_58] : memref<20000x128xf32, #tpu.memory_space<hbm>> -> memref<640x128xf32, #tpu.memory_space<hbm>>
        %dma_wait3A_60 = arith.constant 9360 : i32
        %dma_wait3A_61 = arith.constant 0 : i32
        %dma_wait3A_62 = tpu.memref_slice %arg11[%dma_wait3A_60, %dma_wait3A_61] : memref<10128x128xf32, #tpu.memory_space<vmem_shared>> -> memref<640x128xf32, #tpu.memory_space<vmem_shared>>
        tpu.wait_dma2 semaphore(%run_scoped3A : memref<!tpu.dma_semaphore, #tpu.memory_space<semaphore_mem>>) src(%dma_wait3A_62 : memref<640x128xf32, #tpu.memory_space<vmem_shared>>) dst(%dma_wait3A_59 : memref<640x128xf32, #tpu.memory_space<hbm>>)
        tpu.yield
      }) : () -> ()
    } else {
    }
    return
  }
}

#map = affine_map<(d0, d1) -> (0, 0)>
#map1 = affine_map<(d0, d1) -> (0, 0, 0)>
#map2 = affine_map<(d0, d1) -> (0)>
module attributes {stable_mosaic.version = 14 : i64} {
  func.func @_sc_edge_body(%arg0: i32, %arg1: i32, %arg2: memref<10000x128xf32, #tpu.memory_space<hbm>>, %arg3: memref<32x80x128xi32, #tpu.memory_space<hbm>>, %arg4: memref<327680xi32, #tpu.memory_space<hbm>>, %arg5: memref<20000x128xf32, #tpu.memory_space<hbm>>, %arg6: memref<80x128xi32, #tpu.memory_space<vmem>>, %arg7: memref<128xi32, #tpu.memory_space<vmem>>, %arg8: memref<128xi32, #tpu.memory_space<vmem>>, %arg9: memref<128x128xf32, #tpu.memory_space<vmem>>, %arg10: memref<128x128xf32, #tpu.memory_space<vmem>>, %arg11: memref<10128x128xf32, #tpu.memory_space<vmem_shared>>, %arg12: memref<!tpu.dma_semaphore, #tpu.memory_space<semaphore_mem>>, %arg13: memref<!tpu.dma_semaphore, #tpu.memory_space<semaphore_mem>>, %arg14: memref<!tpu.dma_semaphore, #tpu.memory_space<semaphore_mem>>, %arg15: memref<!tpu.dma_semaphore, #tpu.memory_space<semaphore_mem>>) attributes {dimension_semantics = [#tpu.dimension_semantics<core_parallel>, #tpu.dimension_semantics<subcore_parallel>], iteration_bounds = array<i64: 2, 16>, scalar_prefetch = 0 : i64, scratch_operands = 10 : i64, tpu.core_type = #tpu.core_type<sc_vector_subcore>, window_params = [{transform_indices = #map}, {transform_indices = #map1}, {transform_indices = #map2}, {transform_indices = #map}]} {
    %mul3A = arith.constant 16 : i32
    %mul3A_0 = arith.muli %arg0, %mul3A : i32
    %add3A = arith.addi %mul3A_0, %arg1 : i32
    %mul3A_1 = arith.constant 10240 : i32
    %mul3A_2 = arith.muli %add3A, %mul3A_1 : i32
    "tpu.region"() ({
      %run_scoped3A = tpu.sem_alloc : memref<!tpu.dma_semaphore, #tpu.memory_space<semaphore_mem>>
      %dma_start3A_49 = arith.constant 0 : i32
      %dma_start3A_50 = arith.constant 0 : i32
      %dma_start3A_51 = tpu.memref_slice %arg3[%add3A, %dma_start3A_49, %dma_start3A_50] : memref<32x80x128xi32, #tpu.memory_space<hbm>> -> memref<1x80x128xi32, #tpu.memory_space<hbm>>
      %dma_start3A_52 = tpu.memref_squeeze %dma_start3A_51 : memref<1x80x128xi32, #tpu.memory_space<hbm>> -> memref<80x128xi32, #tpu.memory_space<hbm>>
      %dma_start3A_53 = arith.constant 0 : i32
      %dma_start3A_54 = arith.constant 0 : i32
      %dma_start3A_55 = tpu.memref_slice %arg3[%add3A, %dma_start3A_53, %dma_start3A_54] : memref<32x80x128xi32, #tpu.memory_space<hbm>> -> memref<1x80x128xi32, #tpu.memory_space<hbm>>
      %dma_start3A_56 = tpu.memref_squeeze %dma_start3A_55 : memref<1x80x128xi32, #tpu.memory_space<hbm>> -> memref<80x128xi32, #tpu.memory_space<hbm>>
      tpu.enqueue_dma source(%dma_start3A_56 : memref<80x128xi32, #tpu.memory_space<hbm>>) target(%arg6 : memref<80x128xi32, #tpu.memory_space<vmem>>) target_semaphore(%run_scoped3A : memref<!tpu.dma_semaphore, #tpu.memory_space<semaphore_mem>>)
      %dma_wait3A_57 = arith.constant 0 : i32
      %dma_wait3A_58 = arith.constant 0 : i32
      %dma_wait3A_59 = tpu.memref_slice %arg3[%add3A, %dma_wait3A_57, %dma_wait3A_58] : memref<32x80x128xi32, #tpu.memory_space<hbm>> -> memref<1x80x128xi32, #tpu.memory_space<hbm>>
      %dma_wait3A_60 = tpu.memref_squeeze %dma_wait3A_59 : memref<1x80x128xi32, #tpu.memory_space<hbm>> -> memref<80x128xi32, #tpu.memory_space<hbm>>
      %dma_wait3A_61 = arith.constant 0 : i32
      %dma_wait3A_62 = arith.constant 0 : i32
      %dma_wait3A_63 = tpu.memref_slice %arg3[%add3A, %dma_wait3A_61, %dma_wait3A_62] : memref<32x80x128xi32, #tpu.memory_space<hbm>> -> memref<1x80x128xi32, #tpu.memory_space<hbm>>
      %dma_wait3A_64 = tpu.memref_squeeze %dma_wait3A_63 : memref<1x80x128xi32, #tpu.memory_space<hbm>> -> memref<80x128xi32, #tpu.memory_space<hbm>>
      tpu.wait_dma2 semaphore(%run_scoped3A : memref<!tpu.dma_semaphore, #tpu.memory_space<semaphore_mem>>) src(%dma_wait3A_64 : memref<80x128xi32, #tpu.memory_space<hbm>>) dst(%arg6 : memref<80x128xi32, #tpu.memory_space<vmem>>)
      tpu.yield
    }) : () -> ()
    %scan3A = arith.constant 0 : i32
    %scan3A_3 = arith.constant 0 : i32
    %scan3A_4 = arith.constant 128 : i32
    %scan3A_5 = arith.addi %scan3A_3, %scan3A_4 : i32
    %scan3A_6 = arith.constant 1 : i32
    scf.for %scan3A_49 = %scan3A_3 to %scan3A_5 step %scan3A_6  : i32 {
      %scan3A_50 = arith.constant 0 : i32
      %scan3A_51 = arith.constant 8 : i32
      %scan3A_52 = arith.addi %scan3A_50, %scan3A_51 : i32
      %scan3A_53 = arith.constant 1 : i32
      scf.for %scan3A_55 = %scan3A_50 to %scan3A_52 step %scan3A_53  : i32 {
        %broadcast_in_dim3A = arith.constant 0.000000e+00 : f32
        %broadcast_in_dim3A_56 = vector.broadcast %broadcast_in_dim3A : f32 to vector<16xf32>
        %mul3A_57 = arith.constant 16 : i32
        %mul3A_58 = arith.muli %scan3A_55, %mul3A_57 : i32
        %swap3A = arith.index_cast %scan3A_49 : i32 to index
        %swap3A_59 = arith.index_cast %mul3A_58 : i32 to index
        %swap3A_60 = tpu.vector_load %arg9[%swap3A, %swap3A_59] {strides = array<i32>} : memref<128x128xf32, #tpu.memory_space<vmem>>, vector<1x16xf32>,
        %swap3A_61 = vector.shape_cast %swap3A_60 : vector<1x16xf32> to vector<16xf32>
        %swap3A_62 = vector.shape_cast %broadcast_in_dim3A_56 : vector<16xf32> to vector<1x16xf32>
        tpu.vector_store %arg9[%swap3A, %swap3A_59], %swap3A_62 {strides = array<i32>} : memref<128x128xf32, #tpu.memory_space<vmem>>, vector<1x16xf32>,
      }
      %scan3A_54 = arith.constant 8 : i32
    }
    %scan3A_7 = arith.constant 128 : i32
    %scan3A_8 = arith.constant 0 : i32
    %scan3A_9 = arith.constant 0 : i32
    %scan3A_10 = arith.constant 4 : i32
    %scan3A_11 = arith.addi %scan3A_9, %scan3A_10 : i32
    %scan3A_12 = arith.constant 1 : i32
    scf.for %scan3A_49 = %scan3A_9 to %scan3A_11 step %scan3A_12  : i32 {
      %mul3A_50 = arith.constant 624 : i32
      %mul3A_51 = arith.muli %arg1, %mul3A_50 : i32
      %mul3A_52 = arith.constant 128 : i32
      %mul3A_53 = arith.muli %scan3A_49, %mul3A_52 : i32
      %add3A_54 = arith.addi %mul3A_51, %mul3A_53 : i32
      "tpu.region"() ({
        %run_scoped3A = tpu.sem_alloc : memref<!tpu.dma_semaphore, #tpu.memory_space<semaphore_mem>>
        %dma_start3A_55 = arith.constant 0 : i32
        %dma_start3A_56 = tpu.memref_slice %arg11[%add3A_54, %dma_start3A_55] : memref<10128x128xf32, #tpu.memory_space<vmem_shared>> -> memref<128x128xf32, #tpu.memory_space<vmem_shared>>
        %dma_start3A_57 = arith.constant 0 : i32
        %dma_start3A_58 = tpu.memref_slice %arg11[%add3A_54, %dma_start3A_57] : memref<10128x128xf32, #tpu.memory_space<vmem_shared>> -> memref<128x128xf32, #tpu.memory_space<vmem_shared>>
        tpu.enqueue_dma source(%arg9 : memref<128x128xf32, #tpu.memory_space<vmem>>) target(%dma_start3A_58 : memref<128x128xf32, #tpu.memory_space<vmem_shared>>) target_semaphore(%run_scoped3A : memref<!tpu.dma_semaphore, #tpu.memory_space<semaphore_mem>>)
        %dma_wait3A_59 = arith.constant 0 : i32
        %dma_wait3A_60 = tpu.memref_slice %arg11[%add3A_54, %dma_wait3A_59] : memref<10128x128xf32, #tpu.memory_space<vmem_shared>> -> memref<128x128xf32, #tpu.memory_space<vmem_shared>>
        %dma_wait3A_61 = arith.constant 0 : i32
        %dma_wait3A_62 = tpu.memref_slice %arg11[%add3A_54, %dma_wait3A_61] : memref<10128x128xf32, #tpu.memory_space<vmem_shared>> -> memref<128x128xf32, #tpu.memory_space<vmem_shared>>
        tpu.wait_dma2 semaphore(%run_scoped3A : memref<!tpu.dma_semaphore, #tpu.memory_space<semaphore_mem>>) src(%arg9 : memref<128x128xf32, #tpu.memory_space<vmem>>) dst(%dma_wait3A_62 : memref<128x128xf32, #tpu.memory_space<vmem_shared>>)
        tpu.yield
      }) : () -> ()
    }
    %scan3A_13 = arith.constant 4 : i32
    %lt3A = arith.constant 15 : i32
    %lt3A_14 = arith.cmpi slt, %arg1, %lt3A : i32
    %convert_element_type3A = arith.extui %lt3A_14 : i1 to i32
    %cond3A = arith.constant 0 : i32
    %cond3A_15 = arith.cmpi ne, %convert_element_type3A, %cond3A : i32
    scf.if %cond3A_15 {
      %mul3A_49 = arith.constant 624 : i32
      %mul3A_50 = arith.muli %arg1, %mul3A_49 : i32
      %add3A_51 = arith.constant 512 : i32
      %add3A_52 = arith.addi %mul3A_50, %add3A_51 : i32
      "tpu.region"() ({
        %run_scoped3A = tpu.sem_alloc : memref<!tpu.dma_semaphore, #tpu.memory_space<semaphore_mem>>
        %dma_start3A_53 = arith.constant 0 : i32
        %dma_start3A_54 = arith.constant 0 : i32
        %dma_start3A_55 = tpu.memref_slice %arg9[%dma_start3A_53, %dma_start3A_54] : memref<128x128xf32, #tpu.memory_space<vmem>> -> memref<112x128xf32, #tpu.memory_space<vmem>>
        %dma_start3A_56 = arith.constant 0 : i32
        %dma_start3A_57 = tpu.memref_slice %arg11[%add3A_52, %dma_start3A_56] : memref<10128x128xf32, #tpu.memory_space<vmem_shared>> -> memref<112x128xf32, #tpu.memory_space<vmem_shared>>
        %dma_start3A_58 = arith.constant 0 : i32
        %dma_start3A_59 = tpu.memref_slice %arg11[%add3A_52, %dma_start3A_58] : memref<10128x128xf32, #tpu.memory_space<vmem_shared>> -> memref<112x128xf32, #tpu.memory_space<vmem_shared>>
        %dma_start3A_60 = arith.constant 0 : i32
        %dma_start3A_61 = arith.constant 0 : i32
        %dma_start3A_62 = tpu.memref_slice %arg9[%dma_start3A_60, %dma_start3A_61] : memref<128x128xf32, #tpu.memory_space<vmem>> -> memref<112x128xf32, #tpu.memory_space<vmem>>
        tpu.enqueue_dma source(%dma_start3A_62 : memref<112x128xf32, #tpu.memory_space<vmem>>) target(%dma_start3A_59 : memref<112x128xf32, #tpu.memory_space<vmem_shared>>) target_semaphore(%run_scoped3A : memref<!tpu.dma_semaphore, #tpu.memory_space<semaphore_mem>>)
        %dma_wait3A_63 = arith.constant 0 : i32
        %dma_wait3A_64 = arith.constant 0 : i32
        %dma_wait3A_65 = tpu.memref_slice %arg9[%dma_wait3A_63, %dma_wait3A_64] : memref<128x128xf32, #tpu.memory_space<vmem>> -> memref<112x128xf32, #tpu.memory_space<vmem>>
        %dma_wait3A_66 = arith.constant 0 : i32
        %dma_wait3A_67 = tpu.memref_slice %arg11[%add3A_52, %dma_wait3A_66] : memref<10128x128xf32, #tpu.memory_space<vmem_shared>> -> memref<112x128xf32, #tpu.memory_space<vmem_shared>>
        %dma_wait3A_68 = arith.constant 0 : i32
        %dma_wait3A_69 = tpu.memref_slice %arg11[%add3A_52, %dma_wait3A_68] : memref<10128x128xf32, #tpu.memory_space<vmem_shared>> -> memref<112x128xf32, #tpu.memory_space<vmem_shared>>
        %dma_wait3A_70 = arith.constant 0 : i32
        %dma_wait3A_71 = arith.constant 0 : i32
        %dma_wait3A_72 = tpu.memref_slice %arg9[%dma_wait3A_70, %dma_wait3A_71] : memref<128x128xf32, #tpu.memory_space<vmem>> -> memref<112x128xf32, #tpu.memory_space<vmem>>
        tpu.wait_dma2 semaphore(%run_scoped3A : memref<!tpu.dma_semaphore, #tpu.memory_space<semaphore_mem>>) src(%dma_wait3A_72 : memref<112x128xf32, #tpu.memory_space<vmem>>) dst(%dma_wait3A_69 : memref<112x128xf32, #tpu.memory_space<vmem_shared>>)
        tpu.yield
      }) : () -> ()
    } else {
    }
    %eq3A = arith.constant 15 : i32
    %eq3A_16 = arith.cmpi eq, %arg1, %eq3A : i32
    %convert_element_type3A_17 = arith.extui %eq3A_16 : i1 to i32
    %cond3A_18 = arith.constant 0 : i32
    %cond3A_19 = arith.cmpi ne, %convert_element_type3A_17, %cond3A_18 : i32
    scf.if %cond3A_19 {
      "tpu.region"() ({
        %run_scoped3A = tpu.sem_alloc : memref<!tpu.dma_semaphore, #tpu.memory_space<semaphore_mem>>
        %dma_start3A_49 = arith.constant 9872 : i32
        %dma_start3A_50 = arith.constant 0 : i32
        %dma_start3A_51 = tpu.memref_slice %arg11[%dma_start3A_49, %dma_start3A_50] : memref<10128x128xf32, #tpu.memory_space<vmem_shared>> -> memref<128x128xf32, #tpu.memory_space<vmem_shared>>
        %dma_start3A_52 = arith.constant 9872 : i32
        %dma_start3A_53 = arith.constant 0 : i32
        %dma_start3A_54 = tpu.memref_slice %arg11[%dma_start3A_52, %dma_start3A_53] : memref<10128x128xf32, #tpu.memory_space<vmem_shared>> -> memref<128x128xf32, #tpu.memory_space<vmem_shared>>
        tpu.enqueue_dma source(%arg9 : memref<128x128xf32, #tpu.memory_space<vmem>>) target(%dma_start3A_54 : memref<128x128xf32, #tpu.memory_space<vmem_shared>>) target_semaphore(%run_scoped3A : memref<!tpu.dma_semaphore, #tpu.memory_space<semaphore_mem>>)
        %dma_wait3A_55 = arith.constant 9872 : i32
        %dma_wait3A_56 = arith.constant 0 : i32
        %dma_wait3A_57 = tpu.memref_slice %arg11[%dma_wait3A_55, %dma_wait3A_56] : memref<10128x128xf32, #tpu.memory_space<vmem_shared>> -> memref<128x128xf32, #tpu.memory_space<vmem_shared>>
        %dma_wait3A_58 = arith.constant 9872 : i32
        %dma_wait3A_59 = arith.constant 0 : i32
        %dma_wait3A_60 = tpu.memref_slice %arg11[%dma_wait3A_58, %dma_wait3A_59] : memref<10128x128xf32, #tpu.memory_space<vmem_shared>> -> memref<128x128xf32, #tpu.memory_space<vmem_shared>>
        tpu.wait_dma2 semaphore(%run_scoped3A : memref<!tpu.dma_semaphore, #tpu.memory_space<semaphore_mem>>) src(%arg9 : memref<128x128xf32, #tpu.memory_space<vmem>>) dst(%dma_wait3A_60 : memref<128x128xf32, #tpu.memory_space<vmem_shared>>)
        tpu.yield
      }) : () -> ()
    } else {
    }
    %barrier3A = arith.constant 0 : index
    tpu.barrier barrier_id(%barrier3A)
    %dma_start3A = arith.constant 0 : i32
    %dma_start3A_20 = arith.constant 0 : i32
    %dma_start3A_21 = tpu.memref_slice %arg6[%dma_start3A, %dma_start3A_20] : memref<80x128xi32, #tpu.memory_space<vmem>> -> memref<1x128xi32, #tpu.memory_space<vmem>>
    %dma_start3A_22 = tpu.memref_squeeze %dma_start3A_21 : memref<1x128xi32, #tpu.memory_space<vmem>> -> memref<128xi32, #tpu.memory_space<vmem>>
    %dma_start3A_23 = arith.constant 0 : i32
    %dma_start3A_24 = arith.constant 0 : i32
    %dma_start3A_25 = tpu.memref_slice %arg2[%dma_start3A_23, %dma_start3A_24] : memref<10000x128xf32, #tpu.memory_space<hbm>> -> memref<10000x128xf32, #tpu.memory_space<hbm>>
    tpu.enqueue_indirect_dma source(%dma_start3A_25 : memref<10000x128xf32, #tpu.memory_space<hbm>>) target(%arg9 : memref<128x128xf32, #tpu.memory_space<vmem>>) offsets(%dma_start3A_22 : memref<128xi32, #tpu.memory_space<vmem>>) semaphore(%arg12 : memref<!tpu.dma_semaphore, #tpu.memory_space<semaphore_mem>>)
    %add3A_26 = arith.constant 0 : i32
    %add3A_27 = arith.addi %mul3A_2, %add3A_26 : i32
    %dma_start3A_28 = tpu.memref_slice %arg4[%add3A_27] : memref<327680xi32, #tpu.memory_space<hbm>> -> memref<128xi32, #tpu.memory_space<hbm>>
    %dma_start3A_29 = tpu.memref_slice %arg4[%add3A_27] : memref<327680xi32, #tpu.memory_space<hbm>> -> memref<128xi32, #tpu.memory_space<hbm>>
    tpu.enqueue_dma source(%dma_start3A_29 : memref<128xi32, #tpu.memory_space<hbm>>) target(%arg7 : memref<128xi32, #tpu.memory_space<vmem>>) target_semaphore(%arg12 : memref<!tpu.dma_semaphore, #tpu.memory_space<semaphore_mem>>)
    %scan3A_30 = arith.constant 0 : i32
    %scan3A_31 = arith.constant 0 : i32
    %scan3A_32 = arith.constant 40 : i32
    %scan3A_33 = arith.addi %scan3A_31, %scan3A_32 : i32
    %scan3A_34 = arith.constant 1 : i32
    scf.for %scan3A_49 = %scan3A_31 to %scan3A_33 step %scan3A_34  : i32 {
      %mul3A_50 = arith.constant 2 : i32
      %mul3A_51 = arith.muli %mul3A_50, %scan3A_49 : i32
      %dma_wait3A_52 = arith.constant 0 : i32
      %dma_wait3A_53 = tpu.memref_slice %arg6[%mul3A_51, %dma_wait3A_52] : memref<80x128xi32, #tpu.memory_space<vmem>> -> memref<1x128xi32, #tpu.memory_space<vmem>>
      %dma_wait3A_54 = tpu.memref_squeeze %dma_wait3A_53 : memref<1x128xi32, #tpu.memory_space<vmem>> -> memref<128xi32, #tpu.memory_space<vmem>>
      %dma_wait3A_55 = arith.constant 0 : i32
      %dma_wait3A_56 = arith.constant 0 : i32
      %dma_wait3A_57 = tpu.memref_slice %arg2[%dma_wait3A_55, %dma_wait3A_56] : memref<10000x128xf32, #tpu.memory_space<hbm>> -> memref<10000x128xf32, #tpu.memory_space<hbm>>
      tpu.wait_indirect_dma semaphore(%arg12 : memref<!tpu.dma_semaphore, #tpu.memory_space<semaphore_mem>>) src(%dma_wait3A_57 : memref<10000x128xf32, #tpu.memory_space<hbm>>) dst(%arg9 : memref<128x128xf32, #tpu.memory_space<vmem>>)
      %mul3A_58 = arith.constant 128 : i32
      %mul3A_59 = arith.muli %mul3A_51, %mul3A_58 : i32
      %add3A_60 = arith.addi %mul3A_2, %mul3A_59 : i32
      %dma_wait3A_61 = tpu.memref_slice %arg4[%add3A_60] : memref<327680xi32, #tpu.memory_space<hbm>> -> memref<128xi32, #tpu.memory_space<hbm>>
      %dma_wait3A_62 = tpu.memref_slice %arg4[%add3A_60] : memref<327680xi32, #tpu.memory_space<hbm>> -> memref<128xi32, #tpu.memory_space<hbm>>
      tpu.wait_dma2 semaphore(%arg12 : memref<!tpu.dma_semaphore, #tpu.memory_space<semaphore_mem>>) src(%dma_wait3A_62 : memref<128xi32, #tpu.memory_space<hbm>>) dst(%arg7 : memref<128xi32, #tpu.memory_space<vmem>>)
      %gt3A = arith.constant 0 : i32
      %gt3A_63 = arith.cmpi sgt, %scan3A_49, %gt3A : i32
      %convert_element_type3A_64 = arith.extui %gt3A_63 : i1 to i32
      %cond3A_65 = arith.constant 0 : i32
      %cond3A_66 = arith.cmpi ne, %convert_element_type3A_64, %cond3A_65 : i32
      scf.if %cond3A_66 {
        %dma_wait3A_107 = arith.constant 0 : i32
        %dma_wait3A_108 = arith.constant 0 : i32
        %dma_wait3A_109 = tpu.memref_slice %arg11[%dma_wait3A_107, %dma_wait3A_108] : memref<10128x128xf32, #tpu.memory_space<vmem_shared>> -> memref<10128x128xf32, #tpu.memory_space<vmem_shared>>
        tpu.wait_indirect_dma semaphore(%arg15 : memref<!tpu.dma_semaphore, #tpu.memory_space<semaphore_mem>>) src(%arg10 : memref<128x128xf32, #tpu.memory_space<vmem>>) dst(%dma_wait3A_109 : memref<10128x128xf32, #tpu.memory_space<vmem_shared>>)
      } else {
      }
      %add3A_67 = arith.constant 1 : i32
      %add3A_68 = arith.addi %mul3A_51, %add3A_67 : i32
      %dma_start3A_69 = arith.constant 0 : i32
      %dma_start3A_70 = tpu.memref_slice %arg6[%add3A_68, %dma_start3A_69] : memref<80x128xi32, #tpu.memory_space<vmem>> -> memref<1x128xi32, #tpu.memory_space<vmem>>
      %dma_start3A_71 = tpu.memref_squeeze %dma_start3A_70 : memref<1x128xi32, #tpu.memory_space<vmem>> -> memref<128xi32, #tpu.memory_space<vmem>>
      %dma_start3A_72 = arith.constant 0 : i32
      %dma_start3A_73 = arith.constant 0 : i32
      %dma_start3A_74 = tpu.memref_slice %arg2[%dma_start3A_72, %dma_start3A_73] : memref<10000x128xf32, #tpu.memory_space<hbm>> -> memref<10000x128xf32, #tpu.memory_space<hbm>>
      tpu.enqueue_indirect_dma source(%dma_start3A_74 : memref<10000x128xf32, #tpu.memory_space<hbm>>) target(%arg10 : memref<128x128xf32, #tpu.memory_space<vmem>>) offsets(%dma_start3A_71 : memref<128xi32, #tpu.memory_space<vmem>>) semaphore(%arg13 : memref<!tpu.dma_semaphore, #tpu.memory_space<semaphore_mem>>)
      %mul3A_75 = arith.constant 128 : i32
      %mul3A_76 = arith.muli %add3A_68, %mul3A_75 : i32
      %add3A_77 = arith.addi %mul3A_2, %mul3A_76 : i32
      %dma_start3A_78 = tpu.memref_slice %arg4[%add3A_77] : memref<327680xi32, #tpu.memory_space<hbm>> -> memref<128xi32, #tpu.memory_space<hbm>>
      %dma_start3A_79 = tpu.memref_slice %arg4[%add3A_77] : memref<327680xi32, #tpu.memory_space<hbm>> -> memref<128xi32, #tpu.memory_space<hbm>>
      tpu.enqueue_dma source(%dma_start3A_79 : memref<128xi32, #tpu.memory_space<hbm>>) target(%arg8 : memref<128xi32, #tpu.memory_space<vmem>>) target_semaphore(%arg13 : memref<!tpu.dma_semaphore, #tpu.memory_space<semaphore_mem>>)
      %dma_start3A_80 = arith.constant 0 : i32
      %dma_start3A_81 = arith.constant 0 : i32
      %dma_start3A_82 = tpu.memref_slice %arg11[%dma_start3A_80, %dma_start3A_81] : memref<10128x128xf32, #tpu.memory_space<vmem_shared>> -> memref<10128x128xf32, #tpu.memory_space<vmem_shared>>
      tpu.enqueue_indirect_dma source(%arg9 : memref<128x128xf32, #tpu.memory_space<vmem>>) target(%dma_start3A_82 : memref<10128x128xf32, #tpu.memory_space<vmem_shared>>) offsets(%arg7 : memref<128xi32, #tpu.memory_space<vmem>>) semaphore(%arg14 : memref<!tpu.dma_semaphore, #tpu.memory_space<semaphore_mem>>) {add = true}
      %add3A_83 = arith.constant 1 : i32
      %add3A_84 = arith.addi %mul3A_51, %add3A_83 : i32
      %dma_wait3A_85 = arith.constant 0 : i32
      %dma_wait3A_86 = tpu.memref_slice %arg6[%add3A_84, %dma_wait3A_85] : memref<80x128xi32, #tpu.memory_space<vmem>> -> memref<1x128xi32, #tpu.memory_space<vmem>>
      %dma_wait3A_87 = tpu.memref_squeeze %dma_wait3A_86 : memref<1x128xi32, #tpu.memory_space<vmem>> -> memref<128xi32, #tpu.memory_space<vmem>>
      %dma_wait3A_88 = arith.constant 0 : i32
      %dma_wait3A_89 = arith.constant 0 : i32
      %dma_wait3A_90 = tpu.memref_slice %arg2[%dma_wait3A_88, %dma_wait3A_89] : memref<10000x128xf32, #tpu.memory_space<hbm>> -> memref<10000x128xf32, #tpu.memory_space<hbm>>
      tpu.wait_indirect_dma semaphore(%arg13 : memref<!tpu.dma_semaphore, #tpu.memory_space<semaphore_mem>>) src(%dma_wait3A_90 : memref<10000x128xf32, #tpu.memory_space<hbm>>) dst(%arg10 : memref<128x128xf32, #tpu.memory_space<vmem>>)
      %mul3A_91 = arith.constant 128 : i32
      %mul3A_92 = arith.muli %add3A_84, %mul3A_91 : i32
      %add3A_93 = arith.addi %mul3A_2, %mul3A_92 : i32
      %dma_wait3A_94 = tpu.memref_slice %arg4[%add3A_93] : memref<327680xi32, #tpu.memory_space<hbm>> -> memref<128xi32, #tpu.memory_space<hbm>>
      %dma_wait3A_95 = tpu.memref_slice %arg4[%add3A_93] : memref<327680xi32, #tpu.memory_space<hbm>> -> memref<128xi32, #tpu.memory_space<hbm>>
      tpu.wait_dma2 semaphore(%arg13 : memref<!tpu.dma_semaphore, #tpu.memory_space<semaphore_mem>>) src(%dma_wait3A_95 : memref<128xi32, #tpu.memory_space<hbm>>) dst(%arg8 : memref<128xi32, #tpu.memory_space<vmem>>)
      %dma_wait3A_96 = arith.constant 0 : i32
      %dma_wait3A_97 = arith.constant 0 : i32
      %dma_wait3A_98 = tpu.memref_slice %arg11[%dma_wait3A_96, %dma_wait3A_97] : memref<10128x128xf32, #tpu.memory_space<vmem_shared>> -> memref<10128x128xf32, #tpu.memory_space<vmem_shared>>
      tpu.wait_indirect_dma semaphore(%arg14 : memref<!tpu.dma_semaphore, #tpu.memory_space<semaphore_mem>>) src(%arg9 : memref<128x128xf32, #tpu.memory_space<vmem>>) dst(%dma_wait3A_98 : memref<10128x128xf32, #tpu.memory_space<vmem_shared>>)
      %lt3A_99 = arith.constant 39 : i32
      %lt3A_100 = arith.cmpi slt, %scan3A_49, %lt3A_99 : i32
      %convert_element_type3A_101 = arith.extui %lt3A_100 : i1 to i32
      %cond3A_102 = arith.constant 0 : i32
      %cond3A_103 = arith.cmpi ne, %convert_element_type3A_101, %cond3A_102 : i32
      scf.if %cond3A_103 {
        %add3A_107 = arith.constant 2 : i32
        %add3A_108 = arith.addi %mul3A_51, %add3A_107 : i32
        %dma_start3A_109 = arith.constant 0 : i32
        %dma_start3A_110 = tpu.memref_slice %arg6[%add3A_108, %dma_start3A_109] : memref<80x128xi32, #tpu.memory_space<vmem>> -> memref<1x128xi32, #tpu.memory_space<vmem>>
        %dma_start3A_111 = tpu.memref_squeeze %dma_start3A_110 : memref<1x128xi32, #tpu.memory_space<vmem>> -> memref<128xi32, #tpu.memory_space<vmem>>
        %dma_start3A_112 = arith.constant 0 : i32
        %dma_start3A_113 = arith.constant 0 : i32
        %dma_start3A_114 = tpu.memref_slice %arg2[%dma_start3A_112, %dma_start3A_113] : memref<10000x128xf32, #tpu.memory_space<hbm>> -> memref<10000x128xf32, #tpu.memory_space<hbm>>
        tpu.enqueue_indirect_dma source(%dma_start3A_114 : memref<10000x128xf32, #tpu.memory_space<hbm>>) target(%arg9 : memref<128x128xf32, #tpu.memory_space<vmem>>) offsets(%dma_start3A_111 : memref<128xi32, #tpu.memory_space<vmem>>) semaphore(%arg12 : memref<!tpu.dma_semaphore, #tpu.memory_space<semaphore_mem>>)
        %mul3A_115 = arith.constant 128 : i32
        %mul3A_116 = arith.muli %add3A_108, %mul3A_115 : i32
        %add3A_117 = arith.addi %mul3A_2, %mul3A_116 : i32
        %dma_start3A_118 = tpu.memref_slice %arg4[%add3A_117] : memref<327680xi32, #tpu.memory_space<hbm>> -> memref<128xi32, #tpu.memory_space<hbm>>
        %dma_start3A_119 = tpu.memref_slice %arg4[%add3A_117] : memref<327680xi32, #tpu.memory_space<hbm>> -> memref<128xi32, #tpu.memory_space<hbm>>
        tpu.enqueue_dma source(%dma_start3A_119 : memref<128xi32, #tpu.memory_space<hbm>>) target(%arg7 : memref<128xi32, #tpu.memory_space<vmem>>) target_semaphore(%arg12 : memref<!tpu.dma_semaphore, #tpu.memory_space<semaphore_mem>>)
      } else {
      }
      %dma_start3A_104 = arith.constant 0 : i32
      %dma_start3A_105 = arith.constant 0 : i32
      %dma_start3A_106 = tpu.memref_slice %arg11[%dma_start3A_104, %dma_start3A_105] : memref<10128x128xf32, #tpu.memory_space<vmem_shared>> -> memref<10128x128xf32, #tpu.memory_space<vmem_shared>>
      tpu.enqueue_indirect_dma source(%arg10 : memref<128x128xf32, #tpu.memory_space<vmem>>) target(%dma_start3A_106 : memref<10128x128xf32, #tpu.memory_space<vmem_shared>>) offsets(%arg8 : memref<128xi32, #tpu.memory_space<vmem>>) semaphore(%arg15 : memref<!tpu.dma_semaphore, #tpu.memory_space<semaphore_mem>>) {add = true}
    }
    %scan3A_35 = arith.constant 40 : i32
    %dma_wait3A = arith.constant 0 : i32
    %dma_wait3A_36 = arith.constant 0 : i32
    %dma_wait3A_37 = tpu.memref_slice %arg11[%dma_wait3A, %dma_wait3A_36] : memref<10128x128xf32, #tpu.memory_space<vmem_shared>> -> memref<10128x128xf32, #tpu.memory_space<vmem_shared>>
    tpu.wait_indirect_dma semaphore(%arg15 : memref<!tpu.dma_semaphore, #tpu.memory_space<semaphore_mem>>) src(%arg10 : memref<128x128xf32, #tpu.memory_space<vmem>>) dst(%dma_wait3A_37 : memref<10128x128xf32, #tpu.memory_space<vmem_shared>>)
    %barrier3A_38 = arith.constant 0 : index
    tpu.barrier barrier_id(%barrier3A_38)
    %lt3A_39 = arith.constant 15 : i32
    %lt3A_40 = arith.cmpi slt, %arg1, %lt3A_39 : i32
    %convert_element_type3A_41 = arith.extui %lt3A_40 : i1 to i32
    %cond3A_42 = arith.constant 0 : i32
    %cond3A_43 = arith.cmpi ne, %convert_element_type3A_41, %cond3A_42 : i32
    scf.if %cond3A_43 {
      %mul3A_49 = arith.constant 624 : i32
      %mul3A_50 = arith.muli %arg1, %mul3A_49 : i32
      %mul3A_51 = arith.constant 10000 : i32
      %mul3A_52 = arith.muli %arg0, %mul3A_51 : i32
      %mul3A_53 = arith.constant 624 : i32
      %mul3A_54 = arith.muli %arg1, %mul3A_53 : i32
      %add3A_55 = arith.addi %mul3A_52, %mul3A_54 : i32
      "tpu.region"() ({
        %run_scoped3A = tpu.sem_alloc : memref<!tpu.dma_semaphore, #tpu.memory_space<semaphore_mem>>
        %dma_start3A_56 = arith.constant 0 : i32
        %dma_start3A_57 = tpu.memref_slice %arg5[%add3A_55, %dma_start3A_56] : memref<20000x128xf32, #tpu.memory_space<hbm>> -> memref<624x128xf32, #tpu.memory_space<hbm>>
        %dma_start3A_58 = arith.constant 0 : i32
        %dma_start3A_59 = tpu.memref_slice %arg11[%mul3A_50, %dma_start3A_58] : memref<10128x128xf32, #tpu.memory_space<vmem_shared>> -> memref<624x128xf32, #tpu.memory_space<vmem_shared>>
        tpu.enqueue_dma source(%dma_start3A_59 : memref<624x128xf32, #tpu.memory_space<vmem_shared>>) target(%dma_start3A_57 : memref<624x128xf32, #tpu.memory_space<hbm>>) target_semaphore(%run_scoped3A : memref<!tpu.dma_semaphore, #tpu.memory_space<semaphore_mem>>)
        %dma_wait3A_60 = arith.constant 0 : i32
        %dma_wait3A_61 = tpu.memref_slice %arg5[%add3A_55, %dma_wait3A_60] : memref<20000x128xf32, #tpu.memory_space<hbm>> -> memref<624x128xf32, #tpu.memory_space<hbm>>
        %dma_wait3A_62 = arith.constant 0 : i32
        %dma_wait3A_63 = tpu.memref_slice %arg11[%mul3A_50, %dma_wait3A_62] : memref<10128x128xf32, #tpu.memory_space<vmem_shared>> -> memref<624x128xf32, #tpu.memory_space<vmem_shared>>
        tpu.wait_dma2 semaphore(%run_scoped3A : memref<!tpu.dma_semaphore, #tpu.memory_space<semaphore_mem>>) src(%dma_wait3A_63 : memref<624x128xf32, #tpu.memory_space<vmem_shared>>) dst(%dma_wait3A_61 : memref<624x128xf32, #tpu.memory_space<hbm>>)
        tpu.yield
      }) : () -> ()
    } else {
    }
    %eq3A_44 = arith.constant 15 : i32
    %eq3A_45 = arith.cmpi eq, %arg1, %eq3A_44 : i32
    %convert_element_type3A_46 = arith.extui %eq3A_45 : i1 to i32
    %cond3A_47 = arith.constant 0 : i32
    %cond3A_48 = arith.cmpi ne, %convert_element_type3A_46, %cond3A_47 : i32
    scf.if %cond3A_48 {
      %mul3A_49 = arith.constant 10000 : i32
      %mul3A_50 = arith.muli %arg0, %mul3A_49 : i32
      %add3A_51 = arith.constant 9360 : i32
      %add3A_52 = arith.addi %mul3A_50, %add3A_51 : i32
      "tpu.region"() ({
        %run_scoped3A = tpu.sem_alloc : memref<!tpu.dma_semaphore, #tpu.memory_space<semaphore_mem>>
        %dma_start3A_53 = arith.constant 0 : i32
        %dma_start3A_54 = tpu.memref_slice %arg5[%add3A_52, %dma_start3A_53] : memref<20000x128xf32, #tpu.memory_space<hbm>> -> memref<640x128xf32, #tpu.memory_space<hbm>>
        %dma_start3A_55 = arith.constant 9360 : i32
        %dma_start3A_56 = arith.constant 0 : i32
        %dma_start3A_57 = tpu.memref_slice %arg11[%dma_start3A_55, %dma_start3A_56] : memref<10128x128xf32, #tpu.memory_space<vmem_shared>> -> memref<640x128xf32, #tpu.memory_space<vmem_shared>>
        tpu.enqueue_dma source(%dma_start3A_57 : memref<640x128xf32, #tpu.memory_space<vmem_shared>>) target(%dma_start3A_54 : memref<640x128xf32, #tpu.memory_space<hbm>>) target_semaphore(%run_scoped3A : memref<!tpu.dma_semaphore, #tpu.memory_space<semaphore_mem>>)
        %dma_wait3A_58 = arith.constant 0 : i32
        %dma_wait3A_59 = tpu.memref_slice %arg5[%add3A_52, %dma_wait3A_58] : memref<20000x128xf32, #tpu.memory_space<hbm>> -> memref<640x128xf32, #tpu.memory_space<hbm>>
        %dma_wait3A_60 = arith.constant 9360 : i32
        %dma_wait3A_61 = arith.constant 0 : i32
        %dma_wait3A_62 = tpu.memref_slice %arg11[%dma_wait3A_60, %dma_wait3A_61] : memref<10128x128xf32, #tpu.memory_space<vmem_shared>> -> memref<640x128xf32, #tpu.memory_space<vmem_shared>>
        tpu.wait_dma2 semaphore(%run_scoped3A : memref<!tpu.dma_semaphore, #tpu.memory_space<semaphore_mem>>) src(%dma_wait3A_62 : memref<640x128xf32, #tpu.memory_space<vmem_shared>>) dst(%dma_wait3A_59 : memref<640x128xf32, #tpu.memory_space<hbm>>)
        tpu.yield
      }) : () -> ()
    } else {
    }
    return
  }
}

#map = affine_map<(d0, d1) -> (0, 0)>
#map1 = affine_map<(d0, d1) -> (0, 0, 0)>
#map2 = affine_map<(d0, d1) -> (0)>
module attributes {stable_mosaic.version = 14 : i64} {
  func.func @_sc_edge_body(%arg0: i32, %arg1: i32, %arg2: memref<10000x128xf32, #tpu.memory_space<hbm>>, %arg3: memref<32x80x128xi32, #tpu.memory_space<hbm>>, %arg4: memref<327680xi32, #tpu.memory_space<hbm>>, %arg5: memref<20000x128xf32, #tpu.memory_space<hbm>>, %arg6: memref<80x128xi32, #tpu.memory_space<vmem>>, %arg7: memref<128xi32, #tpu.memory_space<vmem>>, %arg8: memref<128xi32, #tpu.memory_space<vmem>>, %arg9: memref<128x128xf32, #tpu.memory_space<vmem>>, %arg10: memref<128x128xf32, #tpu.memory_space<vmem>>, %arg11: memref<10128x128xf32, #tpu.memory_space<vmem_shared>>, %arg12: memref<!tpu.dma_semaphore, #tpu.memory_space<semaphore_mem>>, %arg13: memref<!tpu.dma_semaphore, #tpu.memory_space<semaphore_mem>>, %arg14: memref<!tpu.dma_semaphore, #tpu.memory_space<semaphore_mem>>, %arg15: memref<!tpu.dma_semaphore, #tpu.memory_space<semaphore_mem>>) attributes {dimension_semantics = [#tpu.dimension_semantics<core_parallel>, #tpu.dimension_semantics<subcore_parallel>], iteration_bounds = array<i64: 2, 16>, scalar_prefetch = 0 : i64, scratch_operands = 10 : i64, tpu.core_type = #tpu.core_type<sc_vector_subcore>, window_params = [{transform_indices = #map}, {transform_indices = #map1}, {transform_indices = #map2}, {transform_indices = #map}]} {
    %mul3A = arith.constant 16 : i32
    %mul3A_0 = arith.muli %arg0, %mul3A : i32
    %add3A = arith.addi %mul3A_0, %arg1 : i32
    %mul3A_1 = arith.constant 10240 : i32
    %mul3A_2 = arith.muli %add3A, %mul3A_1 : i32
    "tpu.region"() ({
      %run_scoped3A = tpu.sem_alloc : memref<!tpu.dma_semaphore, #tpu.memory_space<semaphore_mem>>
      %dma_start3A_49 = arith.constant 0 : i32
      %dma_start3A_50 = arith.constant 0 : i32
      %dma_start3A_51 = tpu.memref_slice %arg3[%add3A, %dma_start3A_49, %dma_start3A_50] : memref<32x80x128xi32, #tpu.memory_space<hbm>> -> memref<1x80x128xi32, #tpu.memory_space<hbm>>
      %dma_start3A_52 = tpu.memref_squeeze %dma_start3A_51 : memref<1x80x128xi32, #tpu.memory_space<hbm>> -> memref<80x128xi32, #tpu.memory_space<hbm>>
      %dma_start3A_53 = arith.constant 0 : i32
      %dma_start3A_54 = arith.constant 0 : i32
      %dma_start3A_55 = tpu.memref_slice %arg3[%add3A, %dma_start3A_53, %dma_start3A_54] : memref<32x80x128xi32, #tpu.memory_space<hbm>> -> memref<1x80x128xi32, #tpu.memory_space<hbm>>
      %dma_start3A_56 = tpu.memref_squeeze %dma_start3A_55 : memref<1x80x128xi32, #tpu.memory_space<hbm>> -> memref<80x128xi32, #tpu.memory_space<hbm>>
      tpu.enqueue_dma source(%dma_start3A_56 : memref<80x128xi32, #tpu.memory_space<hbm>>) target(%arg6 : memref<80x128xi32, #tpu.memory_space<vmem>>) target_semaphore(%run_scoped3A : memref<!tpu.dma_semaphore, #tpu.memory_space<semaphore_mem>>)
      %dma_wait3A_57 = arith.constant 0 : i32
      %dma_wait3A_58 = arith.constant 0 : i32
      %dma_wait3A_59 = tpu.memref_slice %arg3[%add3A, %dma_wait3A_57, %dma_wait3A_58] : memref<32x80x128xi32, #tpu.memory_space<hbm>> -> memref<1x80x128xi32, #tpu.memory_space<hbm>>
      %dma_wait3A_60 = tpu.memref_squeeze %dma_wait3A_59 : memref<1x80x128xi32, #tpu.memory_space<hbm>> -> memref<80x128xi32, #tpu.memory_space<hbm>>
      %dma_wait3A_61 = arith.constant 0 : i32
      %dma_wait3A_62 = arith.constant 0 : i32
      %dma_wait3A_63 = tpu.memref_slice %arg3[%add3A, %dma_wait3A_61, %dma_wait3A_62] : memref<32x80x128xi32, #tpu.memory_space<hbm>> -> memref<1x80x128xi32, #tpu.memory_space<hbm>>
      %dma_wait3A_64 = tpu.memref_squeeze %dma_wait3A_63 : memref<1x80x128xi32, #tpu.memory_space<hbm>> -> memref<80x128xi32, #tpu.memory_space<hbm>>
      tpu.wait_dma2 semaphore(%run_scoped3A : memref<!tpu.dma_semaphore, #tpu.memory_space<semaphore_mem>>) src(%dma_wait3A_64 : memref<80x128xi32, #tpu.memory_space<hbm>>) dst(%arg6 : memref<80x128xi32, #tpu.memory_space<vmem>>)
      tpu.yield
    }) : () -> ()
    %scan3A = arith.constant 0 : i32
    %scan3A_3 = arith.constant 0 : i32
    %scan3A_4 = arith.constant 128 : i32
    %scan3A_5 = arith.addi %scan3A_3, %scan3A_4 : i32
    %scan3A_6 = arith.constant 1 : i32
    scf.for %scan3A_49 = %scan3A_3 to %scan3A_5 step %scan3A_6  : i32 {
      %scan3A_50 = arith.constant 0 : i32
      %scan3A_51 = arith.constant 8 : i32
      %scan3A_52 = arith.addi %scan3A_50, %scan3A_51 : i32
      %scan3A_53 = arith.constant 1 : i32
      scf.for %scan3A_55 = %scan3A_50 to %scan3A_52 step %scan3A_53  : i32 {
        %broadcast_in_dim3A = arith.constant 0.000000e+00 : f32
        %broadcast_in_dim3A_56 = vector.broadcast %broadcast_in_dim3A : f32 to vector<16xf32>
        %mul3A_57 = arith.constant 16 : i32
        %mul3A_58 = arith.muli %scan3A_55, %mul3A_57 : i32
        %swap3A = arith.index_cast %scan3A_49 : i32 to index
        %swap3A_59 = arith.index_cast %mul3A_58 : i32 to index
        %swap3A_60 = tpu.vector_load %arg9[%swap3A, %swap3A_59] {strides = array<i32>} : memref<128x128xf32, #tpu.memory_space<vmem>>, vector<1x16xf32>,
        %swap3A_61 = vector.shape_cast %swap3A_60 : vector<1x16xf32> to vector<16xf32>
        %swap3A_62 = vector.shape_cast %broadcast_in_dim3A_56 : vector<16xf32> to vector<1x16xf32>
        tpu.vector_store %arg9[%swap3A, %swap3A_59], %swap3A_62 {strides = array<i32>} : memref<128x128xf32, #tpu.memory_space<vmem>>, vector<1x16xf32>,
      }
      %scan3A_54 = arith.constant 8 : i32
    }
    %scan3A_7 = arith.constant 128 : i32
    %scan3A_8 = arith.constant 0 : i32
    %scan3A_9 = arith.constant 0 : i32
    %scan3A_10 = arith.constant 4 : i32
    %scan3A_11 = arith.addi %scan3A_9, %scan3A_10 : i32
    %scan3A_12 = arith.constant 1 : i32
    scf.for %scan3A_49 = %scan3A_9 to %scan3A_11 step %scan3A_12  : i32 {
      %mul3A_50 = arith.constant 624 : i32
      %mul3A_51 = arith.muli %arg1, %mul3A_50 : i32
      %mul3A_52 = arith.constant 128 : i32
      %mul3A_53 = arith.muli %scan3A_49, %mul3A_52 : i32
      %add3A_54 = arith.addi %mul3A_51, %mul3A_53 : i32
      "tpu.region"() ({
        %run_scoped3A = tpu.sem_alloc : memref<!tpu.dma_semaphore, #tpu.memory_space<semaphore_mem>>
        %dma_start3A_55 = arith.constant 0 : i32
        %dma_start3A_56 = tpu.memref_slice %arg11[%add3A_54, %dma_start3A_55] : memref<10128x128xf32, #tpu.memory_space<vmem_shared>> -> memref<128x128xf32, #tpu.memory_space<vmem_shared>>
        %dma_start3A_57 = arith.constant 0 : i32
        %dma_start3A_58 = tpu.memref_slice %arg11[%add3A_54, %dma_start3A_57] : memref<10128x128xf32, #tpu.memory_space<vmem_shared>> -> memref<128x128xf32, #tpu.memory_space<vmem_shared>>
        tpu.enqueue_dma source(%arg9 : memref<128x128xf32, #tpu.memory_space<vmem>>) target(%dma_start3A_58 : memref<128x128xf32, #tpu.memory_space<vmem_shared>>) target_semaphore(%run_scoped3A : memref<!tpu.dma_semaphore, #tpu.memory_space<semaphore_mem>>)
        %dma_wait3A_59 = arith.constant 0 : i32
        %dma_wait3A_60 = tpu.memref_slice %arg11[%add3A_54, %dma_wait3A_59] : memref<10128x128xf32, #tpu.memory_space<vmem_shared>> -> memref<128x128xf32, #tpu.memory_space<vmem_shared>>
        %dma_wait3A_61 = arith.constant 0 : i32
        %dma_wait3A_62 = tpu.memref_slice %arg11[%add3A_54, %dma_wait3A_61] : memref<10128x128xf32, #tpu.memory_space<vmem_shared>> -> memref<128x128xf32, #tpu.memory_space<vmem_shared>>
        tpu.wait_dma2 semaphore(%run_scoped3A : memref<!tpu.dma_semaphore, #tpu.memory_space<semaphore_mem>>) src(%arg9 : memref<128x128xf32, #tpu.memory_space<vmem>>) dst(%dma_wait3A_62 : memref<128x128xf32, #tpu.memory_space<vmem_shared>>)
        tpu.yield
      }) : () -> ()
    }
    %scan3A_13 = arith.constant 4 : i32
    %lt3A = arith.constant 15 : i32
    %lt3A_14 = arith.cmpi slt, %arg1, %lt3A : i32
    %convert_element_type3A = arith.extui %lt3A_14 : i1 to i32
    %cond3A = arith.constant 0 : i32
    %cond3A_15 = arith.cmpi ne, %convert_element_type3A, %cond3A : i32
    scf.if %cond3A_15 {
      %mul3A_49 = arith.constant 624 : i32
      %mul3A_50 = arith.muli %arg1, %mul3A_49 : i32
      %add3A_51 = arith.constant 512 : i32
      %add3A_52 = arith.addi %mul3A_50, %add3A_51 : i32
      "tpu.region"() ({
        %run_scoped3A = tpu.sem_alloc : memref<!tpu.dma_semaphore, #tpu.memory_space<semaphore_mem>>
        %dma_start3A_53 = arith.constant 0 : i32
        %dma_start3A_54 = arith.constant 0 : i32
        %dma_start3A_55 = tpu.memref_slice %arg9[%dma_start3A_53, %dma_start3A_54] : memref<128x128xf32, #tpu.memory_space<vmem>> -> memref<112x128xf32, #tpu.memory_space<vmem>>
        %dma_start3A_56 = arith.constant 0 : i32
        %dma_start3A_57 = tpu.memref_slice %arg11[%add3A_52, %dma_start3A_56] : memref<10128x128xf32, #tpu.memory_space<vmem_shared>> -> memref<112x128xf32, #tpu.memory_space<vmem_shared>>
        %dma_start3A_58 = arith.constant 0 : i32
        %dma_start3A_59 = tpu.memref_slice %arg11[%add3A_52, %dma_start3A_58] : memref<10128x128xf32, #tpu.memory_space<vmem_shared>> -> memref<112x128xf32, #tpu.memory_space<vmem_shared>>
        %dma_start3A_60 = arith.constant 0 : i32
        %dma_start3A_61 = arith.constant 0 : i32
        %dma_start3A_62 = tpu.memref_slice %arg9[%dma_start3A_60, %dma_start3A_61] : memref<128x128xf32, #tpu.memory_space<vmem>> -> memref<112x128xf32, #tpu.memory_space<vmem>>
        tpu.enqueue_dma source(%dma_start3A_62 : memref<112x128xf32, #tpu.memory_space<vmem>>) target(%dma_start3A_59 : memref<112x128xf32, #tpu.memory_space<vmem_shared>>) target_semaphore(%run_scoped3A : memref<!tpu.dma_semaphore, #tpu.memory_space<semaphore_mem>>)
        %dma_wait3A_63 = arith.constant 0 : i32
        %dma_wait3A_64 = arith.constant 0 : i32
        %dma_wait3A_65 = tpu.memref_slice %arg9[%dma_wait3A_63, %dma_wait3A_64] : memref<128x128xf32, #tpu.memory_space<vmem>> -> memref<112x128xf32, #tpu.memory_space<vmem>>
        %dma_wait3A_66 = arith.constant 0 : i32
        %dma_wait3A_67 = tpu.memref_slice %arg11[%add3A_52, %dma_wait3A_66] : memref<10128x128xf32, #tpu.memory_space<vmem_shared>> -> memref<112x128xf32, #tpu.memory_space<vmem_shared>>
        %dma_wait3A_68 = arith.constant 0 : i32
        %dma_wait3A_69 = tpu.memref_slice %arg11[%add3A_52, %dma_wait3A_68] : memref<10128x128xf32, #tpu.memory_space<vmem_shared>> -> memref<112x128xf32, #tpu.memory_space<vmem_shared>>
        %dma_wait3A_70 = arith.constant 0 : i32
        %dma_wait3A_71 = arith.constant 0 : i32
        %dma_wait3A_72 = tpu.memref_slice %arg9[%dma_wait3A_70, %dma_wait3A_71] : memref<128x128xf32, #tpu.memory_space<vmem>> -> memref<112x128xf32, #tpu.memory_space<vmem>>
        tpu.wait_dma2 semaphore(%run_scoped3A : memref<!tpu.dma_semaphore, #tpu.memory_space<semaphore_mem>>) src(%dma_wait3A_72 : memref<112x128xf32, #tpu.memory_space<vmem>>) dst(%dma_wait3A_69 : memref<112x128xf32, #tpu.memory_space<vmem_shared>>)
        tpu.yield
      }) : () -> ()
    } else {
    }
    %eq3A = arith.constant 15 : i32
    %eq3A_16 = arith.cmpi eq, %arg1, %eq3A : i32
    %convert_element_type3A_17 = arith.extui %eq3A_16 : i1 to i32
    %cond3A_18 = arith.constant 0 : i32
    %cond3A_19 = arith.cmpi ne, %convert_element_type3A_17, %cond3A_18 : i32
    scf.if %cond3A_19 {
      "tpu.region"() ({
        %run_scoped3A = tpu.sem_alloc : memref<!tpu.dma_semaphore, #tpu.memory_space<semaphore_mem>>
        %dma_start3A_49 = arith.constant 9872 : i32
        %dma_start3A_50 = arith.constant 0 : i32
        %dma_start3A_51 = tpu.memref_slice %arg11[%dma_start3A_49, %dma_start3A_50] : memref<10128x128xf32, #tpu.memory_space<vmem_shared>> -> memref<128x128xf32, #tpu.memory_space<vmem_shared>>
        %dma_start3A_52 = arith.constant 9872 : i32
        %dma_start3A_53 = arith.constant 0 : i32
        %dma_start3A_54 = tpu.memref_slice %arg11[%dma_start3A_52, %dma_start3A_53] : memref<10128x128xf32, #tpu.memory_space<vmem_shared>> -> memref<128x128xf32, #tpu.memory_space<vmem_shared>>
        tpu.enqueue_dma source(%arg9 : memref<128x128xf32, #tpu.memory_space<vmem>>) target(%dma_start3A_54 : memref<128x128xf32, #tpu.memory_space<vmem_shared>>) target_semaphore(%run_scoped3A : memref<!tpu.dma_semaphore, #tpu.memory_space<semaphore_mem>>)
        %dma_wait3A_55 = arith.constant 9872 : i32
        %dma_wait3A_56 = arith.constant 0 : i32
        %dma_wait3A_57 = tpu.memref_slice %arg11[%dma_wait3A_55, %dma_wait3A_56] : memref<10128x128xf32, #tpu.memory_space<vmem_shared>> -> memref<128x128xf32, #tpu.memory_space<vmem_shared>>
        %dma_wait3A_58 = arith.constant 9872 : i32
        %dma_wait3A_59 = arith.constant 0 : i32
        %dma_wait3A_60 = tpu.memref_slice %arg11[%dma_wait3A_58, %dma_wait3A_59] : memref<10128x128xf32, #tpu.memory_space<vmem_shared>> -> memref<128x128xf32, #tpu.memory_space<vmem_shared>>
        tpu.wait_dma2 semaphore(%run_scoped3A : memref<!tpu.dma_semaphore, #tpu.memory_space<semaphore_mem>>) src(%arg9 : memref<128x128xf32, #tpu.memory_space<vmem>>) dst(%dma_wait3A_60 : memref<128x128xf32, #tpu.memory_space<vmem_shared>>)
        tpu.yield
      }) : () -> ()
    } else {
    }
    %barrier3A = arith.constant 0 : index
    tpu.barrier barrier_id(%barrier3A)
    %dma_start3A = arith.constant 0 : i32
    %dma_start3A_20 = arith.constant 0 : i32
    %dma_start3A_21 = tpu.memref_slice %arg6[%dma_start3A, %dma_start3A_20] : memref<80x128xi32, #tpu.memory_space<vmem>> -> memref<1x128xi32, #tpu.memory_space<vmem>>
    %dma_start3A_22 = tpu.memref_squeeze %dma_start3A_21 : memref<1x128xi32, #tpu.memory_space<vmem>> -> memref<128xi32, #tpu.memory_space<vmem>>
    %dma_start3A_23 = arith.constant 0 : i32
    %dma_start3A_24 = arith.constant 0 : i32
    %dma_start3A_25 = tpu.memref_slice %arg2[%dma_start3A_23, %dma_start3A_24] : memref<10000x128xf32, #tpu.memory_space<hbm>> -> memref<10000x128xf32, #tpu.memory_space<hbm>>
    tpu.enqueue_indirect_dma source(%dma_start3A_25 : memref<10000x128xf32, #tpu.memory_space<hbm>>) target(%arg9 : memref<128x128xf32, #tpu.memory_space<vmem>>) offsets(%dma_start3A_22 : memref<128xi32, #tpu.memory_space<vmem>>) semaphore(%arg12 : memref<!tpu.dma_semaphore, #tpu.memory_space<semaphore_mem>>)
    %add3A_26 = arith.constant 0 : i32
    %add3A_27 = arith.addi %mul3A_2, %add3A_26 : i32
    %dma_start3A_28 = tpu.memref_slice %arg4[%add3A_27] : memref<327680xi32, #tpu.memory_space<hbm>> -> memref<128xi32, #tpu.memory_space<hbm>>
    %dma_start3A_29 = tpu.memref_slice %arg4[%add3A_27] : memref<327680xi32, #tpu.memory_space<hbm>> -> memref<128xi32, #tpu.memory_space<hbm>>
    tpu.enqueue_dma source(%dma_start3A_29 : memref<128xi32, #tpu.memory_space<hbm>>) target(%arg7 : memref<128xi32, #tpu.memory_space<vmem>>) target_semaphore(%arg12 : memref<!tpu.dma_semaphore, #tpu.memory_space<semaphore_mem>>)
    %scan3A_30 = arith.constant 0 : i32
    %scan3A_31 = arith.constant 0 : i32
    %scan3A_32 = arith.constant 40 : i32
    %scan3A_33 = arith.addi %scan3A_31, %scan3A_32 : i32
    %scan3A_34 = arith.constant 1 : i32
    scf.for %scan3A_49 = %scan3A_31 to %scan3A_33 step %scan3A_34  : i32 {
      %mul3A_50 = arith.constant 2 : i32
      %mul3A_51 = arith.muli %mul3A_50, %scan3A_49 : i32
      %dma_wait3A_52 = arith.constant 0 : i32
      %dma_wait3A_53 = tpu.memref_slice %arg6[%mul3A_51, %dma_wait3A_52] : memref<80x128xi32, #tpu.memory_space<vmem>> -> memref<1x128xi32, #tpu.memory_space<vmem>>
      %dma_wait3A_54 = tpu.memref_squeeze %dma_wait3A_53 : memref<1x128xi32, #tpu.memory_space<vmem>> -> memref<128xi32, #tpu.memory_space<vmem>>
      %dma_wait3A_55 = arith.constant 0 : i32
      %dma_wait3A_56 = arith.constant 0 : i32
      %dma_wait3A_57 = tpu.memref_slice %arg2[%dma_wait3A_55, %dma_wait3A_56] : memref<10000x128xf32, #tpu.memory_space<hbm>> -> memref<10000x128xf32, #tpu.memory_space<hbm>>
      tpu.wait_indirect_dma semaphore(%arg12 : memref<!tpu.dma_semaphore, #tpu.memory_space<semaphore_mem>>) src(%dma_wait3A_57 : memref<10000x128xf32, #tpu.memory_space<hbm>>) dst(%arg9 : memref<128x128xf32, #tpu.memory_space<vmem>>)
      %mul3A_58 = arith.constant 128 : i32
      %mul3A_59 = arith.muli %mul3A_51, %mul3A_58 : i32
      %add3A_60 = arith.addi %mul3A_2, %mul3A_59 : i32
      %dma_wait3A_61 = tpu.memref_slice %arg4[%add3A_60] : memref<327680xi32, #tpu.memory_space<hbm>> -> memref<128xi32, #tpu.memory_space<hbm>>
      %dma_wait3A_62 = tpu.memref_slice %arg4[%add3A_60] : memref<327680xi32, #tpu.memory_space<hbm>> -> memref<128xi32, #tpu.memory_space<hbm>>
      tpu.wait_dma2 semaphore(%arg12 : memref<!tpu.dma_semaphore, #tpu.memory_space<semaphore_mem>>) src(%dma_wait3A_62 : memref<128xi32, #tpu.memory_space<hbm>>) dst(%arg7 : memref<128xi32, #tpu.memory_space<vmem>>)
      %gt3A = arith.constant 0 : i32
      %gt3A_63 = arith.cmpi sgt, %scan3A_49, %gt3A : i32
      %convert_element_type3A_64 = arith.extui %gt3A_63 : i1 to i32
      %cond3A_65 = arith.constant 0 : i32
      %cond3A_66 = arith.cmpi ne, %convert_element_type3A_64, %cond3A_65 : i32
      scf.if %cond3A_66 {
        %dma_wait3A_107 = arith.constant 0 : i32
        %dma_wait3A_108 = arith.constant 0 : i32
        %dma_wait3A_109 = tpu.memref_slice %arg11[%dma_wait3A_107, %dma_wait3A_108] : memref<10128x128xf32, #tpu.memory_space<vmem_shared>> -> memref<10128x128xf32, #tpu.memory_space<vmem_shared>>
        tpu.wait_indirect_dma semaphore(%arg15 : memref<!tpu.dma_semaphore, #tpu.memory_space<semaphore_mem>>) src(%arg10 : memref<128x128xf32, #tpu.memory_space<vmem>>) dst(%dma_wait3A_109 : memref<10128x128xf32, #tpu.memory_space<vmem_shared>>)
      } else {
      }
      %add3A_67 = arith.constant 1 : i32
      %add3A_68 = arith.addi %mul3A_51, %add3A_67 : i32
      %dma_start3A_69 = arith.constant 0 : i32
      %dma_start3A_70 = tpu.memref_slice %arg6[%add3A_68, %dma_start3A_69] : memref<80x128xi32, #tpu.memory_space<vmem>> -> memref<1x128xi32, #tpu.memory_space<vmem>>
      %dma_start3A_71 = tpu.memref_squeeze %dma_start3A_70 : memref<1x128xi32, #tpu.memory_space<vmem>> -> memref<128xi32, #tpu.memory_space<vmem>>
      %dma_start3A_72 = arith.constant 0 : i32
      %dma_start3A_73 = arith.constant 0 : i32
      %dma_start3A_74 = tpu.memref_slice %arg2[%dma_start3A_72, %dma_start3A_73] : memref<10000x128xf32, #tpu.memory_space<hbm>> -> memref<10000x128xf32, #tpu.memory_space<hbm>>
      tpu.enqueue_indirect_dma source(%dma_start3A_74 : memref<10000x128xf32, #tpu.memory_space<hbm>>) target(%arg10 : memref<128x128xf32, #tpu.memory_space<vmem>>) offsets(%dma_start3A_71 : memref<128xi32, #tpu.memory_space<vmem>>) semaphore(%arg13 : memref<!tpu.dma_semaphore, #tpu.memory_space<semaphore_mem>>)
      %mul3A_75 = arith.constant 128 : i32
      %mul3A_76 = arith.muli %add3A_68, %mul3A_75 : i32
      %add3A_77 = arith.addi %mul3A_2, %mul3A_76 : i32
      %dma_start3A_78 = tpu.memref_slice %arg4[%add3A_77] : memref<327680xi32, #tpu.memory_space<hbm>> -> memref<128xi32, #tpu.memory_space<hbm>>
      %dma_start3A_79 = tpu.memref_slice %arg4[%add3A_77] : memref<327680xi32, #tpu.memory_space<hbm>> -> memref<128xi32, #tpu.memory_space<hbm>>
      tpu.enqueue_dma source(%dma_start3A_79 : memref<128xi32, #tpu.memory_space<hbm>>) target(%arg8 : memref<128xi32, #tpu.memory_space<vmem>>) target_semaphore(%arg13 : memref<!tpu.dma_semaphore, #tpu.memory_space<semaphore_mem>>)
      %dma_start3A_80 = arith.constant 0 : i32
      %dma_start3A_81 = arith.constant 0 : i32
      %dma_start3A_82 = tpu.memref_slice %arg11[%dma_start3A_80, %dma_start3A_81] : memref<10128x128xf32, #tpu.memory_space<vmem_shared>> -> memref<10128x128xf32, #tpu.memory_space<vmem_shared>>
      tpu.enqueue_indirect_dma source(%arg9 : memref<128x128xf32, #tpu.memory_space<vmem>>) target(%dma_start3A_82 : memref<10128x128xf32, #tpu.memory_space<vmem_shared>>) offsets(%arg7 : memref<128xi32, #tpu.memory_space<vmem>>) semaphore(%arg14 : memref<!tpu.dma_semaphore, #tpu.memory_space<semaphore_mem>>) {add = true}
      %add3A_83 = arith.constant 1 : i32
      %add3A_84 = arith.addi %mul3A_51, %add3A_83 : i32
      %dma_wait3A_85 = arith.constant 0 : i32
      %dma_wait3A_86 = tpu.memref_slice %arg6[%add3A_84, %dma_wait3A_85] : memref<80x128xi32, #tpu.memory_space<vmem>> -> memref<1x128xi32, #tpu.memory_space<vmem>>
      %dma_wait3A_87 = tpu.memref_squeeze %dma_wait3A_86 : memref<1x128xi32, #tpu.memory_space<vmem>> -> memref<128xi32, #tpu.memory_space<vmem>>
      %dma_wait3A_88 = arith.constant 0 : i32
      %dma_wait3A_89 = arith.constant 0 : i32
      %dma_wait3A_90 = tpu.memref_slice %arg2[%dma_wait3A_88, %dma_wait3A_89] : memref<10000x128xf32, #tpu.memory_space<hbm>> -> memref<10000x128xf32, #tpu.memory_space<hbm>>
      tpu.wait_indirect_dma semaphore(%arg13 : memref<!tpu.dma_semaphore, #tpu.memory_space<semaphore_mem>>) src(%dma_wait3A_90 : memref<10000x128xf32, #tpu.memory_space<hbm>>) dst(%arg10 : memref<128x128xf32, #tpu.memory_space<vmem>>)
      %mul3A_91 = arith.constant 128 : i32
      %mul3A_92 = arith.muli %add3A_84, %mul3A_91 : i32
      %add3A_93 = arith.addi %mul3A_2, %mul3A_92 : i32
      %dma_wait3A_94 = tpu.memref_slice %arg4[%add3A_93] : memref<327680xi32, #tpu.memory_space<hbm>> -> memref<128xi32, #tpu.memory_space<hbm>>
      %dma_wait3A_95 = tpu.memref_slice %arg4[%add3A_93] : memref<327680xi32, #tpu.memory_space<hbm>> -> memref<128xi32, #tpu.memory_space<hbm>>
      tpu.wait_dma2 semaphore(%arg13 : memref<!tpu.dma_semaphore, #tpu.memory_space<semaphore_mem>>) src(%dma_wait3A_95 : memref<128xi32, #tpu.memory_space<hbm>>) dst(%arg8 : memref<128xi32, #tpu.memory_space<vmem>>)
      %dma_wait3A_96 = arith.constant 0 : i32
      %dma_wait3A_97 = arith.constant 0 : i32
      %dma_wait3A_98 = tpu.memref_slice %arg11[%dma_wait3A_96, %dma_wait3A_97] : memref<10128x128xf32, #tpu.memory_space<vmem_shared>> -> memref<10128x128xf32, #tpu.memory_space<vmem_shared>>
      tpu.wait_indirect_dma semaphore(%arg14 : memref<!tpu.dma_semaphore, #tpu.memory_space<semaphore_mem>>) src(%arg9 : memref<128x128xf32, #tpu.memory_space<vmem>>) dst(%dma_wait3A_98 : memref<10128x128xf32, #tpu.memory_space<vmem_shared>>)
      %lt3A_99 = arith.constant 39 : i32
      %lt3A_100 = arith.cmpi slt, %scan3A_49, %lt3A_99 : i32
      %convert_element_type3A_101 = arith.extui %lt3A_100 : i1 to i32
      %cond3A_102 = arith.constant 0 : i32
      %cond3A_103 = arith.cmpi ne, %convert_element_type3A_101, %cond3A_102 : i32
      scf.if %cond3A_103 {
        %add3A_107 = arith.constant 2 : i32
        %add3A_108 = arith.addi %mul3A_51, %add3A_107 : i32
        %dma_start3A_109 = arith.constant 0 : i32
        %dma_start3A_110 = tpu.memref_slice %arg6[%add3A_108, %dma_start3A_109] : memref<80x128xi32, #tpu.memory_space<vmem>> -> memref<1x128xi32, #tpu.memory_space<vmem>>
        %dma_start3A_111 = tpu.memref_squeeze %dma_start3A_110 : memref<1x128xi32, #tpu.memory_space<vmem>> -> memref<128xi32, #tpu.memory_space<vmem>>
        %dma_start3A_112 = arith.constant 0 : i32
        %dma_start3A_113 = arith.constant 0 : i32
        %dma_start3A_114 = tpu.memref_slice %arg2[%dma_start3A_112, %dma_start3A_113] : memref<10000x128xf32, #tpu.memory_space<hbm>> -> memref<10000x128xf32, #tpu.memory_space<hbm>>
        tpu.enqueue_indirect_dma source(%dma_start3A_114 : memref<10000x128xf32, #tpu.memory_space<hbm>>) target(%arg9 : memref<128x128xf32, #tpu.memory_space<vmem>>) offsets(%dma_start3A_111 : memref<128xi32, #tpu.memory_space<vmem>>) semaphore(%arg12 : memref<!tpu.dma_semaphore, #tpu.memory_space<semaphore_mem>>)
        %mul3A_115 = arith.constant 128 : i32
        %mul3A_116 = arith.muli %add3A_108, %mul3A_115 : i32
        %add3A_117 = arith.addi %mul3A_2, %mul3A_116 : i32
        %dma_start3A_118 = tpu.memref_slice %arg4[%add3A_117] : memref<327680xi32, #tpu.memory_space<hbm>> -> memref<128xi32, #tpu.memory_space<hbm>>
        %dma_start3A_119 = tpu.memref_slice %arg4[%add3A_117] : memref<327680xi32, #tpu.memory_space<hbm>> -> memref<128xi32, #tpu.memory_space<hbm>>
        tpu.enqueue_dma source(%dma_start3A_119 : memref<128xi32, #tpu.memory_space<hbm>>) target(%arg7 : memref<128xi32, #tpu.memory_space<vmem>>) target_semaphore(%arg12 : memref<!tpu.dma_semaphore, #tpu.memory_space<semaphore_mem>>)
      } else {
      }
      %dma_start3A_104 = arith.constant 0 : i32
      %dma_start3A_105 = arith.constant 0 : i32
      %dma_start3A_106 = tpu.memref_slice %arg11[%dma_start3A_104, %dma_start3A_105] : memref<10128x128xf32, #tpu.memory_space<vmem_shared>> -> memref<10128x128xf32, #tpu.memory_space<vmem_shared>>
      tpu.enqueue_indirect_dma source(%arg10 : memref<128x128xf32, #tpu.memory_space<vmem>>) target(%dma_start3A_106 : memref<10128x128xf32, #tpu.memory_space<vmem_shared>>) offsets(%arg8 : memref<128xi32, #tpu.memory_space<vmem>>) semaphore(%arg15 : memref<!tpu.dma_semaphore, #tpu.memory_space<semaphore_mem>>) {add = true}
    }
    %scan3A_35 = arith.constant 40 : i32
    %dma_wait3A = arith.constant 0 : i32
    %dma_wait3A_36 = arith.constant 0 : i32
    %dma_wait3A_37 = tpu.memref_slice %arg11[%dma_wait3A, %dma_wait3A_36] : memref<10128x128xf32, #tpu.memory_space<vmem_shared>> -> memref<10128x128xf32, #tpu.memory_space<vmem_shared>>
    tpu.wait_indirect_dma semaphore(%arg15 : memref<!tpu.dma_semaphore, #tpu.memory_space<semaphore_mem>>) src(%arg10 : memref<128x128xf32, #tpu.memory_space<vmem>>) dst(%dma_wait3A_37 : memref<10128x128xf32, #tpu.memory_space<vmem_shared>>)
    %barrier3A_38 = arith.constant 0 : index
    tpu.barrier barrier_id(%barrier3A_38)
    %lt3A_39 = arith.constant 15 : i32
    %lt3A_40 = arith.cmpi slt, %arg1, %lt3A_39 : i32
    %convert_element_type3A_41 = arith.extui %lt3A_40 : i1 to i32
    %cond3A_42 = arith.constant 0 : i32
    %cond3A_43 = arith.cmpi ne, %convert_element_type3A_41, %cond3A_42 : i32
    scf.if %cond3A_43 {
      %mul3A_49 = arith.constant 624 : i32
      %mul3A_50 = arith.muli %arg1, %mul3A_49 : i32
      %mul3A_51 = arith.constant 10000 : i32
      %mul3A_52 = arith.muli %arg0, %mul3A_51 : i32
      %mul3A_53 = arith.constant 624 : i32
      %mul3A_54 = arith.muli %arg1, %mul3A_53 : i32
      %add3A_55 = arith.addi %mul3A_52, %mul3A_54 : i32
      "tpu.region"() ({
        %run_scoped3A = tpu.sem_alloc : memref<!tpu.dma_semaphore, #tpu.memory_space<semaphore_mem>>
        %dma_start3A_56 = arith.constant 0 : i32
        %dma_start3A_57 = tpu.memref_slice %arg5[%add3A_55, %dma_start3A_56] : memref<20000x128xf32, #tpu.memory_space<hbm>> -> memref<624x128xf32, #tpu.memory_space<hbm>>
        %dma_start3A_58 = arith.constant 0 : i32
        %dma_start3A_59 = tpu.memref_slice %arg11[%mul3A_50, %dma_start3A_58] : memref<10128x128xf32, #tpu.memory_space<vmem_shared>> -> memref<624x128xf32, #tpu.memory_space<vmem_shared>>
        tpu.enqueue_dma source(%dma_start3A_59 : memref<624x128xf32, #tpu.memory_space<vmem_shared>>) target(%dma_start3A_57 : memref<624x128xf32, #tpu.memory_space<hbm>>) target_semaphore(%run_scoped3A : memref<!tpu.dma_semaphore, #tpu.memory_space<semaphore_mem>>)
        %dma_wait3A_60 = arith.constant 0 : i32
        %dma_wait3A_61 = tpu.memref_slice %arg5[%add3A_55, %dma_wait3A_60] : memref<20000x128xf32, #tpu.memory_space<hbm>> -> memref<624x128xf32, #tpu.memory_space<hbm>>
        %dma_wait3A_62 = arith.constant 0 : i32
        %dma_wait3A_63 = tpu.memref_slice %arg11[%mul3A_50, %dma_wait3A_62] : memref<10128x128xf32, #tpu.memory_space<vmem_shared>> -> memref<624x128xf32, #tpu.memory_space<vmem_shared>>
        tpu.wait_dma2 semaphore(%run_scoped3A : memref<!tpu.dma_semaphore, #tpu.memory_space<semaphore_mem>>) src(%dma_wait3A_63 : memref<624x128xf32, #tpu.memory_space<vmem_shared>>) dst(%dma_wait3A_61 : memref<624x128xf32, #tpu.memory_space<hbm>>)
        tpu.yield
      }) : () -> ()
    } else {
    }
    %eq3A_44 = arith.constant 15 : i32
    %eq3A_45 = arith.cmpi eq, %arg1, %eq3A_44 : i32
    %convert_element_type3A_46 = arith.extui %eq3A_45 : i1 to i32
    %cond3A_47 = arith.constant 0 : i32
    %cond3A_48 = arith.cmpi ne, %convert_element_type3A_46, %cond3A_47 : i32
    scf.if %cond3A_48 {
      %mul3A_49 = arith.constant 10000 : i32
      %mul3A_50 = arith.muli %arg0, %mul3A_49 : i32
      %add3A_51 = arith.constant 9360 : i32
      %add3A_52 = arith.addi %mul3A_50, %add3A_51 : i32
      "tpu.region"() ({
        %run_scoped3A = tpu.sem_alloc : memref<!tpu.dma_semaphore, #tpu.memory_space<semaphore_mem>>
        %dma_start3A_53 = arith.constant 0 : i32
        %dma_start3A_54 = tpu.memref_slice %arg5[%add3A_52, %dma_start3A_53] : memref<20000x128xf32, #tpu.memory_space<hbm>> -> memref<640x128xf32, #tpu.memory_space<hbm>>
        %dma_start3A_55 = arith.constant 9360 : i32
        %dma_start3A_56 = arith.constant 0 : i32
        %dma_start3A_57 = tpu.memref_slice %arg11[%dma_start3A_55, %dma_start3A_56] : memref<10128x128xf32, #tpu.memory_space<vmem_shared>> -> memref<640x128xf32, #tpu.memory_space<vmem_shared>>
        tpu.enqueue_dma source(%dma_start3A_57 : memref<640x128xf32, #tpu.memory_space<vmem_shared>>) target(%dma_start3A_54 : memref<640x128xf32, #tpu.memory_space<hbm>>) target_semaphore(%run_scoped3A : memref<!tpu.dma_semaphore, #tpu.memory_space<semaphore_mem>>)
        %dma_wait3A_58 = arith.constant 0 : i32
        %dma_wait3A_59 = tpu.memref_slice %arg5[%add3A_52, %dma_wait3A_58] : memref<20000x128xf32, #tpu.memory_space<hbm>> -> memref<640x128xf32, #tpu.memory_space<hbm>>
        %dma_wait3A_60 = arith.constant 9360 : i32
        %dma_wait3A_61 = arith.constant 0 : i32
        %dma_wait3A_62 = tpu.memref_slice %arg11[%dma_wait3A_60, %dma_wait3A_61] : memref<10128x128xf32, #tpu.memory_space<vmem_shared>> -> memref<640x128xf32, #tpu.memory_space<vmem_shared>>
        tpu.wait_dma2 semaphore(%run_scoped3A : memref<!tpu.dma_semaphore, #tpu.memory_space<semaphore_mem>>) src(%dma_wait3A_62 : memref<640x128xf32, #tpu.memory_space<vmem_shared>>) dst(%dma_wait3A_59 : memref<640x128xf32, #tpu.memory_space<hbm>>)
        tpu.yield
      }) : () -> ()
    } else {
    }
    return
  }
}

module attributes {stable_mosaic.version = 14 : i64} {
  func.func @_tc_layer_body(%arg0: i32, %arg1: memref<2000x128xf32, #tpu.memory_space<vmem>>, %arg2: memref<2000x128xf32, #tpu.memory_space<vmem>>, %arg3: memref<2000x128xf32, #tpu.memory_space<vmem>>, %arg4: memref<128x128xf32, #tpu.memory_space<vmem>>, %arg5: memref<128x128xf32, #tpu.memory_space<vmem>>, %arg6: memref<1x128xf32, #tpu.memory_space<vmem>>, %arg7: memref<2000x128xf32, #tpu.memory_space<vmem>>) attributes {dimension_semantics = [#tpu.dimension_semantics<arbitrary>], iteration_bounds = array<i64: 5>, scalar_prefetch = 0 : i64, scratch_operands = 0 : i64, tpu.core_type = #tpu.core_type<tc>, window_params = [{transform_indices = @transform_0, window_bounds = array<i64: 2000, 128>}, {transform_indices = @transform_1, window_bounds = array<i64: 2000, 128>}, {transform_indices = @transform_2, window_bounds = array<i64: 2000, 128>}, {pipeline_mode = #tpu.pipeline_mode<synchronous>, transform_indices = @transform_3, window_bounds = array<i64: 128, 128>}, {pipeline_mode = #tpu.pipeline_mode<synchronous>, transform_indices = @transform_4, window_bounds = array<i64: 128, 128>}, {pipeline_mode = #tpu.pipeline_mode<synchronous>, transform_indices = @transform_5, window_bounds = array<i64: 1, 128>}, {transform_indices = @transform_6, window_bounds = array<i64: 2000, 128>}]} {
    %get3A = arith.constant 0 : index
    %get3A_0 = arith.constant 0 : index
    %get3A_1 = vector.load %arg1[%get3A, %get3A_0] : memref<2000x128xf32, #tpu.memory_space<vmem>>, vector<2000x128xf32>
    %get3A_2 = arith.constant 0 : index
    %get3A_3 = arith.constant 0 : index
    %get3A_4 = vector.load %arg2[%get3A_2, %get3A_3] : memref<2000x128xf32, #tpu.memory_space<vmem>>, vector<2000x128xf32>
    %add3A = arith.addf %get3A_1, %get3A_4 : vector<2000x128xf32>
    %get3A_5 = arith.constant 0 : index
    %get3A_6 = arith.constant 0 : index
    %get3A_7 = vector.load %arg4[%get3A_5, %get3A_6] : memref<128x128xf32, #tpu.memory_space<vmem>>, vector<128x128xf32>
    %dot_general3A = arith.constant dense<0.000000e+00> : vector<2000x128xf32>
    %dot_general3A_8 = tpu.matmul %add3A, %get3A_7, %dot_general3A {dimension_numbers = #tpu.dot_dimension_numbers<[1], [1], [0], [0], [0, 0, 1, 0], [], []>, transpose_lhs_hint = false} : vector<2000x128xf32>, vector<128x128xf32>, vector<2000x128xf32> -> vector<2000x128xf32>
    %get3A_9 = arith.constant 0 : index
    %get3A_10 = arith.constant 0 : index
    %get3A_11 = vector.load %arg6[%get3A_9, %get3A_10] : memref<1x128xf32, #tpu.memory_space<vmem>>, vector<1x128xf32>
    %add3A_12 = vector.broadcast %get3A_11 : vector<1x128xf32> to vector<2000x128xf32>
    %add3A_13 = arith.addf %dot_general3A_8, %add3A_12 : vector<2000x128xf32>
    %get3A_14 = arith.constant 0 : index
    %get3A_15 = arith.constant 0 : index
    %get3A_16 = vector.load %arg3[%get3A_14, %get3A_15] : memref<2000x128xf32, #tpu.memory_space<vmem>>, vector<2000x128xf32>
    %get3A_17 = arith.constant 0 : index
    %get3A_18 = arith.constant 0 : index
    %get3A_19 = vector.load %arg5[%get3A_17, %get3A_18] : memref<128x128xf32, #tpu.memory_space<vmem>>, vector<128x128xf32>
    %dot_general3A_20 = arith.constant dense<0.000000e+00> : vector<2000x128xf32>
    %dot_general3A_21 = tpu.matmul %get3A_16, %get3A_19, %dot_general3A_20 {dimension_numbers = #tpu.dot_dimension_numbers<[1], [1], [0], [0], [0, 0, 1, 0], [], []>, transpose_lhs_hint = false} : vector<2000x128xf32>, vector<128x128xf32>, vector<2000x128xf32> -> vector<2000x128xf32>
    %add3A_22 = arith.addf %add3A_13, %dot_general3A_21 : vector<2000x128xf32>
    %integer_pow3A = arith.mulf %add3A_22, %add3A_22 : vector<2000x128xf32>
    %integer_pow3A_23 = arith.mulf %add3A_22, %integer_pow3A : vector<2000x128xf32>
    %mul3A = arith.constant 4.471500e-02 : f32
    %mul3A_24 = vector.broadcast %mul3A : f32 to vector<2000x128xf32>
    %mul3A_25 = arith.mulf %mul3A_24, %integer_pow3A_23 : vector<2000x128xf32>
    %add3A_26 = arith.addf %add3A_22, %mul3A_25 : vector<2000x128xf32>
    %mul3A_27 = arith.constant 0.797884583 : f32
    %mul3A_28 = vector.broadcast %mul3A_27 : f32 to vector<2000x128xf32>
    %mul3A_29 = arith.mulf %mul3A_28, %add3A_26 : vector<2000x128xf32>
    %tanh3A = math.tanh %mul3A_29 : vector<2000x128xf32>
    %add3A_30 = arith.constant 1.000000e+00 : f32
    %add3A_31 = vector.broadcast %add3A_30 : f32 to vector<2000x128xf32>
    %add3A_32 = arith.addf %add3A_31, %tanh3A : vector<2000x128xf32>
    %mul3A_33 = arith.constant 5.000000e-01 : f32
    %mul3A_34 = vector.broadcast %mul3A_33 : f32 to vector<2000x128xf32>
    %mul3A_35 = arith.mulf %mul3A_34, %add3A_32 : vector<2000x128xf32>
    %mul3A_36 = arith.mulf %add3A_22, %mul3A_35 : vector<2000x128xf32>
    %swap3A = arith.constant 0 : index
    %swap3A_37 = arith.constant 0 : index
    %swap3A_38 = vector.load %arg7[%swap3A, %swap3A_37] : memref<2000x128xf32, #tpu.memory_space<vmem>>, vector<2000x128xf32>
    tpu.vector_store %arg7[%swap3A, %swap3A_37], %mul3A_36 {strides = array<i32>} : memref<2000x128xf32, #tpu.memory_space<vmem>>, vector<2000x128xf32>,
    return
  }
  func.func @transform_0(%arg0: i32) -> (i32, i32) {
    %c0_i32 = arith.constant 0 : i32
    %c0_i32_0 = arith.constant 0 : i32
    return %arg0, %c0_i32 : i32, i32
  }
  func.func @transform_1(%arg0: i32) -> (i32, i32) {
    %add3A = arith.constant 5 : i32
    %add3A_0 = arith.addi %arg0, %add3A : i32
    %c0_i32 = arith.constant 0 : i32
    %c0_i32_1 = arith.constant 0 : i32
    return %add3A_0, %c0_i32 : i32, i32
  }
  func.func @transform_2(%arg0: i32) -> (i32, i32) {
    %c0_i32 = arith.constant 0 : i32
    %c0_i32_0 = arith.constant 0 : i32
    return %arg0, %c0_i32 : i32, i32
  }
  func.func @transform_3(%arg0: i32) -> (i32, i32) {
    %c0_i32 = arith.constant 0 : i32
    %c0_i32_0 = arith.constant 0 : i32
    %c0_i32_1 = arith.constant 0 : i32
    return %c0_i32, %c0_i32_0 : i32, i32
  }
  func.func @transform_4(%arg0: i32) -> (i32, i32) {
    %c0_i32 = arith.constant 0 : i32
    %c0_i32_0 = arith.constant 0 : i32
    %c0_i32_1 = arith.constant 0 : i32
    return %c0_i32, %c0_i32_0 : i32, i32
  }
  func.func @transform_5(%arg0: i32) -> (i32, i32) {
    %c0_i32 = arith.constant 0 : i32
    %c0_i32_0 = arith.constant 0 : i32
    %c0_i32_1 = arith.constant 0 : i32
    return %c0_i32, %c0_i32_0 : i32, i32
  }
  func.func @transform_6(%arg0: i32) -> (i32, i32) {
    %c0_i32 = arith.constant 0 : i32
    %c0_i32_0 = arith.constant 0 : i32
    return %arg0, %c0_i32 : i32, i32
  }
}

module attributes {stable_mosaic.version = 14 : i64} {
  func.func @_tc_final_body(%arg0: i32, %arg1: memref<2000x128xf32, #tpu.memory_space<vmem>>, %arg2: memref<2000x128xf32, #tpu.memory_space<vmem>>, %arg3: memref<2000x128xf32, #tpu.memory_space<vmem>>, %arg4: memref<128x128xf32, #tpu.memory_space<vmem>>, %arg5: memref<128x128xf32, #tpu.memory_space<vmem>>, %arg6: memref<1x128xf32, #tpu.memory_space<vmem>>, %arg7: memref<1x1x2000xi32, #tpu.memory_space<vmem>>, %arg8: memref<1x128xf32, #tpu.memory_space<vmem>>, %arg9: memref<1xf32, #tpu.memory_space<smem>>, %arg10: memref<256x1xf32, #tpu.memory_space<vmem>>, %arg11: memref<256x128xf32, #tpu.memory_space<vmem>>, %arg12: memref<256x128xf32, #tpu.memory_space<vmem>>) attributes {dimension_semantics = [#tpu.dimension_semantics<arbitrary>], iteration_bounds = array<i64: 5>, scalar_prefetch = 0 : i64, scratch_operands = 2 : i64, tpu.core_type = #tpu.core_type<tc>, window_params = [{transform_indices = @transform_0, window_bounds = array<i64: 2000, 128>}, {transform_indices = @transform_1, window_bounds = array<i64: 2000, 128>}, {transform_indices = @transform_2, window_bounds = array<i64: 2000, 128>}, {pipeline_mode = #tpu.pipeline_mode<synchronous>, transform_indices = @transform_3, window_bounds = array<i64: 128, 128>}, {pipeline_mode = #tpu.pipeline_mode<synchronous>, transform_indices = @transform_4, window_bounds = array<i64: 128, 128>}, {pipeline_mode = #tpu.pipeline_mode<synchronous>, transform_indices = @transform_5, window_bounds = array<i64: 1, 128>}, {transform_indices = @transform_6, window_bounds = array<i64: 1, 1, 2000>}, {pipeline_mode = #tpu.pipeline_mode<synchronous>, transform_indices = @transform_7, window_bounds = array<i64: 1, 128>}, {transform_indices = @transform_8, window_bounds = array<i64: 1>}, {pipeline_mode = #tpu.pipeline_mode<synchronous>, transform_indices = @transform_9, window_bounds = array<i64: 256, 1>}]} {
    %eq3A = arith.constant 0 : i32
    %eq3A_0 = arith.cmpi eq, %arg0, %eq3A : i32
    %convert_element_type3A = arith.extui %eq3A_0 : i1 to i32
    %cond3A = arith.constant 0 : i32
    %cond3A_1 = arith.cmpi ne, %convert_element_type3A, %cond3A : i32
    scf.if %cond3A_1 {
      %broadcast_in_dim3A_71 = arith.constant 0.000000e+00 : f32
      %broadcast_in_dim3A_72 = vector.broadcast %broadcast_in_dim3A_71 : f32 to vector<256x128xf32>
      %swap3A_73 = arith.constant 0 : index
      %swap3A_74 = arith.constant 0 : index
      %swap3A_75 = vector.load %arg11[%swap3A_73, %swap3A_74] : memref<256x128xf32, #tpu.memory_space<vmem>>, vector<256x128xf32>
      tpu.vector_store %arg11[%swap3A_73, %swap3A_74], %broadcast_in_dim3A_72 {strides = array<i32>} : memref<256x128xf32, #tpu.memory_space<vmem>>, vector<256x128xf32>,
      %broadcast_in_dim3A_76 = arith.constant 0.000000e+00 : f32
      %broadcast_in_dim3A_77 = vector.broadcast %broadcast_in_dim3A_76 : f32 to vector<256x128xf32>
      %swap3A_78 = arith.constant 0 : index
      %swap3A_79 = arith.constant 0 : index
      %swap3A_80 = vector.load %arg12[%swap3A_78, %swap3A_79] : memref<256x128xf32, #tpu.memory_space<vmem>>, vector<256x128xf32>
      tpu.vector_store %arg12[%swap3A_78, %swap3A_79], %broadcast_in_dim3A_77 {strides = array<i32>} : memref<256x128xf32, #tpu.memory_space<vmem>>, vector<256x128xf32>,
    } else {
    }
    %get3A = arith.constant 0 : index
    %get3A_2 = arith.constant 0 : index
    %get3A_3 = vector.load %arg1[%get3A, %get3A_2] : memref<2000x128xf32, #tpu.memory_space<vmem>>, vector<2000x128xf32>
    %get3A_4 = arith.constant 0 : index
    %get3A_5 = arith.constant 0 : index
    %get3A_6 = vector.load %arg2[%get3A_4, %get3A_5] : memref<2000x128xf32, #tpu.memory_space<vmem>>, vector<2000x128xf32>
    %add3A = arith.addf %get3A_3, %get3A_6 : vector<2000x128xf32>
    %get3A_7 = arith.constant 0 : index
    %get3A_8 = arith.constant 0 : index
    %get3A_9 = vector.load %arg4[%get3A_7, %get3A_8] : memref<128x128xf32, #tpu.memory_space<vmem>>, vector<128x128xf32>
    %dot_general3A = arith.constant dense<0.000000e+00> : vector<2000x128xf32>
    %dot_general3A_10 = tpu.matmul %add3A, %get3A_9, %dot_general3A {dimension_numbers = #tpu.dot_dimension_numbers<[1], [1], [0], [0], [0, 0, 1, 0], [], []>, transpose_lhs_hint = false} : vector<2000x128xf32>, vector<128x128xf32>, vector<2000x128xf32> -> vector<2000x128xf32>
    %get3A_11 = arith.constant 0 : index
    %get3A_12 = arith.constant 0 : index
    %get3A_13 = vector.load %arg6[%get3A_11, %get3A_12] : memref<1x128xf32, #tpu.memory_space<vmem>>, vector<1x128xf32>
    %add3A_14 = vector.broadcast %get3A_13 : vector<1x128xf32> to vector<2000x128xf32>
    %add3A_15 = arith.addf %dot_general3A_10, %add3A_14 : vector<2000x128xf32>
    %get3A_16 = arith.constant 0 : index
    %get3A_17 = arith.constant 0 : index
    %get3A_18 = vector.load %arg3[%get3A_16, %get3A_17] : memref<2000x128xf32, #tpu.memory_space<vmem>>, vector<2000x128xf32>
    %get3A_19 = arith.constant 0 : index
    %get3A_20 = arith.constant 0 : index
    %get3A_21 = vector.load %arg5[%get3A_19, %get3A_20] : memref<128x128xf32, #tpu.memory_space<vmem>>, vector<128x128xf32>
    %dot_general3A_22 = arith.constant dense<0.000000e+00> : vector<2000x128xf32>
    %dot_general3A_23 = tpu.matmul %get3A_18, %get3A_21, %dot_general3A_22 {dimension_numbers = #tpu.dot_dimension_numbers<[1], [1], [0], [0], [0, 0, 1, 0], [], []>, transpose_lhs_hint = false} : vector<2000x128xf32>, vector<128x128xf32>, vector<2000x128xf32> -> vector<2000x128xf32>
    %add3A_24 = arith.addf %add3A_15, %dot_general3A_23 : vector<2000x128xf32>
    %integer_pow3A = arith.mulf %add3A_24, %add3A_24 : vector<2000x128xf32>
    %integer_pow3A_25 = arith.mulf %add3A_24, %integer_pow3A : vector<2000x128xf32>
    %mul3A = arith.constant 4.471500e-02 : f32
    %mul3A_26 = vector.broadcast %mul3A : f32 to vector<2000x128xf32>
    %mul3A_27 = arith.mulf %mul3A_26, %integer_pow3A_25 : vector<2000x128xf32>
    %add3A_28 = arith.addf %add3A_24, %mul3A_27 : vector<2000x128xf32>
    %mul3A_29 = arith.constant 0.797884583 : f32
    %mul3A_30 = vector.broadcast %mul3A_29 : f32 to vector<2000x128xf32>
    %mul3A_31 = arith.mulf %mul3A_30, %add3A_28 : vector<2000x128xf32>
    %tanh3A = math.tanh %mul3A_31 : vector<2000x128xf32>
    %add3A_32 = arith.constant 1.000000e+00 : f32
    %add3A_33 = vector.broadcast %add3A_32 : f32 to vector<2000x128xf32>
    %add3A_34 = arith.addf %add3A_33, %tanh3A : vector<2000x128xf32>
    %mul3A_35 = arith.constant 5.000000e-01 : f32
    %mul3A_36 = vector.broadcast %mul3A_35 : f32 to vector<2000x128xf32>
    %mul3A_37 = arith.mulf %mul3A_36, %add3A_34 : vector<2000x128xf32>
    %mul3A_38 = arith.mulf %add3A_24, %mul3A_37 : vector<2000x128xf32>
    %get3A_39 = arith.constant 0 : index
    %get3A_40 = arith.constant 0 : index
    %get3A_41 = arith.constant 0 : index
    %get3A_42 = vector.load %arg7[%get3A_39, %get3A_40, %get3A_41] : memref<1x1x2000xi32, #tpu.memory_space<vmem>>, vector<1x1x2000xi32>
    %get3A_43 = vector.shape_cast %get3A_42 : vector<1x1x2000xi32> to vector<1x2000xi32>
    %iota3A = tpu.iota {dimensions = array<i32: 0>} : vector<256x2000xi32>
    %eq3A_44 = vector.broadcast %get3A_43 : vector<1x2000xi32> to vector<256x2000xi32>
    %eq3A_45 = arith.cmpi eq, %eq3A_44, %iota3A : vector<256x2000xi32>
    %convert_element_type3A_46 = arith.extui %eq3A_45 : vector<256x2000xi1> to vector<256x2000xi32>
    %convert_element_type3A_47 = arith.sitofp %convert_element_type3A_46 : vector<256x2000xi32> to vector<256x2000xf32>
    %get3A_48 = arith.constant 0 : index
    %get3A_49 = arith.constant 0 : index
    %get3A_50 = vector.load %arg11[%get3A_48, %get3A_49] : memref<256x128xf32, #tpu.memory_space<vmem>>, vector<256x128xf32>
    %dot_general3A_51 = arith.constant dense<0.000000e+00> : vector<256x128xf32>
    %dot_general3A_52 = tpu.matmul %convert_element_type3A_47, %mul3A_38, %dot_general3A_51 {dimension_numbers = #tpu.dot_dimension_numbers<[1], [0], [0], [1], [0, 0, 1, 1], [], []>, transpose_lhs_hint = false} : vector<256x2000xf32>, vector<2000x128xf32>, vector<256x128xf32> -> vector<256x128xf32>
    %add3A_53 = arith.addf %get3A_50, %dot_general3A_52 : vector<256x128xf32>
    %swap3A = arith.constant 0 : index
    %swap3A_54 = arith.constant 0 : index
    %swap3A_55 = vector.load %arg11[%swap3A, %swap3A_54] : memref<256x128xf32, #tpu.memory_space<vmem>>, vector<256x128xf32>
    tpu.vector_store %arg11[%swap3A, %swap3A_54], %add3A_53 {strides = array<i32>} : memref<256x128xf32, #tpu.memory_space<vmem>>, vector<256x128xf32>,
    %get3A_56 = arith.constant 0 : index
    %get3A_57 = arith.constant 0 : index
    %get3A_58 = vector.load %arg12[%get3A_56, %get3A_57] : memref<256x128xf32, #tpu.memory_space<vmem>>, vector<256x128xf32>
    %broadcast_in_dim3A = arith.constant 1.000000e+00 : f32
    %broadcast_in_dim3A_59 = vector.broadcast %broadcast_in_dim3A : f32 to vector<2000x128xf32>
    %dot_general3A_60 = arith.constant dense<0.000000e+00> : vector<256x128xf32>
    %dot_general3A_61 = tpu.matmul %convert_element_type3A_47, %broadcast_in_dim3A_59, %dot_general3A_60 {dimension_numbers = #tpu.dot_dimension_numbers<[1], [0], [0], [1], [0, 0, 1, 1], [], []>, transpose_lhs_hint = false} : vector<256x2000xf32>, vector<2000x128xf32>, vector<256x128xf32> -> vector<256x128xf32>
    %add3A_62 = arith.addf %get3A_58, %dot_general3A_61 : vector<256x128xf32>
    %swap3A_63 = arith.constant 0 : index
    %swap3A_64 = arith.constant 0 : index
    %swap3A_65 = vector.load %arg12[%swap3A_63, %swap3A_64] : memref<256x128xf32, #tpu.memory_space<vmem>>, vector<256x128xf32>
    tpu.vector_store %arg12[%swap3A_63, %swap3A_64], %add3A_62 {strides = array<i32>} : memref<256x128xf32, #tpu.memory_space<vmem>>, vector<256x128xf32>,
    %eq3A_66 = arith.constant 4 : i32
    %eq3A_67 = arith.cmpi eq, %arg0, %eq3A_66 : i32
    %convert_element_type3A_68 = arith.extui %eq3A_67 : i1 to i32
    %cond3A_69 = arith.constant 0 : i32
    %cond3A_70 = arith.cmpi ne, %convert_element_type3A_68, %cond3A_69 : i32
    scf.if %cond3A_70 {
      %get3A_71 = arith.constant 0 : index
      %get3A_72 = arith.constant 0 : index
      %get3A_73 = vector.load %arg11[%get3A_71, %get3A_72] : memref<256x128xf32, #tpu.memory_space<vmem>>, vector<256x128xf32>
      %get3A_74 = arith.constant 0 : index
      %get3A_75 = arith.constant 0 : index
      %get3A_76 = vector.load %arg12[%get3A_74, %get3A_75] : memref<256x128xf32, #tpu.memory_space<vmem>>, vector<256x128xf32>
      %max3A = arith.constant 1.000000e+00 : f32
      %max3A_77 = vector.broadcast %max3A : f32 to vector<256x128xf32>
      %max3A_78 = arith.maximumf %get3A_76, %max3A_77 : vector<256x128xf32>
      %div3A = arith.divf %get3A_73, %max3A_78 : vector<256x128xf32>
      %get3A_79 = arith.constant 0 : index
      %get3A_80 = arith.constant 0 : index
      %get3A_81 = vector.load %arg8[%get3A_79, %get3A_80] : memref<1x128xf32, #tpu.memory_space<vmem>>, vector<1x128xf32>
      %mul3A_82 = vector.broadcast %get3A_81 : vector<1x128xf32> to vector<256x128xf32>
      %mul3A_83 = arith.mulf %div3A, %mul3A_82 : vector<256x128xf32>
      %reduce_sum3A = arith.constant dense<0.000000e+00> : vector<256xf32>
      %reduce_sum3A_84 = vector.multi_reduction <add>, %mul3A_83, %reduce_sum3A [1] : vector<256x128xf32> to vector<256xf32>
      %broadcast_in_dim3A_85 = vector.shape_cast %reduce_sum3A_84 : vector<256xf32> to vector<256x1xf32>
      %get3A_86 = arith.constant 0 : index
      %get3A_87 = memref.load %arg9[%get3A_86] : memref<1xf32, #tpu.memory_space<smem>>
      %add3A_88 = vector.broadcast %get3A_87 : f32 to vector<256x1xf32>
      %add3A_89 = arith.addf %broadcast_in_dim3A_85, %add3A_88 : vector<256x1xf32>
      %swap3A_90 = arith.constant 0 : index
      %swap3A_91 = arith.constant 0 : index
      %swap3A_92 = vector.load %arg10[%swap3A_90, %swap3A_91] : memref<256x1xf32, #tpu.memory_space<vmem>>, vector<256x1xf32>
      tpu.vector_store %arg10[%swap3A_90, %swap3A_91], %add3A_89 {strides = array<i32>} : memref<256x1xf32, #tpu.memory_space<vmem>>, vector<256x1xf32>,
    } else {
    }
    return
  }
  func.func @transform_0(%arg0: i32) -> (i32, i32) {
    %c0_i32 = arith.constant 0 : i32
    %c0_i32_0 = arith.constant 0 : i32
    return %arg0, %c0_i32 : i32, i32
  }
  func.func @transform_1(%arg0: i32) -> (i32, i32) {
    %add3A = arith.constant 5 : i32
    %add3A_0 = arith.addi %arg0, %add3A : i32
    %c0_i32 = arith.constant 0 : i32
    %c0_i32_1 = arith.constant 0 : i32
    return %add3A_0, %c0_i32 : i32, i32
  }
  func.func @transform_2(%arg0: i32) -> (i32, i32) {
    %c0_i32 = arith.constant 0 : i32
    %c0_i32_0 = arith.constant 0 : i32
    return %arg0, %c0_i32 : i32, i32
  }
  func.func @transform_3(%arg0: i32) -> (i32, i32) {
    %c0_i32 = arith.constant 0 : i32
    %c0_i32_0 = arith.constant 0 : i32
    %c0_i32_1 = arith.constant 0 : i32
    return %c0_i32, %c0_i32_0 : i32, i32
  }
  func.func @transform_4(%arg0: i32) -> (i32, i32) {
    %c0_i32 = arith.constant 0 : i32
    %c0_i32_0 = arith.constant 0 : i32
    %c0_i32_1 = arith.constant 0 : i32
    return %c0_i32, %c0_i32_0 : i32, i32
  }
  func.func @transform_5(%arg0: i32) -> (i32, i32) {
    %c0_i32 = arith.constant 0 : i32
    %c0_i32_0 = arith.constant 0 : i32
    %c0_i32_1 = arith.constant 0 : i32
    return %c0_i32, %c0_i32_0 : i32, i32
  }
  func.func @transform_6(%arg0: i32) -> (i32, i32, i32) {
    %c0_i32 = arith.constant 0 : i32
    %c0_i32_0 = arith.constant 0 : i32
    %c0_i32_1 = arith.constant 0 : i32
    return %arg0, %c0_i32, %c0_i32_0 : i32, i32, i32
  }
  func.func @transform_7(%arg0: i32) -> (i32, i32) {
    %c0_i32 = arith.constant 0 : i32
    %c0_i32_0 = arith.constant 0 : i32
    %c0_i32_1 = arith.constant 0 : i32
    return %c0_i32, %c0_i32_0 : i32, i32
  }
  func.func @transform_8(%arg0: i32) -> i32 {
    %c0_i32 = arith.constant 0 : i32
    %c0_i32_0 = arith.constant 0 : i32
    return %c0_i32 : i32
  }
  func.func @transform_9(%arg0: i32) -> (i32, i32) {
    %c0_i32 = arith.constant 0 : i32
    %c0_i32_0 = arith.constant 0 : i32
    %c0_i32_1 = arith.constant 0 : i32
    return %c0_i32, %c0_i32_0 : i32, i32
  }
}

</mosaic_0001>

<sc_bundles>
// kernel: kernel.10.cloned.1.call-start
scs
__scs_entry_jumppad:
0x0: {  	(pc) =	sbr.rel $0x88, $3  }
0x1: {  	(tag) =	ssettag $0x0;
	lr =	simm.s32 $0x1  }
0x2: {  	[smem:$0x3F90] =	sst lr;
	_ =	strace $0xD0000000  }
0x3: {  	_ = 	snop  }
0x4: {  	_ = 	snop  }
0x5: {  	_ = 	snop  }
0x6: {  	_ = 	snop  }
0x7: {  	_ = 	snop  }
__scs_overlays_trampoline_lowered:
0x8: {  	[smem:$0x3F9F] =	sst s0  }
0x9: {  	[smem:$0x3FA0] =	sst s1  }
0xa: {  	[smem:$0x3FA1] =	sst s2  }
0xb: {  	[smem:$0x3FA2] =	sst s3  }
0xc: {  	[smem:$0x3FA3] =	sst s4  }
0xd: {  	[smem:$0x3FA4] =	sst s5  }
0xe: {  	[smem:$0x3FA5] =	sst s6  }
0xf: {  	[smem:$0x3FA6] =	sst s7  }
0x10: {  	[smem:$0x3FA7] =	sst s8  }
0x11: {  	[smem:$0x3FA8] =	sst s9;
	s0 =	simm.s32 @!p0 $0x0  }
0x12: {  	s1 =	sld [smem:$0x3F8E];
	s0 =	simm.s32 @p0 $0x1  }
0x13: {  	[smem:$0x3FA9] =	sst s0;
	s0 =	simm.s32 @!p1 $0x0  }
0x14: {  	s2 =	sld [smem:$0x3F8D];
	s0 =	simm.s32 @p1 $0x1  }
0x15: {  	[smem:$0x3FAA] =	sst s0;
	s0 =	simm.s32 @!p2 $0x0  }
0x16: {  	s3 =	sld [smem:$0x3FDB];
	s0 =	simm.s32 @p2 $0x1  }
0x17: {  	s4 =	simm.s32 $0x1BF5;
	[smem:$0x3FAC] =	sst s0  }
0x18: {  	s0 =	sld [smem:$0x3F8F];
	_ =	swait.ge [sflag:s4], $0x0  }
0x19: {  	s7 =	sld [smem:$0x3F90]  }
0x1a: {  	s8 =	sadd.s32 $0xFFFFE003, lr  }
0x1b: {  	s9 =	sadd.s32 $0xFFFFFEF7, lr;
	s5 =	simm.s32 $0xFFFFFFFF;
	p2 =	slt.u32 s8, $0xFFFFF086  }
0x1c: {  	p1 =	slt.u32 s9, $0xF7A;
	s5 =	simm.s32 @!p2 $0x0  }
0x1d: {  	s5 =	simm.s32 @p1 $0x1;
	p0 =	seq.s32 s7, s2  }
0x1e: {  	s7 =	smul.u32 @!p0 $0xF7A, s2;
	p2 =	seq.s32 @!p0 s5, $0x0  }
0x1f: {  	s9 =	smul.u32 $0xF7A, s1;
	s8 =	simm.s32 @!p0 $0x1BF5;
	p2 =	por !p2, p0  }
0x20: {  	[sflag:s8] =	ssyncset.s32 @!p0 $0xFFFFF086;
	s6 =	sadd.s32 @!p0 s3, s7;
	s7 =	simm.s32 @!p0 $0x108  }
0x21: {  	s3 =	sadd.s32 s3, s9;
	s6 =	sadd.s32 @!p0 $0x88, s6;
	s7 =	simm.s32 @p2 $0x1082  }
0x22: {  	[simem:s7], [sflag:s8] =	dma.local @!p0 [hbm:s6], $0xF7A  }
0x23: {  	s9 =	sor.u32 $0xD0000000, s2;
	s6 =	simm.s32 $0x108;
	_ =	swait.ge @!p0 [sflag:s8], $0x0  }
0x24: {  	s3 =	sadd.s32 $0x88, s3;
	s6 =	simm.s32 @!p1 $0x1082;
	[sflag:s4] =	ssyncset.s32 $0xFFFFF086  }
0x25: {  	[simem:s6], [sflag:s4] =	dma.local [hbm:s3], $0xF7A  }
0x26: {  	[smem:$0x3F90] =	sst s1;
	(tag) =	ssettag s2;
	_ =	strace s9  }
0x27: {  	s1 =	sld [smem:$0x3FA0]  }
0x28: {  	s2 =	sld [smem:$0x3FA1]  }
0x29: {  	s4 =	sld [smem:$0x3FA3]  }
0x2a: {  	p0 =	seq.s32 s5, $0x0;
	s5 =	sld [smem:$0x3FA4]  }
0x2b: {  	s6 =	sld [smem:$0x3FA5]  }
0x2c: {  	s7 =	sld [smem:$0x3FA6]  }
0x2d: {  	s3 =	simm.s32 $0x108;
	s8 =	sld [smem:$0x3FA7]  }
0x2e: {  	s3 =	simm.s32 @!p0 $0x1082;
	s9 =	sld [smem:$0x3FA8]  }
0x2f: {  	lr =	sadd.s32 s0, s3;
	s0 =	sld [smem:$0x3F9F]  }
0x30: {  	s3 =	sld [smem:$0x3FA2]  }
0x31: {  	[smem:$0x3FAB] =	sst s10  }
0x32: {  	s10 =	sld [smem:$0x3FA9];
	_ =	sdelay $0x3  }
0x33: {  	p0 =	seq.s32 s10, $0x1;
	s10 =	sld [smem:$0x3FAB];
	_ =	sdelay $0x3  }
0x34: {  	[smem:$0x3FAB] =	sst s10  }
0x35: {  	s10 =	sld [smem:$0x3FAA];
	_ =	sdelay $0x3  }
0x36: {  	p1 =	seq.s32 s10, $0x1;
	s10 =	sld [smem:$0x3FAB];
	_ =	sdelay $0x3  }
0x37: {  	[smem:$0x3FAB] =	sst s10  }
0x38: {  	s10 =	sld [smem:$0x3FAC]  }
0x39: {  	_ = 	snop;
	(pc) =	sbr.ind lr, $3  }
0x3a: {  	_ = 	snop  }
0x3b: {  	_ = 	snop  }
0x3c: {  	p2 =	seq.s32 s10, $0x1;
	s10 =	sld [smem:$0x3FAB]  }
0x3d: {  	_ =	shalt  }
0x3e: {  	_ =	shalt  }
0x3f: {  	_ =	shalt  }
0x40: {  	_ =	shalt  }
0x41: {  	_ =	shalt  }
0x42: {  	_ =	shalt  }
0x43: {  	_ =	shalt  }
0x44: {  	_ =	shalt  }
0x45: {  	_ =	shalt  }
0x46: {  	_ =	shalt  }
0x47: {  	_ =	shalt  }
0x48: {  	_ =	shalt  }
0x49: {  	_ =	shalt  }
0x4a: {  	_ =	shalt  }
0x4b: {  	_ =	shalt  }
0x4c: {  	_ =	shalt  }
0x4d: {  	_ =	shalt  }
0x4e: {  	_ =	shalt  }
0x4f: {  	_ =	shalt  }
0x50: {  	_ =	shalt  }
0x51: {  	_ =	shalt  }
0x52: {  	_ =	shalt  }
0x53: {  	_ =	shalt  }
0x54: {  	_ =	shalt  }
0x55: {  	_ =	shalt  }
0x56: {  	_ =	shalt  }
0x57: {  	_ =	shalt  }
0x58: {  	_ =	shalt  }
0x59: {  	_ =	shalt  }
0x5a: {  	_ =	shalt  }
0x5b: {  	_ =	shalt  }
0x5c: {  	_ =	shalt  }
0x5d: {  	_ =	shalt  }
0x5e: {  	_ =	shalt  }
0x5f: {  	_ =	shalt  }
0x60: {  	_ =	shalt  }
0x61: {  	_ =	shalt  }
0x62: {  	_ =	shalt  }
0x63: {  	_ =	shalt  }
0x64: {  	_ =	shalt  }
0x65: {  	_ =	shalt  }
0x66: {  	_ =	shalt  }
0x67: {  	_ =	shalt  }
0x68: {  	_ =	shalt  }
0x69: {  	_ =	shalt  }
0x6a: {  	_ =	shalt  }
0x6b: {  	_ =	shalt  }
0x6c: {  	_ =	shalt  }
0x6d: {  	_ =	shalt  }
0x6e: {  	_ =	shalt  }
0x6f: {  	_ =	shalt  }
0x70: {  	_ =	shalt  }
0x71: {  	_ =	shalt  }
0x72: {  	_ =	shalt  }
0x73: {  	_ =	shalt  }
0x74: {  	_ =	shalt  }
0x75: {  	_ =	shalt  }
0x76: {  	_ =	shalt  }
0x77: {  	_ =	shalt  }
0x78: {  	_ =	shalt  }
0x79: {  	_ =	shalt  }
0x7a: {  	_ =	shalt  }
0x7b: {  	_ =	shalt  }
0x7c: {  	_ =	shalt  }
0x7d: {  	_ =	shalt  }
0x7e: {  	_ =	shalt  }
0x7f: {  	_ =	shalt  }
0x80: {  	_ =	shalt  }
0x81: {  	_ =	shalt  }
0x82: {  	_ =	shalt  }
0x83: {  	_ =	shalt  }
0x84: {  	_ =	shalt  }
0x85: {  	_ =	shalt  }
0x86: {  	_ =	shalt  }
0x87: {  	_ =	shalt  }
.Lfunc_end0:
.L_simem_size_0:
called_computation_lowered:
.L_overlay_start_0:
0x88: {  	s2 =	sld [smem:$0x3FD9]  }
0x89: {  	s3 =	sld [smem:$0x3FFE];
	_ =	sdelay $0x1  }
0x8a: {  	s1 =	srdreg.scid  }
0x8b: {  	s0 =	sand.u32 $0x1, s1  }
0x8c: {  	s17 =	sshll.u32 s0, $0xA;
	s2 =	sadd.s32 s3, s2  }
0x8d: {  	s2 =	sadd.s32 s2, s17  }
0x8e: {  	[smem:$0x3FB7] =	sst s2  }
0x8f: {  	_ = 	snop  }
0x90: {  	s2 =	sld [smem:$0x3FC9];
	(tm) =	ssettm $0x1  }
0x91: {  	s18 =	sld [smem:$0x3FFB];
	_ =	sdelay $0x3  }
0x92: {  	_ =	strace s18  }
0x93: {  	s3 =	sld [smem:$0x3FFC];
	_ =	sdelay $0x3  }
0x94: {  	_ =	strace s3  }
0x95: {  	s3 =	sld [smem:$0x3FFD];
	_ =	sdelay $0x3  }
0x96: {  	_ =	strace s3  }
0x97: {  	_ =	strace $0x8FFFFFFF  }
0x98: {  	s19 =	sld [smem:$0x3FDB];
	_ =	sdelay $0x1  }
0x99: {  	s4 =	simm.s32 $_scs_section_size  }
0x9a: {  	s5 =	simm.s32 $_size__tile_overlayer_lowered;
	s6 =	simm.s32 $_tile_overlayer_lowered  }
0x9b: {  	s22 =	simm.s32 $0x1BFF;
	s21 =	sshll.u32 s6, $0x1;
	s3 =	sadd.s32 s4, s19  }
0x9c: {  	s7 =	simm.s32 $0x0;
	s20 =	sshll.u32 s5, $0x1;
	s5 =	sadd.s32 s21, s3  }
0x9d: {  	[timem:s7], [sflag:s22] =	dma.local [hbm:s5], s20  }
0x9e: {  	_ =	swait.ge [sflag:s22], s20  }
0x9f: {  	s4 =	ssub.s32 $0x0, s20;
	[sflag:s22] =	ssyncset.done $0x0  }
0xa0: {  	[sflag:s22] =	ssyncadd.s32 s4;
	_ =	sdelay $0x1  }
0xa1: {  	s23 =	simm.s32 $0x1B8B  }
0xa2: {  	_ =	swait.ge [sflag:s23], $0x1  }
0xa3: {  	[sflag:s23] =	ssyncset.done $0x0  }
0xa4: {  	s25 =	simm.s32 $0x1B8E;
	s24 =	sld [smem:$0x3FFE];
	[sflag:s23] =	ssyncadd.s32 $0xFFFFFFFF  }
0xa5: {  	s26 =	simm.s32 $execute0_lowered;
	[smem:$0x3FD2] =	sst s25  }
0xa6: {  	s5 =	sshll.u32 s26, $0x1;
	_ =	strace $0x80000046;
	[dreg:$0x1] =	wrdreg $0xFFFFFFFF  }
0xa7: {  	s28 =	simm.s32 $_size_execute0_lowered;
	s3 =	sadd.s32 s3, s5;
	[dreg:$0x0] =	wrdreg $0x0  }
0xa8: {  	s5 =	sshll.u32 s28, $0x1;
	[dreg:$0x2] =	wrdreg s3  }
0xa9: {  	[dreg:$0x3] =	wrdreg s5  }
0xaa: {  	[dreg:$0x4] =	wrdreg $0xC0  }
0xab: {  	_ =	task [dreg:s7], $0x5FFFF  }
0xac: {  	[dreg:$0x1] =	wrdreg $0xFFFFFFFF  }
0xad: {  	[dreg:$0x0] =	wrdreg $0x60  }
0xae: {  	[dreg:$0x2] =	wrdreg s2  }
0xaf: {  	[dreg:$0x3] =	wrdreg s24  }
0xb0: {  	[dreg:$0x4] =	wrdreg $0xA9000  }
0xb1: {  	[dreg:$0x5] =	wrdreg $0x9  }
0xb2: {  	_ =	task.clear_ibuf [dreg:s7], $0x6FFFF;
	_ =	strace $0x90000046  }
0xb3: {  	s29 =	simm.s32 $0x9;
	_ =	strace $0x80000048  }
0xb4: {  	_ =	swait.ge [sflag:s29], $0x1  }
0xb5: {  	[sflag:s29] =	ssyncadd.s32 $0xFFFFFFFF  }
0xb6: {  	_ =	strace $0x90000048  }
0xb7: {  	_ =	sfence  }
0xb8: {  	s30 =	sld [smem:$0x0];
	_ =	sdelay $0x2  }
0xb9: {  	s31 =	sshll.u32 s1, $0xD;
	s1 =	sshrl.u32 s1, $0x2  }
0xba: {  	s3 =	sand.u32 $0x4000, s31;
	s1 =	sadd.s32 s1, s30  }
0xbb: {  	s0 =	sor.u32 s3, s0;
	s1 =	sshll.u32 s1, $0x11  }
0xbc: {  	s0 =	sor.u32 s1, s0  }
0xbd: {  	s0 =	sadd.s32 $0x8F2B, s0  }
0xbe: {  	[sflag:s0] =	ssyncadd.remote.s32 $0x1  }
0xbf: {  	_ =	sfence.sel $0xFFFF  }
0xc0: {  	[dreg:$0x0] =	wrdreg $0xFFFFFFFF;
	(pc) =	sbr.abs _section_cstart, $3  }
0xc1: {  	[dreg:$0x1] =	wrdreg $0xFFFFFFFF  }
0xc2: {  	_ =	task.clear_ibuf [dreg:s7], $0x2FFFF;
	_ =	strace $0x9FFFFFFF  }
0xc3: {  	(tm) =	ssettm $0x7FFFFFFF  }
tec
execute0_lowered:
.L_overlay_start_1:
0x0: {  	(tag) =	ssettag $0x1  }
0x1: {  	s1 =	rddreg [dreg:$0x0]  }
0x2: {  	s0 =	srdreg.scid;
	s2 =	rddreg [dreg:$0x1]  }
0x3: {  	s21 =	stileid.u32;
	s3 =	rddreg [dreg:$0x2];
	s20 =	simm.s32 $0x5  }
0x4: {  	s22 =	simm.s32 $0x80;
	s23 =	simm.s32 $0x2800;
	s8 =	smul.u32 $0x4E000, s21  }
0x5: {  	s24 =	simm.s32 $0x1;
	s28 =	simm.s32 $0x2880;
	s13 =	smul.u32 $0x2700, s21  }
0x6: {  	s29 =	simm.s32 $0x2;
	s0 =	sand.u32 $0x1, s0;
	s14 =	smul.u32 $0x2800, s21  }
0x7: {  	s30 =	simm.s32 $0x3;
	s19 =	sadd.s32 $0xE200, s2;
	s10 =	smul.u32 $0x27100, s0  }
0x8: {  	p0 =	seq.s32 s21, $0xF;
	s4 =	sshll.u32 s0, $0x4;
	s11 =	smul.u32 $0x138800, s0  }
0x9: {  	s7 =	ssub.s32 $0x2, s0;
	s0 =	smul.u32 $0x28000, s0;
	s5 =	sor.u32 s21, s4  }
0xa: {  	s4 =	simm.s32 $0x0;
	s9 =	sshrl.u32 s7, $0x1;
	s25 =	sshrl.u32 s8, $0x2  }
0xb: {  	s8 =	sadd.s32 $0x134800, s3;
	s21 =	simm.s32 $0x2900;
	s5 =	smul.u32 $0x2800, s5  }
0xc: {  	[smem:$0x7FF] =	sst s4;
	s12 =	ssub.s32 s7, s9;
	s26 =	sshrl.u32 s11, $0x3  }
0xd: {  	s10 =	sadd.s32 s13, s10;
	s0 =	sadd.s32 s14, s0;
	_ =	strace $0x80000047  }
0xe: {  	s31 =	sor.u32 $0x180, s0;
	s0 =	sor.u32 $0x200, s0;
	s5 =	sshrl.u32 s5, $0x3  }
0xf: {  	s12 =	smax.u32 s12, $0x1;
	s0 =	sshrl.u32 s0, $0x3;
	s6 =	sadd.s32 s5, s2  }
0x10: {  	s2 =	sadd.s32 $0x18200, s2;
	s9 =	sadd.s32 s19, s5;
	s6 =	sadd.s32 $0x4200, s6  }
0x11: {  	s5 =	sadd.s32 s2, s26;
	s10 =	sadd.s32 s2, s10;
	s2 =	sadd.s32 $0x124800, s3  }
0x12: {  	s16 =	sadd.s32 $0x10, s9;
	s17 =	sadd.s32 $0x20, s9;
	s26 =	simm.s32 $0x6900  }
.Ltmp0:
0x13: {  	[dreg:$0x4] =	wrdreg s6;
	s6 =	sadd.s32 s25, s3;
	(pc) =	sbr.rel .LBB2_1-.Ltmp0, $4  }
0x14: {  	s11 =	sadd.s32 $0x24900, s5;
	s5 =	sshrl.u32 s31, $0x3;
	s25 =	sshrl.u32 @p0 s2, $0x3  }
0x15: {  	s2 =	simm.s32 $0x4;
	s7 =	sadd.s32 $0x10000, s6;
	s13 =	sadd.s32 $0x4000, s6  }
0x16: {  	s14 =	sadd.s32 $0x8000, s6;
	s15 =	sadd.s32 $0xC000, s6;
	s18 =	sadd.s32 s5, s19  }
0x17: {  	v0 =	vimm.f32 $0.0e+00;
	s19 =	sadd.s32 s0, s19;
	s0 =	simm.s32 $0x0;
	[dreg:$0x5] =	wrdreg s7  }
.LBB2_6:
0x18: {  	[spmem:s3] =	stream.indirect.scatter.add.f32 [tilespmem:s26], [sflag:$0x4], $0x80, s28, s22, $0xb8;
	[tilespmem:$0x1E580] =	vst v63  }
0x19: {  	_ =	swait.ge [sflag:s2], $0x4000  }
0x1a: {  	[sflag:s2] =	ssyncset.done $0x0  }
0x1b: {  	[sflag:s2] =	ssyncadd.s32 $0xFFFFC000  }
0x1c: {  	s5 =	simm.s32 @p0 $0x1FC5;
	[bflag:$0x0] =	sbarrier.arrive $0xFFFF  }
0x1d: {  	[hbm:s11], [sflag:s5] =	dma.local @p0 [spmem:s25], $0x2800  }
0x1e: {  	s5 =	simm.s32 @p0 $0x5  }
0x1f: {  	s7 =	stileid.u32;
	s0 =	sadd.s32 $0x1, s0;
	_ =	swait.ge @p0 [sflag:s5], $0x2800  }
0x20: {  	s7 =	sshll.u32 @!p0 s7, $0x6;
	p1 =	sne.s32 s0, s12;
	[sflag:s5] =	ssyncset.done @p0 $0x0  }
0x21: {  	[sflag:s5] =	ssyncadd.s32 @p0 $0xFFFFD800;
	s5 =	sor.u32 @!p0 $0x1C05, s7;
	s7 =	sshrl.u32 @!p0 s6, $0x3  }
0x22: {  	[hbm:s10], [sflag:s5] =	dma.local @!p0 [spmem:s7], $0x2700  }
.Ltmp1:
0x23: {  	_ = 	snop;
	(pc) =	sbr.rel @!p1 .LBB2_7-.Ltmp1, $4  }
0x24: {  	s5 =	simm.s32 @!p0 $0x5  }
0x25: {  	_ =	swait.ge @!p0 [sflag:s5], $0x2700  }
0x26: {  	[sflag:s5] =	ssyncset.done @!p0 $0x0  }
0x27: {  	[sflag:s5] =	ssyncadd.s32 @!p0 $0xFFFFD900  }
.LBB2_1:
0x28: {  	s5 =	rddreg [dreg:$0x4]  }
0x29: {  	[tilespmem:s4], [sflag:$0x5] =	stream.linear.gather [hbm4b:s5+s4], $0x2800, $0x38;
	[tilespmem:$0x1E580] =	vst v63  }
0x2a: {  	_ =	swait.ge [sflag:s20], $0x2800  }
0x2b: {  	[sflag:s20] =	ssyncset.done $0x0  }
0x2c: {  	s31 =	simm.s32 $0x200;
	s5 =	simm.s32 $0x0;
	[sflag:s20] =	ssyncadd.s32 $0xFFFFD800  }
.LBB2_2:
0x2d: {  	p1 =	sne.s32 s31, $0xFE00;
	[tilespmem:s5+$0x2970] =	vst v0  }
0x2e: {  	[tilespmem:s5+$0x2900] =	vst v0  }
0x2f: {  	[tilespmem:s5+$0x2910] =	vst v0  }
.Ltmp2:
0x30: {  	[tilespmem:s5+$0x2920] =	vst v0;
	(pc) =	sbr.rel @p1 .LBB2_2-.Ltmp2, $4  }
0x31: {  	[tilespmem:s5+$0x2930] =	vst v0  }
0x32: {  	[tilespmem:s5+$0x2940] =	vst v0  }
0x33: {  	[tilespmem:s5+$0x2950] =	vst v0  }
0x34: {  	[tilespmem:s5+$0x2960] =	vst v0;
	s5 =	sshra.s32 s31, $0x2;
	s31 =	sadd.s32 $0x200, s31  }
0x35: {  	[tilespmem:s5+$0x2970] =	vst v0  }
0x36: {  	[tilespmem:s5+$0x2900] =	vst v0  }
0x37: {  	[tilespmem:s5+$0x2910] =	vst v0  }
0x38: {  	[tilespmem:s5+$0x2920] =	vst v0  }
0x39: {  	[tilespmem:s5+$0x2930] =	vst v0  }
0x3a: {  	[tilespmem:s5+$0x2940] =	vst v0  }
0x3b: {  	[tilespmem:s5+$0x2950] =	vst v0  }
0x3c: {  	[tilespmem:s5+$0x2960] =	vst v0  }
0x3d: {  	[spmem:s6] =	stream.linear.scatter [tilespmem:s21], [sflag:$0x5], $0x4000, $0x38;
	[tilespmem:$0x1E580] =	vst v63  }
0x3e: {  	_ =	swait.ge [sflag:s20], $0x4000  }
0x3f: {  	[sflag:s20] =	ssyncset.done $0x0  }
0x40: {  	[sflag:s20] =	ssyncadd.s32 $0xFFFFC000  }
0x41: {  	[spmem:s13] =	stream.linear.scatter [tilespmem:s21], [sflag:$0x5], $0x4000, $0x38;
	[tilespmem:$0x1E580] =	vst v63  }
0x42: {  	_ =	swait.ge [sflag:s20], $0x4000  }
0x43: {  	[sflag:s20] =	ssyncset.done $0x0  }
0x44: {  	[sflag:s20] =	ssyncadd.s32 $0xFFFFC000  }
0x45: {  	[spmem:s14] =	stream.linear.scatter [tilespmem:s21], [sflag:$0x5], $0x4000, $0x38;
	[tilespmem:$0x1E580] =	vst v63  }
0x46: {  	_ =	swait.ge [sflag:s20], $0x4000  }
0x47: {  	[sflag:s20] =	ssyncset.done $0x0  }
0x48: {  	[sflag:s20] =	ssyncadd.s32 $0xFFFFC000  }
0x49: {  	[spmem:s15] =	stream.linear.scatter [tilespmem:s21], [sflag:$0x5], $0x4000, $0x38;
	[tilespmem:$0x1E580] =	vst v63  }
0x4a: {  	_ =	swait.ge [sflag:s20], $0x4000  }
0x4b: {  	[sflag:s20] =	ssyncset.done $0x0  }
0x4c: {  	s5 =	simm.s32 @p0 $0x2900;
	[sflag:s20] =	ssyncadd.s32 $0xFFFFC000  }
0x4d: {  	[spmem:s8] =	stream.linear.scatter @p0 [tilespmem:s5], [sflag:$0x5], $0x4000, $0x38;
	[tilespmem:$0x1E580] =	vst v63  }
0x4e: {  	s5 =	simm.s32 @p0 $0x5  }
0x4f: {  	_ =	swait.ge @p0 [sflag:s5], $0x4000  }
0x50: {  	[sflag:s5] =	ssyncset.done @p0 $0x0  }
0x51: {  	s7 =	rddreg [dreg:$0x5];
	[sflag:s5] =	ssyncadd.s32 @p0 $0xFFFFC000;
	s5 =	simm.s32 @!p0 $0x2900  }
0x52: {  	[spmem:s7] =	stream.linear.scatter @!p0 [tilespmem:s5], [sflag:$0x5], $0x3800, $0x38;
	[tilespmem:$0x1E580] =	vst v63  }
0x53: {  	s5 =	simm.s32 @!p0 $0x5  }
0x54: {  	_ =	swait.ge @!p0 [sflag:s5], $0x3800  }
0x55: {  	[sflag:s5] =	ssyncset.done @!p0 $0x0  }
0x56: {  	[sflag:s5] =	ssyncadd.s32 @!p0 $0xFFFFC800  }
0x57: {  	s31 =	simm.s32 $0x0;
	[bflag:$0x0] =	sbarrier.arrive $0xFFFF  }
0x58: {  	[tilespmem:s21], [sflag:$0x1] =	stream.indirect.gather [hbm4b:s1+s22], $0x80, s31, s22, $0xb8;
	[tilespmem:$0x1E580] =	vst v63  }
0x59: {  	_ = 	snop  }
0x5a: {  	[tilespmem:s23], [sflag:$0x1] =	stream.linear.gather [hbm4b:s9+s31], $0x80, $0x38;
	[tilespmem:$0x1E580] =	vst v63  }
0x5b: {  	_ =	swait.ge [sflag:s24], $0x4000  }
0x5c: {  	[sflag:s24] =	ssyncset.done $0x0  }
0x5d: {  	[sflag:s24] =	ssyncadd.s32 $0xFFFFC000  }
0x5e: {  	_ =	swait.ge [sflag:s24], $0x80  }
0x5f: {  	[sflag:s24] =	ssyncset.done $0x0  }
0x60: {  	[sflag:s24] =	ssyncadd.s32 $0xFFFFFF80  }
0x61: {  	[tilespmem:s26], [sflag:$0x2] =	stream.indirect.gather [hbm4b:s1+s22], $0x80, s22, s22, $0xb8;
	[tilespmem:$0x1E580] =	vst v63  }
0x62: {  	_ = 	snop  }
0x63: {  	[tilespmem:s28], [sflag:$0x2] =	stream.linear.gather [hbm4b:s16+s31], $0x80, $0x38;
	[tilespmem:$0x1E580] =	vst v63  }
0x64: {  	_ = 	snop  }
0x65: {  	[spmem:s3] =	stream.indirect.scatter.add.f32 [tilespmem:s21], [sflag:$0x3], $0x80, s23, s22, $0xb8;
	[tilespmem:$0x1E580] =	vst v63  }
0x66: {  	_ =	swait.ge [sflag:s29], $0x4000  }
0x67: {  	[sflag:s29] =	ssyncset.done $0x0  }
0x68: {  	[sflag:s29] =	ssyncadd.s32 $0xFFFFC000  }
0x69: {  	_ =	swait.ge [sflag:s29], $0x80  }
0x6a: {  	[sflag:s29] =	ssyncset.done $0x0  }
0x6b: {  	[sflag:s29] =	ssyncadd.s32 $0xFFFFFF80  }
0x6c: {  	_ =	swait.ge [sflag:s30], $0x4000  }
0x6d: {  	[sflag:s30] =	ssyncset.done $0x0  }
0x6e: {  	s7 =	simm.s32 $0x100;
	[sflag:s30] =	ssyncadd.s32 $0xFFFFC000  }
0x6f: {  	[tilespmem:s21], [sflag:$0x1] =	stream.indirect.gather [hbm4b:s1+s22], $0x80, s7, s22, $0xb8;
	[tilespmem:$0x1E580] =	vst v63  }
0x70: {  	_ = 	snop  }
0x71: {  	[tilespmem:s23], [sflag:$0x1] =	stream.linear.gather [hbm4b:s17+s31], $0x80, $0x38;
	[tilespmem:$0x1E580] =	vst v63  }
0x72: {  	s5 =	simm.s32 $0x180  }
0x73: {  	[spmem:s3] =	stream.indirect.scatter.add.f32 [tilespmem:s26], [sflag:$0x4], $0x80, s28, s22, $0xb8;
	[tilespmem:$0x1E580] =	vst v63  }
.LBB2_4:
0x74: {  	_ =	swait.ge [sflag:s24], $0x4000  }
0x75: {  	[sflag:s24] =	ssyncset.done $0x0  }
0x76: {  	[sflag:s24] =	ssyncadd.s32 $0xFFFFC000  }
0x77: {  	_ =	swait.ge [sflag:s24], $0x80  }
0x78: {  	[sflag:s24] =	ssyncset.done $0x0  }
0x79: {  	[sflag:s24] =	ssyncadd.s32 $0xFFFFFF80  }
0x7a: {  	_ =	swait.ge [sflag:s2], $0x4000  }
0x7b: {  	[sflag:s2] =	ssyncset.done $0x0  }
0x7c: {  	[sflag:s2] =	ssyncadd.s32 $0xFFFFC000  }
0x7d: {  	[tilespmem:s26], [sflag:$0x2] =	stream.indirect.gather [hbm4b:s1+s22], $0x80, s5, s22, $0xb8;
	[tilespmem:$0x1E580] =	vst v63  }
0x7e: {  	s7 =	sadd.s32 s31, s18  }
0x7f: {  	[tilespmem:s28], [sflag:$0x2] =	stream.linear.gather [hbm4b:s7+s4], $0x80, $0x38;
	[tilespmem:$0x1E580] =	vst v63  }
0x80: {  	_ = 	snop  }
0x81: {  	[spmem:s3] =	stream.indirect.scatter.add.f32 [tilespmem:s21], [sflag:$0x3], $0x80, s23, s22, $0xb8;
	[tilespmem:$0x1E580] =	vst v63  }
0x82: {  	_ =	swait.ge [sflag:s29], $0x4000  }
0x83: {  	[sflag:s29] =	ssyncset.done $0x0  }
0x84: {  	[sflag:s29] =	ssyncadd.s32 $0xFFFFC000  }
0x85: {  	p1 =	seq.s32 s31, $0x4C0;
	_ =	swait.ge [sflag:s29], $0x80  }
.Ltmp3:
0x86: {  	[sflag:s29] =	ssyncset.done $0x0;
	(pc) =	sbr.rel @p1 .LBB2_6-.Ltmp3, $4  }
0x87: {  	[sflag:s29] =	ssyncadd.s32 $0xFFFFFF80  }
0x88: {  	_ =	swait.ge [sflag:s30], $0x4000  }
0x89: {  	[sflag:s30] =	ssyncset.done $0x0  }
0x8a: {  	[sflag:s30] =	ssyncadd.s32 $0xFFFFC000  }
0x8b: {  	s7 =	sadd.s32 $0x80, s5  }
0x8c: {  	[tilespmem:s21], [sflag:$0x1] =	stream.indirect.gather [hbm4b:s1+s22], $0x80, s7, s22, $0xb8;
	[tilespmem:$0x1E580] =	vst v63  }
.Ltmp4:
0x8d: {  	_ = 	snop;
	(pc) =	sbr.rel .LBB2_4-.Ltmp4, $4  }
0x8e: {  	s7 =	sadd.s32 s31, s19  }
0x8f: {  	[tilespmem:s23], [sflag:$0x1] =	stream.linear.gather [hbm4b:s7+s4], $0x80, $0x38;
	[tilespmem:$0x1E580] =	vst v63  }
0x90: {  	s5 =	sadd.s32 $0x100, s5;
	s31 =	sadd.s32 $0x20, s31  }
0x91: {  	[spmem:s3] =	stream.indirect.scatter.add.f32 [tilespmem:s26], [sflag:$0x4], $0x80, s28, s22, $0xb8;
	[tilespmem:$0x1E580] =	vst v63  }
.LBB2_7:
0x92: {  	_ =	sfence.sel $0x180000  }
0x93: {  	[bflag:$0x0] =	sbarrier.arrive $0xFFFF  }
0x94: {  	_ =	strace $0x90000047  }
0x95: {  	s0 =	stileid.u32;
	[bflag:$0x2] =	sbarrier.arrive $0xFFFF  }
0x96: {  	p0 =	sne.s32 s0, $0x0;
	s0 =	rddreg [dreg:$0x3]  }
0x97: {  	s0 =	sadd.s32 @!p0 $0x100000, s0  }
0x98: {  	[sflag:s0] =	ssyncadd.tile.s32 @!p0 $0x1;
	_ =	shalt  }
.Lfunc_end2:
_tile_overlayer_lowered:
.L_overlay_start_2:
0x99: {  	(tag) =	ssettag $0x2  }
0x9a: {  	s0 =	rddreg [dreg:$0x0];
	s2 =	stileid.u32  }
0x9b: {  	s1 =	rddreg [dreg:$0x1];
	p0 =	sne.s32 s2, $0x0  }
0x9c: {  	s3 =	rddreg [dreg:$0x2];
	[bflag:$0x3] =	sbarrier.arrive $0xFFFF;
	s2 =	simm.s32 @!p0 $0x1C05  }
0x9d: {  	[timem:s3], [sflag:s2] =	dma.local @!p0 [hbm:s0], s1  }
0x9e: {  	s0 =	simm.s32 @!p0 $0x5  }
0x9f: {  	_ =	swait.ge @!p0 [sflag:s0], s1  }
0xa0: {  	s1 =	ssub.s32 @!p0 $0x0, s1;
	[sflag:s0] =	ssyncset.done @!p0 $0x0  }
0xa1: {  	[sflag:s0] =	ssyncadd.s32 @!p0 s1  }
0xa2: {  	[bflag:$0x3] =	sbarrier.arrive $0xFFFF  }
0xa3: {  	_ =	shalt  }

// kernel: kernel.13.cloned.1.call-start
scs
__scs_entry_jumppad:
0x0: {  	(pc) =	sbr.rel $0x88, $3  }
0x1: {  	(tag) =	ssettag $0x0;
	lr =	simm.s32 $0x1  }
0x2: {  	[smem:$0x3F90] =	sst lr;
	_ =	strace $0xD0000000  }
0x3: {  	_ = 	snop  }
0x4: {  	_ = 	snop  }
0x5: {  	_ = 	snop  }
0x6: {  	_ = 	snop  }
0x7: {  	_ = 	snop  }
__scs_overlays_trampoline_lowered:
0x8: {  	[smem:$0x3F9F] =	sst s0  }
0x9: {  	[smem:$0x3FA0] =	sst s1  }
0xa: {  	[smem:$0x3FA1] =	sst s2  }
0xb: {  	[smem:$0x3FA2] =	sst s3  }
0xc: {  	[smem:$0x3FA3] =	sst s4  }
0xd: {  	[smem:$0x3FA4] =	sst s5  }
0xe: {  	[smem:$0x3FA5] =	sst s6  }
0xf: {  	[smem:$0x3FA6] =	sst s7  }
0x10: {  	[smem:$0x3FA7] =	sst s8  }
0x11: {  	[smem:$0x3FA8] =	sst s9;
	s0 =	simm.s32 @!p0 $0x0  }
0x12: {  	s1 =	sld [smem:$0x3F8E];
	s0 =	simm.s32 @p0 $0x1  }
0x13: {  	[smem:$0x3FA9] =	sst s0;
	s0 =	simm.s32 @!p1 $0x0  }
0x14: {  	s2 =	sld [smem:$0x3F8D];
	s0 =	simm.s32 @p1 $0x1  }
0x15: {  	[smem:$0x3FAA] =	sst s0;
	s0 =	simm.s32 @!p2 $0x0  }
0x16: {  	s3 =	sld [smem:$0x3FDB];
	s0 =	simm.s32 @p2 $0x1  }
0x17: {  	s4 =	simm.s32 $0x1BF5;
	[smem:$0x3FAC] =	sst s0  }
0x18: {  	s0 =	sld [smem:$0x3F8F];
	_ =	swait.ge [sflag:s4], $0x0  }
0x19: {  	s7 =	sld [smem:$0x3F90]  }
0x1a: {  	s8 =	sadd.s32 $0xFFFFE003, lr  }
0x1b: {  	s9 =	sadd.s32 $0xFFFFFEF7, lr;
	s5 =	simm.s32 $0xFFFFFFFF;
	p2 =	slt.u32 s8, $0xFFFFF086  }
0x1c: {  	p1 =	slt.u32 s9, $0xF7A;
	s5 =	simm.s32 @!p2 $0x0  }
0x1d: {  	s5 =	simm.s32 @p1 $0x1;
	p0 =	seq.s32 s7, s2  }
0x1e: {  	s7 =	smul.u32 @!p0 $0xF7A, s2;
	p2 =	seq.s32 @!p0 s5, $0x0  }
0x1f: {  	s9 =	smul.u32 $0xF7A, s1;
	s8 =	simm.s32 @!p0 $0x1BF5;
	p2 =	por !p2, p0  }
0x20: {  	[sflag:s8] =	ssyncset.s32 @!p0 $0xFFFFF086;
	s6 =	sadd.s32 @!p0 s3, s7;
	s7 =	simm.s32 @!p0 $0x108  }
0x21: {  	s3 =	sadd.s32 s3, s9;
	s6 =	sadd.s32 @!p0 $0x88, s6;
	s7 =	simm.s32 @p2 $0x1082  }
0x22: {  	[simem:s7], [sflag:s8] =	dma.local @!p0 [hbm:s6], $0xF7A  }
0x23: {  	s9 =	sor.u32 $0xD0000000, s2;
	s6 =	simm.s32 $0x108;
	_ =	swait.ge @!p0 [sflag:s8], $0x0  }
0x24: {  	s3 =	sadd.s32 $0x88, s3;
	s6 =	simm.s32 @!p1 $0x1082;
	[sflag:s4] =	ssyncset.s32 $0xFFFFF086  }
0x25: {  	[simem:s6], [sflag:s4] =	dma.local [hbm:s3], $0xF7A  }
0x26: {  	[smem:$0x3F90] =	sst s1;
	(tag) =	ssettag s2;
	_ =	strace s9  }
0x27: {  	s1 =	sld [smem:$0x3FA0]  }
0x28: {  	s2 =	sld [smem:$0x3FA1]  }
0x29: {  	s4 =	sld [smem:$0x3FA3]  }
0x2a: {  	p0 =	seq.s32 s5, $0x0;
	s5 =	sld [smem:$0x3FA4]  }
0x2b: {  	s6 =	sld [smem:$0x3FA5]  }
0x2c: {  	s7 =	sld [smem:$0x3FA6]  }
0x2d: {  	s3 =	simm.s32 $0x108;
	s8 =	sld [smem:$0x3FA7]  }
0x2e: {  	s3 =	simm.s32 @!p0 $0x1082;
	s9 =	sld [smem:$0x3FA8]  }
0x2f: {  	lr =	sadd.s32 s0, s3;
	s0 =	sld [smem:$0x3F9F]  }
0x30: {  	s3 =	sld [smem:$0x3FA2]  }
0x31: {  	[smem:$0x3FAB] =	sst s10  }
0x32: {  	s10 =	sld [smem:$0x3FA9];
	_ =	sdelay $0x3  }
0x33: {  	p0 =	seq.s32 s10, $0x1;
	s10 =	sld [smem:$0x3FAB];
	_ =	sdelay $0x3  }
0x34: {  	[smem:$0x3FAB] =	sst s10  }
0x35: {  	s10 =	sld [smem:$0x3FAA];
	_ =	sdelay $0x3  }
0x36: {  	p1 =	seq.s32 s10, $0x1;
	s10 =	sld [smem:$0x3FAB];
	_ =	sdelay $0x3  }
0x37: {  	[smem:$0x3FAB] =	sst s10  }
0x38: {  	s10 =	sld [smem:$0x3FAC]  }
0x39: {  	_ = 	snop;
	(pc) =	sbr.ind lr, $3  }
0x3a: {  	_ = 	snop  }
0x3b: {  	_ = 	snop  }
0x3c: {  	p2 =	seq.s32 s10, $0x1;
	s10 =	sld [smem:$0x3FAB]  }
0x3d: {  	_ =	shalt  }
0x3e: {  	_ =	shalt  }
0x3f: {  	_ =	shalt  }
0x40: {  	_ =	shalt  }
0x41: {  	_ =	shalt  }
0x42: {  	_ =	shalt  }
0x43: {  	_ =	shalt  }
0x44: {  	_ =	shalt  }
0x45: {  	_ =	shalt  }
0x46: {  	_ =	shalt  }
0x47: {  	_ =	shalt  }
0x48: {  	_ =	shalt  }
0x49: {  	_ =	shalt  }
0x4a: {  	_ =	shalt  }
0x4b: {  	_ =	shalt  }
0x4c: {  	_ =	shalt  }
0x4d: {  	_ =	shalt  }
0x4e: {  	_ =	shalt  }
0x4f: {  	_ =	shalt  }
0x50: {  	_ =	shalt  }
0x51: {  	_ =	shalt  }
0x52: {  	_ =	shalt  }
0x53: {  	_ =	shalt  }
0x54: {  	_ =	shalt  }
0x55: {  	_ =	shalt  }
0x56: {  	_ =	shalt  }
0x57: {  	_ =	shalt  }
0x58: {  	_ =	shalt  }
0x59: {  	_ =	shalt  }
0x5a: {  	_ =	shalt  }
0x5b: {  	_ =	shalt  }
0x5c: {  	_ =	shalt  }
0x5d: {  	_ =	shalt  }
0x5e: {  	_ =	shalt  }
0x5f: {  	_ =	shalt  }
0x60: {  	_ =	shalt  }
0x61: {  	_ =	shalt  }
0x62: {  	_ =	shalt  }
0x63: {  	_ =	shalt  }
0x64: {  	_ =	shalt  }
0x65: {  	_ =	shalt  }
0x66: {  	_ =	shalt  }
0x67: {  	_ =	shalt  }
0x68: {  	_ =	shalt  }
0x69: {  	_ =	shalt  }
0x6a: {  	_ =	shalt  }
0x6b: {  	_ =	shalt  }
0x6c: {  	_ =	shalt  }
0x6d: {  	_ =	shalt  }
0x6e: {  	_ =	shalt  }
0x6f: {  	_ =	shalt  }
0x70: {  	_ =	shalt  }
0x71: {  	_ =	shalt  }
0x72: {  	_ =	shalt  }
0x73: {  	_ =	shalt  }
0x74: {  	_ =	shalt  }
0x75: {  	_ =	shalt  }
0x76: {  	_ =	shalt  }
0x77: {  	_ =	shalt  }
0x78: {  	_ =	shalt  }
0x79: {  	_ =	shalt  }
0x7a: {  	_ =	shalt  }
0x7b: {  	_ =	shalt  }
0x7c: {  	_ =	shalt  }
0x7d: {  	_ =	shalt  }
0x7e: {  	_ =	shalt  }
0x7f: {  	_ =	shalt  }
0x80: {  	_ =	shalt  }
0x81: {  	_ =	shalt  }
0x82: {  	_ =	shalt  }
0x83: {  	_ =	shalt  }
0x84: {  	_ =	shalt  }
0x85: {  	_ =	shalt  }
0x86: {  	_ =	shalt  }
0x87: {  	_ =	shalt  }
.Lfunc_end0:
.L_simem_size_0:
called_computation.1_lowered:
.L_overlay_start_0:
0x88: {  	s2 =	sld [smem:$0x3FD9]  }
0x89: {  	s3 =	sld [smem:$0x3FFE];
	_ =	sdelay $0x1  }
0x8a: {  	s1 =	srdreg.scid  }
0x8b: {  	s0 =	sand.u32 $0x1, s1  }
0x8c: {  	s16 =	sshll.u32 s0, $0xA;
	s2 =	sadd.s32 s3, s2  }
0x8d: {  	s2 =	sadd.s32 s2, s16  }
0x8e: {  	[smem:$0x3FB7] =	sst s2  }
0x8f: {  	_ = 	snop  }
0x90: {  	(tm) =	ssettm $0x1  }
0x91: {  	s17 =	sld [smem:$0x3FFB];
	_ =	sdelay $0x3  }
0x92: {  	_ =	strace s17  }
0x93: {  	s2 =	sld [smem:$0x3FFC];
	_ =	sdelay $0x3  }
0x94: {  	_ =	strace s2  }
0x95: {  	s2 =	sld [smem:$0x3FFD];
	_ =	sdelay $0x3  }
0x96: {  	_ =	strace s2  }
0x97: {  	_ =	strace $0x8FFFFFFF  }
0x98: {  	s18 =	sld [smem:$0x3FDB];
	_ =	sdelay $0x1  }
0x99: {  	s19 =	simm.s32 $_scs_section_size  }
0x9a: {  	s4 =	simm.s32 $_size__tile_overlayer_lowered;
	s5 =	simm.s32 $_tile_overlayer_lowered  }
0x9b: {  	s22 =	simm.s32 $0x1BFF;
	s21 =	sshll.u32 s5, $0x1;
	s2 =	sadd.s32 s19, s18  }
0x9c: {  	s6 =	simm.s32 $0x0;
	s20 =	sshll.u32 s4, $0x1;
	s4 =	sadd.s32 s21, s2  }
0x9d: {  	[timem:s6], [sflag:s22] =	dma.local [hbm:s4], s20  }
0x9e: {  	_ =	swait.ge [sflag:s22], s20  }
0x9f: {  	s3 =	ssub.s32 $0x0, s20;
	[sflag:s22] =	ssyncset.done $0x0  }
0xa0: {  	[sflag:s22] =	ssyncadd.s32 s3;
	_ =	sdelay $0x1  }
0xa1: {  	s23 =	simm.s32 $0x1B8B  }
0xa2: {  	_ =	swait.ge [sflag:s23], $0x1  }
0xa3: {  	[sflag:s23] =	ssyncset.done $0x0  }
0xa4: {  	s25 =	simm.s32 $0x1B8E;
	s24 =	sld [smem:$0x3FFE];
	[sflag:s23] =	ssyncadd.s32 $0xFFFFFFFF  }
0xa5: {  	s26 =	simm.s32 $execute0_lowered;
	[smem:$0x3FD2] =	sst s25  }
0xa6: {  	s4 =	sshll.u32 s26, $0x1;
	_ =	strace $0x80000049;
	[dreg:$0x1] =	wrdreg $0xFFFFFFFF  }
0xa7: {  	s28 =	simm.s32 $_size_execute0_lowered;
	s2 =	sadd.s32 s2, s4;
	[dreg:$0x0] =	wrdreg $0x0  }
0xa8: {  	s4 =	sshll.u32 s28, $0x1;
	[dreg:$0x2] =	wrdreg s2  }
0xa9: {  	[dreg:$0x3] =	wrdreg s4  }
0xaa: {  	[dreg:$0x4] =	wrdreg $0xC0  }
0xab: {  	_ =	task [dreg:s6], $0x5FFFF  }
0xac: {  	[dreg:$0x1] =	wrdreg $0xFFFFFFFF  }
0xad: {  	[dreg:$0x0] =	wrdreg $0x60  }
0xae: {  	[dreg:$0x2] =	wrdreg s24  }
0xaf: {  	[dreg:$0x3] =	wrdreg $0xA9000  }
0xb0: {  	[dreg:$0x4] =	wrdreg $0x9  }
0xb1: {  	_ =	task.clear_ibuf [dreg:s6], $0x5FFFF;
	_ =	strace $0x90000049  }
0xb2: {  	s29 =	simm.s32 $0x9;
	_ =	strace $0x8000004B  }
0xb3: {  	_ =	swait.ge [sflag:s29], $0x1  }
0xb4: {  	[sflag:s29] =	ssyncadd.s32 $0xFFFFFFFF  }
0xb5: {  	_ =	strace $0x9000004B  }
0xb6: {  	_ =	sfence  }
0xb7: {  	s30 =	sld [smem:$0x0];
	_ =	sdelay $0x2  }
0xb8: {  	s31 =	sshll.u32 s1, $0xD;
	s1 =	sshrl.u32 s1, $0x2  }
0xb9: {  	s3 =	sand.u32 $0x4000, s31;
	s1 =	sadd.s32 s1, s30  }
0xba: {  	s0 =	sor.u32 s3, s0;
	s1 =	sshll.u32 s1, $0x11  }
0xbb: {  	s0 =	sor.u32 s1, s0  }
0xbc: {  	s0 =	sadd.s32 $0x8F2B, s0  }
0xbd: {  	[sflag:s0] =	ssyncadd.remote.s32 $0x1  }
0xbe: {  	_ =	sfence.sel $0xFFFF  }
0xbf: {  	[dreg:$0x0] =	wrdreg $0xFFFFFFFF;
	(pc) =	sbr.abs _section_cstart, $3  }
0xc0: {  	[dreg:$0x1] =	wrdreg $0xFFFFFFFF  }
0xc1: {  	_ =	task.clear_ibuf [dreg:s6], $0x2FFFF;
	_ =	strace $0x9FFFFFFF  }
0xc2: {  	(tm) =	ssettm $0x7FFFFFFF  }
0xc3: {  	_ =	shalt  }
tec
execute0_lowered:
.L_overlay_start_1:
0x0: {  	(tag) =	ssettag $0x1  }
0x1: {  	s0 =	srdreg.scid  }
0x2: {  	s1 =	rddreg [dreg:$0x0];
	s21 =	stileid.u32  }
0x3: {  	s2 =	rddreg [dreg:$0x1];
	s20 =	simm.s32 $0x5;
	s22 =	simm.s32 $0x80  }
0x4: {  	s23 =	simm.s32 $0x2800;
	s24 =	simm.s32 $0x1;
	s8 =	smul.u32 $0x4E000, s21  }
0x5: {  	s28 =	simm.s32 $0x2880;
	s29 =	simm.s32 $0x2;
	s13 =	smul.u32 $0x2700, s21  }
0x6: {  	s30 =	simm.s32 $0x3;
	s0 =	sand.u32 $0x1, s0;
	s14 =	smul.u32 $0x2800, s21  }
0x7: {  	s19 =	sadd.s32 $0xE200, s1;
	p0 =	seq.s32 s21, $0xF;
	s10 =	smul.u32 $0x27100, s0  }
0x8: {  	s3 =	sshll.u32 s0, $0x4;
	s7 =	ssub.s32 $0x2, s0;
	s11 =	smul.u32 $0x138800, s0  }
0x9: {  	s0 =	smul.u32 $0x28000, s0;
	s4 =	sor.u32 s21, s3;
	s3 =	simm.s32 $0x0  }
0xa: {  	s9 =	sshrl.u32 s7, $0x1;
	s25 =	sshrl.u32 s8, $0x2;
	s8 =	sadd.s32 $0x134800, s2  }
0xb: {  	s21 =	simm.s32 $0x2900;
	s5 =	smul.u32 $0x2800, s4;
	[smem:$0x7FF] =	sst s3  }
0xc: {  	s4 =	sadd.s32 $0x18200, s1;
	s12 =	ssub.s32 s7, s9;
	s26 =	sshrl.u32 s11, $0x3  }
0xd: {  	s10 =	sadd.s32 s13, s10;
	s0 =	sadd.s32 s14, s0;
	_ =	strace $0x8000004A  }
0xe: {  	s31 =	sor.u32 $0x180, s0;
	s0 =	sor.u32 $0x200, s0;
	s5 =	sshrl.u32 s5, $0x3  }
0xf: {  	s12 =	smax.u32 s12, $0x1;
	s0 =	sshrl.u32 s0, $0x3;
	s6 =	sadd.s32 s5, s1  }
0x10: {  	s1 =	sadd.s32 $0x3F400, s1;
	s9 =	sadd.s32 s19, s5;
	s6 =	sadd.s32 $0x4200, s6  }
0x11: {  	s5 =	sadd.s32 s1, s26;
	s10 =	sadd.s32 s1, s10;
	s1 =	sadd.s32 $0x124800, s2  }
0x12: {  	s16 =	sadd.s32 $0x10, s9;
	s17 =	sadd.s32 $0x20, s9;
	s26 =	simm.s32 $0x6900  }
.Ltmp0:
0x13: {  	[dreg:$0x3] =	wrdreg s6;
	s6 =	sadd.s32 s25, s2;
	(pc) =	sbr.rel .LBB2_1-.Ltmp0, $4  }
0x14: {  	s11 =	sadd.s32 $0x24900, s5;
	s5 =	sshrl.u32 s31, $0x3;
	s25 =	sshrl.u32 @p0 s1, $0x3  }
0x15: {  	s1 =	simm.s32 $0x4;
	s7 =	sadd.s32 $0x10000, s6;
	s13 =	sadd.s32 $0x4000, s6  }
0x16: {  	s14 =	sadd.s32 $0x8000, s6;
	s15 =	sadd.s32 $0xC000, s6;
	s18 =	sadd.s32 s5, s19  }
0x17: {  	v0 =	vimm.f32 $0.0e+00;
	s19 =	sadd.s32 s0, s19;
	s0 =	simm.s32 $0x0;
	[dreg:$0x4] =	wrdreg s7  }
.LBB2_6:
0x18: {  	[spmem:s2] =	stream.indirect.scatter.add.f32 [tilespmem:s26], [sflag:$0x4], $0x80, s28, s22, $0xb8;
	[tilespmem:$0x1E580] =	vst v63  }
0x19: {  	_ =	swait.ge [sflag:s1], $0x4000  }
0x1a: {  	[sflag:s1] =	ssyncset.done $0x0  }
0x1b: {  	[sflag:s1] =	ssyncadd.s32 $0xFFFFC000  }
0x1c: {  	s5 =	simm.s32 @p0 $0x1FC5;
	[bflag:$0x0] =	sbarrier.arrive $0xFFFF  }
0x1d: {  	[hbm:s11], [sflag:s5] =	dma.local @p0 [spmem:s25], $0x2800  }
0x1e: {  	s5 =	simm.s32 @p0 $0x5  }
0x1f: {  	s7 =	stileid.u32;
	s0 =	sadd.s32 $0x1, s0;
	_ =	swait.ge @p0 [sflag:s5], $0x2800  }
0x20: {  	s7 =	sshll.u32 @!p0 s7, $0x6;
	p1 =	sne.s32 s0, s12;
	[sflag:s5] =	ssyncset.done @p0 $0x0  }
0x21: {  	[sflag:s5] =	ssyncadd.s32 @p0 $0xFFFFD800;
	s5 =	sor.u32 @!p0 $0x1C05, s7;
	s7 =	sshrl.u32 @!p0 s6, $0x3  }
0x22: {  	[hbm:s10], [sflag:s5] =	dma.local @!p0 [spmem:s7], $0x2700  }
.Ltmp1:
0x23: {  	_ = 	snop;
	(pc) =	sbr.rel @!p1 .LBB2_7-.Ltmp1, $4  }
0x24: {  	s5 =	simm.s32 @!p0 $0x5  }
0x25: {  	_ =	swait.ge @!p0 [sflag:s5], $0x2700  }
0x26: {  	[sflag:s5] =	ssyncset.done @!p0 $0x0  }
0x27: {  	[sflag:s5] =	ssyncadd.s32 @!p0 $0xFFFFD900  }
.LBB2_1:
0x28: {  	s5 =	rddreg [dreg:$0x3]  }
0x29: {  	[tilespmem:s3], [sflag:$0x5] =	stream.linear.gather [hbm4b:s5+s3], $0x2800, $0x38;
	[tilespmem:$0x1E580] =	vst v63  }
0x2a: {  	_ =	swait.ge [sflag:s20], $0x2800  }
0x2b: {  	[sflag:s20] =	ssyncset.done $0x0  }
0x2c: {  	s31 =	simm.s32 $0x200;
	s5 =	simm.s32 $0x0;
	[sflag:s20] =	ssyncadd.s32 $0xFFFFD800  }
.LBB2_2:
0x2d: {  	p1 =	sne.s32 s31, $0xFE00;
	[tilespmem:s5+$0x2970] =	vst v0  }
0x2e: {  	[tilespmem:s5+$0x2900] =	vst v0  }
0x2f: {  	[tilespmem:s5+$0x2910] =	vst v0  }
.Ltmp2:
0x30: {  	[tilespmem:s5+$0x2920] =	vst v0;
	(pc) =	sbr.rel @p1 .LBB2_2-.Ltmp2, $4  }
0x31: {  	[tilespmem:s5+$0x2930] =	vst v0  }
0x32: {  	[tilespmem:s5+$0x2940] =	vst v0  }
0x33: {  	[tilespmem:s5+$0x2950] =	vst v0  }
0x34: {  	[tilespmem:s5+$0x2960] =	vst v0;
	s5 =	sshra.s32 s31, $0x2;
	s31 =	sadd.s32 $0x200, s31  }
0x35: {  	[tilespmem:s5+$0x2970] =	vst v0  }
0x36: {  	[tilespmem:s5+$0x2900] =	vst v0  }
0x37: {  	[tilespmem:s5+$0x2910] =	vst v0  }
0x38: {  	[tilespmem:s5+$0x2920] =	vst v0  }
0x39: {  	[tilespmem:s5+$0x2930] =	vst v0  }
0x3a: {  	[tilespmem:s5+$0x2940] =	vst v0  }
0x3b: {  	[tilespmem:s5+$0x2950] =	vst v0  }
0x3c: {  	[tilespmem:s5+$0x2960] =	vst v0  }
0x3d: {  	[spmem:s6] =	stream.linear.scatter [tilespmem:s21], [sflag:$0x5], $0x4000, $0x38;
	[tilespmem:$0x1E580] =	vst v63  }
0x3e: {  	_ =	swait.ge [sflag:s20], $0x4000  }
0x3f: {  	[sflag:s20] =	ssyncset.done $0x0  }
0x40: {  	[sflag:s20] =	ssyncadd.s32 $0xFFFFC000  }
0x41: {  	[spmem:s13] =	stream.linear.scatter [tilespmem:s21], [sflag:$0x5], $0x4000, $0x38;
	[tilespmem:$0x1E580] =	vst v63  }
0x42: {  	_ =	swait.ge [sflag:s20], $0x4000  }
0x43: {  	[sflag:s20] =	ssyncset.done $0x0  }
0x44: {  	[sflag:s20] =	ssyncadd.s32 $0xFFFFC000  }
0x45: {  	[spmem:s14] =	stream.linear.scatter [tilespmem:s21], [sflag:$0x5], $0x4000, $0x38;
	[tilespmem:$0x1E580] =	vst v63  }
0x46: {  	_ =	swait.ge [sflag:s20], $0x4000  }
0x47: {  	[sflag:s20] =	ssyncset.done $0x0  }
0x48: {  	[sflag:s20] =	ssyncadd.s32 $0xFFFFC000  }
0x49: {  	[spmem:s15] =	stream.linear.scatter [tilespmem:s21], [sflag:$0x5], $0x4000, $0x38;
	[tilespmem:$0x1E580] =	vst v63  }
0x4a: {  	_ =	swait.ge [sflag:s20], $0x4000  }
0x4b: {  	[sflag:s20] =	ssyncset.done $0x0  }
0x4c: {  	s5 =	simm.s32 @p0 $0x2900;
	[sflag:s20] =	ssyncadd.s32 $0xFFFFC000  }
0x4d: {  	[spmem:s8] =	stream.linear.scatter @p0 [tilespmem:s5], [sflag:$0x5], $0x4000, $0x38;
	[tilespmem:$0x1E580] =	vst v63  }
0x4e: {  	s5 =	simm.s32 @p0 $0x5  }
0x4f: {  	_ =	swait.ge @p0 [sflag:s5], $0x4000  }
0x50: {  	[sflag:s5] =	ssyncset.done @p0 $0x0  }
0x51: {  	s7 =	rddreg [dreg:$0x4];
	[sflag:s5] =	ssyncadd.s32 @p0 $0xFFFFC000;
	s5 =	simm.s32 @!p0 $0x2900  }
0x52: {  	[spmem:s7] =	stream.linear.scatter @!p0 [tilespmem:s5], [sflag:$0x5], $0x3800, $0x38;
	[tilespmem:$0x1E580] =	vst v63  }
0x53: {  	s5 =	simm.s32 @!p0 $0x5  }
0x54: {  	_ =	swait.ge @!p0 [sflag:s5], $0x3800  }
0x55: {  	[sflag:s5] =	ssyncset.done @!p0 $0x0  }
0x56: {  	[sflag:s5] =	ssyncadd.s32 @!p0 $0xFFFFC800  }
0x57: {  	s31 =	simm.s32 $0x0;
	[bflag:$0x0] =	sbarrier.arrive $0xFFFF  }
0x58: {  	[tilespmem:s21], [sflag:$0x1] =	stream.indirect.gather [hbm4b:s4+s22], $0x80, s31, s22, $0xb8;
	[tilespmem:$0x1E580] =	vst v63  }
0x59: {  	_ = 	snop  }
0x5a: {  	[tilespmem:s23], [sflag:$0x1] =	stream.linear.gather [hbm4b:s9+s31], $0x80, $0x38;
	[tilespmem:$0x1E580] =	vst v63  }
0x5b: {  	_ =	swait.ge [sflag:s24], $0x4000  }
0x5c: {  	[sflag:s24] =	ssyncset.done $0x0  }
0x5d: {  	[sflag:s24] =	ssyncadd.s32 $0xFFFFC000  }
0x5e: {  	_ =	swait.ge [sflag:s24], $0x80  }
0x5f: {  	[sflag:s24] =	ssyncset.done $0x0  }
0x60: {  	[sflag:s24] =	ssyncadd.s32 $0xFFFFFF80  }
0x61: {  	[tilespmem:s26], [sflag:$0x2] =	stream.indirect.gather [hbm4b:s4+s22], $0x80, s22, s22, $0xb8;
	[tilespmem:$0x1E580] =	vst v63  }
0x62: {  	_ = 	snop  }
0x63: {  	[tilespmem:s28], [sflag:$0x2] =	stream.linear.gather [hbm4b:s16+s31], $0x80, $0x38;
	[tilespmem:$0x1E580] =	vst v63  }
0x64: {  	_ = 	snop  }
0x65: {  	[spmem:s2] =	stream.indirect.scatter.add.f32 [tilespmem:s21], [sflag:$0x3], $0x80, s23, s22, $0xb8;
	[tilespmem:$0x1E580] =	vst v63  }
0x66: {  	_ =	swait.ge [sflag:s29], $0x4000  }
0x67: {  	[sflag:s29] =	ssyncset.done $0x0  }
0x68: {  	[sflag:s29] =	ssyncadd.s32 $0xFFFFC000  }
0x69: {  	_ =	swait.ge [sflag:s29], $0x80  }
0x6a: {  	[sflag:s29] =	ssyncset.done $0x0  }
0x6b: {  	[sflag:s29] =	ssyncadd.s32 $0xFFFFFF80  }
0x6c: {  	_ =	swait.ge [sflag:s30], $0x4000  }
0x6d: {  	[sflag:s30] =	ssyncset.done $0x0  }
0x6e: {  	s7 =	simm.s32 $0x100;
	[sflag:s30] =	ssyncadd.s32 $0xFFFFC000  }
0x6f: {  	[tilespmem:s21], [sflag:$0x1] =	stream.indirect.gather [hbm4b:s4+s22], $0x80, s7, s22, $0xb8;
	[tilespmem:$0x1E580] =	vst v63  }
0x70: {  	_ = 	snop  }
0x71: {  	[tilespmem:s23], [sflag:$0x1] =	stream.linear.gather [hbm4b:s17+s31], $0x80, $0x38;
	[tilespmem:$0x1E580] =	vst v63  }
0x72: {  	s5 =	simm.s32 $0x180  }
0x73: {  	[spmem:s2] =	stream.indirect.scatter.add.f32 [tilespmem:s26], [sflag:$0x4], $0x80, s28, s22, $0xb8;
	[tilespmem:$0x1E580] =	vst v63  }
.LBB2_4:
0x74: {  	_ =	swait.ge [sflag:s24], $0x4000  }
0x75: {  	[sflag:s24] =	ssyncset.done $0x0  }
0x76: {  	[sflag:s24] =	ssyncadd.s32 $0xFFFFC000  }
0x77: {  	_ =	swait.ge [sflag:s24], $0x80  }
0x78: {  	[sflag:s24] =	ssyncset.done $0x0  }
0x79: {  	[sflag:s24] =	ssyncadd.s32 $0xFFFFFF80  }
0x7a: {  	_ =	swait.ge [sflag:s1], $0x4000  }
0x7b: {  	[sflag:s1] =	ssyncset.done $0x0  }
0x7c: {  	[sflag:s1] =	ssyncadd.s32 $0xFFFFC000  }
0x7d: {  	[tilespmem:s26], [sflag:$0x2] =	stream.indirect.gather [hbm4b:s4+s22], $0x80, s5, s22, $0xb8;
	[tilespmem:$0x1E580] =	vst v63  }
0x7e: {  	s7 =	sadd.s32 s31, s18  }
0x7f: {  	[tilespmem:s28], [sflag:$0x2] =	stream.linear.gather [hbm4b:s7+s3], $0x80, $0x38;
	[tilespmem:$0x1E580] =	vst v63  }
0x80: {  	_ = 	snop  }
0x81: {  	[spmem:s2] =	stream.indirect.scatter.add.f32 [tilespmem:s21], [sflag:$0x3], $0x80, s23, s22, $0xb8;
	[tilespmem:$0x1E580] =	vst v63  }
0x82: {  	_ =	swait.ge [sflag:s29], $0x4000  }
0x83: {  	[sflag:s29] =	ssyncset.done $0x0  }
0x84: {  	[sflag:s29] =	ssyncadd.s32 $0xFFFFC000  }
0x85: {  	p1 =	seq.s32 s31, $0x4C0;
	_ =	swait.ge [sflag:s29], $0x80  }
.Ltmp3:
0x86: {  	[sflag:s29] =	ssyncset.done $0x0;
	(pc) =	sbr.rel @p1 .LBB2_6-.Ltmp3, $4  }
0x87: {  	[sflag:s29] =	ssyncadd.s32 $0xFFFFFF80  }
0x88: {  	_ =	swait.ge [sflag:s30], $0x4000  }
0x89: {  	[sflag:s30] =	ssyncset.done $0x0  }
0x8a: {  	[sflag:s30] =	ssyncadd.s32 $0xFFFFC000  }
0x8b: {  	s7 =	sadd.s32 $0x80, s5  }
0x8c: {  	[tilespmem:s21], [sflag:$0x1] =	stream.indirect.gather [hbm4b:s4+s22], $0x80, s7, s22, $0xb8;
	[tilespmem:$0x1E580] =	vst v63  }
.Ltmp4:
0x8d: {  	_ = 	snop;
	(pc) =	sbr.rel .LBB2_4-.Ltmp4, $4  }
0x8e: {  	s7 =	sadd.s32 s31, s19  }
0x8f: {  	[tilespmem:s23], [sflag:$0x1] =	stream.linear.gather [hbm4b:s7+s3], $0x80, $0x38;
	[tilespmem:$0x1E580] =	vst v63  }
0x90: {  	s5 =	sadd.s32 $0x100, s5;
	s31 =	sadd.s32 $0x20, s31  }
0x91: {  	[spmem:s2] =	stream.indirect.scatter.add.f32 [tilespmem:s26], [sflag:$0x4], $0x80, s28, s22, $0xb8;
	[tilespmem:$0x1E580] =	vst v63  }
.LBB2_7:
0x92: {  	_ =	sfence.sel $0x180000  }
0x93: {  	[bflag:$0x0] =	sbarrier.arrive $0xFFFF  }
0x94: {  	_ =	strace $0x9000004A  }
0x95: {  	s0 =	stileid.u32;
	[bflag:$0x2] =	sbarrier.arrive $0xFFFF  }
0x96: {  	p0 =	sne.s32 s0, $0x0;
	s0 =	rddreg [dreg:$0x2]  }
0x97: {  	s0 =	sadd.s32 @!p0 $0x100000, s0  }
0x98: {  	[sflag:s0] =	ssyncadd.tile.s32 @!p0 $0x1;
	_ =	shalt  }
.Lfunc_end2:
_tile_overlayer_lowered:
.L_overlay_start_2:
0x99: {  	(tag) =	ssettag $0x2  }
0x9a: {  	s0 =	rddreg [dreg:$0x0];
	s2 =	stileid.u32  }
0x9b: {  	s1 =	rddreg [dreg:$0x1];
	p0 =	sne.s32 s2, $0x0  }
0x9c: {  	s3 =	rddreg [dreg:$0x2];
	[bflag:$0x3] =	sbarrier.arrive $0xFFFF;
	s2 =	simm.s32 @!p0 $0x1C05  }
0x9d: {  	[timem:s3], [sflag:s2] =	dma.local @!p0 [hbm:s0], s1  }
0x9e: {  	s0 =	simm.s32 @!p0 $0x5  }
0x9f: {  	_ =	swait.ge @!p0 [sflag:s0], s1  }
0xa0: {  	s1 =	ssub.s32 @!p0 $0x0, s1;
	[sflag:s0] =	ssyncset.done @!p0 $0x0  }
0xa1: {  	[sflag:s0] =	ssyncadd.s32 @!p0 s1  }
0xa2: {  	[bflag:$0x3] =	sbarrier.arrive $0xFFFF  }
0xa3: {  	_ =	shalt  }

// kernel: kernel.16.cloned.1.call-start
scs
__scs_entry_jumppad:
0x0: {  	(pc) =	sbr.rel $0x88, $3  }
0x1: {  	(tag) =	ssettag $0x0;
	lr =	simm.s32 $0x1  }
0x2: {  	[smem:$0x3F90] =	sst lr;
	_ =	strace $0xD0000000  }
0x3: {  	_ = 	snop  }
0x4: {  	_ = 	snop  }
0x5: {  	_ = 	snop  }
0x6: {  	_ = 	snop  }
0x7: {  	_ = 	snop  }
__scs_overlays_trampoline_lowered:
0x8: {  	[smem:$0x3F9F] =	sst s0  }
0x9: {  	[smem:$0x3FA0] =	sst s1  }
0xa: {  	[smem:$0x3FA1] =	sst s2  }
0xb: {  	[smem:$0x3FA2] =	sst s3  }
0xc: {  	[smem:$0x3FA3] =	sst s4  }
0xd: {  	[smem:$0x3FA4] =	sst s5  }
0xe: {  	[smem:$0x3FA5] =	sst s6  }
0xf: {  	[smem:$0x3FA6] =	sst s7  }
0x10: {  	[smem:$0x3FA7] =	sst s8  }
0x11: {  	[smem:$0x3FA8] =	sst s9;
	s0 =	simm.s32 @!p0 $0x0  }
0x12: {  	s1 =	sld [smem:$0x3F8E];
	s0 =	simm.s32 @p0 $0x1  }
0x13: {  	[smem:$0x3FA9] =	sst s0;
	s0 =	simm.s32 @!p1 $0x0  }
0x14: {  	s2 =	sld [smem:$0x3F8D];
	s0 =	simm.s32 @p1 $0x1  }
0x15: {  	[smem:$0x3FAA] =	sst s0;
	s0 =	simm.s32 @!p2 $0x0  }
0x16: {  	s3 =	sld [smem:$0x3FDB];
	s0 =	simm.s32 @p2 $0x1  }
0x17: {  	s4 =	simm.s32 $0x1BF5;
	[smem:$0x3FAC] =	sst s0  }
0x18: {  	s0 =	sld [smem:$0x3F8F];
	_ =	swait.ge [sflag:s4], $0x0  }
0x19: {  	s7 =	sld [smem:$0x3F90]  }
0x1a: {  	s8 =	sadd.s32 $0xFFFFE003, lr  }
0x1b: {  	s9 =	sadd.s32 $0xFFFFFEF7, lr;
	s5 =	simm.s32 $0xFFFFFFFF;
	p2 =	slt.u32 s8, $0xFFFFF086  }
0x1c: {  	p1 =	slt.u32 s9, $0xF7A;
	s5 =	simm.s32 @!p2 $0x0  }
0x1d: {  	s5 =	simm.s32 @p1 $0x1;
	p0 =	seq.s32 s7, s2  }
0x1e: {  	s7 =	smul.u32 @!p0 $0xF7A, s2;
	p2 =	seq.s32 @!p0 s5, $0x0  }
0x1f: {  	s9 =	smul.u32 $0xF7A, s1;
	s8 =	simm.s32 @!p0 $0x1BF5;
	p2 =	por !p2, p0  }
0x20: {  	[sflag:s8] =	ssyncset.s32 @!p0 $0xFFFFF086;
	s6 =	sadd.s32 @!p0 s3, s7;
	s7 =	simm.s32 @!p0 $0x108  }
0x21: {  	s3 =	sadd.s32 s3, s9;
	s6 =	sadd.s32 @!p0 $0x88, s6;
	s7 =	simm.s32 @p2 $0x1082  }
0x22: {  	[simem:s7], [sflag:s8] =	dma.local @!p0 [hbm:s6], $0xF7A  }
0x23: {  	s9 =	sor.u32 $0xD0000000, s2;
	s6 =	simm.s32 $0x108;
	_ =	swait.ge @!p0 [sflag:s8], $0x0  }
0x24: {  	s3 =	sadd.s32 $0x88, s3;
	s6 =	simm.s32 @!p1 $0x1082;
	[sflag:s4] =	ssyncset.s32 $0xFFFFF086  }
0x25: {  	[simem:s6], [sflag:s4] =	dma.local [hbm:s3], $0xF7A  }
0x26: {  	[smem:$0x3F90] =	sst s1;
	(tag) =	ssettag s2;
	_ =	strace s9  }
0x27: {  	s1 =	sld [smem:$0x3FA0]  }
0x28: {  	s2 =	sld [smem:$0x3FA1]  }
0x29: {  	s4 =	sld [smem:$0x3FA3]  }
0x2a: {  	p0 =	seq.s32 s5, $0x0;
	s5 =	sld [smem:$0x3FA4]  }
0x2b: {  	s6 =	sld [smem:$0x3FA5]  }
0x2c: {  	s7 =	sld [smem:$0x3FA6]  }
0x2d: {  	s3 =	simm.s32 $0x108;
	s8 =	sld [smem:$0x3FA7]  }
0x2e: {  	s3 =	simm.s32 @!p0 $0x1082;
	s9 =	sld [smem:$0x3FA8]  }
0x2f: {  	lr =	sadd.s32 s0, s3;
	s0 =	sld [smem:$0x3F9F]  }
0x30: {  	s3 =	sld [smem:$0x3FA2]  }
0x31: {  	[smem:$0x3FAB] =	sst s10  }
0x32: {  	s10 =	sld [smem:$0x3FA9];
	_ =	sdelay $0x3  }
0x33: {  	p0 =	seq.s32 s10, $0x1;
	s10 =	sld [smem:$0x3FAB];
	_ =	sdelay $0x3  }
0x34: {  	[smem:$0x3FAB] =	sst s10  }
0x35: {  	s10 =	sld [smem:$0x3FAA];
	_ =	sdelay $0x3  }
0x36: {  	p1 =	seq.s32 s10, $0x1;
	s10 =	sld [smem:$0x3FAB];
	_ =	sdelay $0x3  }
0x37: {  	[smem:$0x3FAB] =	sst s10  }
0x38: {  	s10 =	sld [smem:$0x3FAC]  }
0x39: {  	_ = 	snop;
	(pc) =	sbr.ind lr, $3  }
0x3a: {  	_ = 	snop  }
0x3b: {  	_ = 	snop  }
0x3c: {  	p2 =	seq.s32 s10, $0x1;
	s10 =	sld [smem:$0x3FAB]  }
0x3d: {  	_ =	shalt  }
0x3e: {  	_ =	shalt  }
0x3f: {  	_ =	shalt  }
0x40: {  	_ =	shalt  }
0x41: {  	_ =	shalt  }
0x42: {  	_ =	shalt  }
0x43: {  	_ =	shalt  }
0x44: {  	_ =	shalt  }
0x45: {  	_ =	shalt  }
0x46: {  	_ =	shalt  }
0x47: {  	_ =	shalt  }
0x48: {  	_ =	shalt  }
0x49: {  	_ =	shalt  }
0x4a: {  	_ =	shalt  }
0x4b: {  	_ =	shalt  }
0x4c: {  	_ =	shalt  }
0x4d: {  	_ =	shalt  }
0x4e: {  	_ =	shalt  }
0x4f: {  	_ =	shalt  }
0x50: {  	_ =	shalt  }
0x51: {  	_ =	shalt  }
0x52: {  	_ =	shalt  }
0x53: {  	_ =	shalt  }
0x54: {  	_ =	shalt  }
0x55: {  	_ =	shalt  }
0x56: {  	_ =	shalt  }
0x57: {  	_ =	shalt  }
0x58: {  	_ =	shalt  }
0x59: {  	_ =	shalt  }
0x5a: {  	_ =	shalt  }
0x5b: {  	_ =	shalt  }
0x5c: {  	_ =	shalt  }
0x5d: {  	_ =	shalt  }
0x5e: {  	_ =	shalt  }
0x5f: {  	_ =	shalt  }
0x60: {  	_ =	shalt  }
0x61: {  	_ =	shalt  }
0x62: {  	_ =	shalt  }
0x63: {  	_ =	shalt  }
0x64: {  	_ =	shalt  }
0x65: {  	_ =	shalt  }
0x66: {  	_ =	shalt  }
0x67: {  	_ =	shalt  }
0x68: {  	_ =	shalt  }
0x69: {  	_ =	shalt  }
0x6a: {  	_ =	shalt  }
0x6b: {  	_ =	shalt  }
0x6c: {  	_ =	shalt  }
0x6d: {  	_ =	shalt  }
0x6e: {  	_ =	shalt  }
0x6f: {  	_ =	shalt  }
0x70: {  	_ =	shalt  }
0x71: {  	_ =	shalt  }
0x72: {  	_ =	shalt  }
0x73: {  	_ =	shalt  }
0x74: {  	_ =	shalt  }
0x75: {  	_ =	shalt  }
0x76: {  	_ =	shalt  }
0x77: {  	_ =	shalt  }
0x78: {  	_ =	shalt  }
0x79: {  	_ =	shalt  }
0x7a: {  	_ =	shalt  }
0x7b: {  	_ =	shalt  }
0x7c: {  	_ =	shalt  }
0x7d: {  	_ =	shalt  }
0x7e: {  	_ =	shalt  }
0x7f: {  	_ =	shalt  }
0x80: {  	_ =	shalt  }
0x81: {  	_ =	shalt  }
0x82: {  	_ =	shalt  }
0x83: {  	_ =	shalt  }
0x84: {  	_ =	shalt  }
0x85: {  	_ =	shalt  }
0x86: {  	_ =	shalt  }
0x87: {  	_ =	shalt  }
.Lfunc_end0:
.L_simem_size_0:
called_computation.2_lowered:
.L_overlay_start_0:
0x88: {  	s2 =	sld [smem:$0x3FD9]  }
0x89: {  	s3 =	sld [smem:$0x3FFE];
	_ =	sdelay $0x1  }
0x8a: {  	s1 =	srdreg.scid  }
0x8b: {  	s0 =	sand.u32 $0x1, s1  }
0x8c: {  	s16 =	sshll.u32 s0, $0xA;
	s2 =	sadd.s32 s3, s2  }
0x8d: {  	s2 =	sadd.s32 s2, s16  }
0x8e: {  	[smem:$0x3FB7] =	sst s2  }
0x8f: {  	_ = 	snop  }
0x90: {  	(tm) =	ssettm $0x1  }
0x91: {  	s17 =	sld [smem:$0x3FFB];
	_ =	sdelay $0x3  }
0x92: {  	_ =	strace s17  }
0x93: {  	s2 =	sld [smem:$0x3FFC];
	_ =	sdelay $0x3  }
0x94: {  	_ =	strace s2  }
0x95: {  	s2 =	sld [smem:$0x3FFD];
	_ =	sdelay $0x3  }
0x96: {  	_ =	strace s2  }
0x97: {  	_ =	strace $0x8FFFFFFF  }
0x98: {  	s18 =	sld [smem:$0x3FDB];
	_ =	sdelay $0x1  }
0x99: {  	s19 =	simm.s32 $_scs_section_size  }
0x9a: {  	s4 =	simm.s32 $_size__tile_overlayer_lowered;
	s5 =	simm.s32 $_tile_overlayer_lowered  }
0x9b: {  	s22 =	simm.s32 $0x1BFF;
	s21 =	sshll.u32 s5, $0x1;
	s2 =	sadd.s32 s19, s18  }
0x9c: {  	s6 =	simm.s32 $0x0;
	s20 =	sshll.u32 s4, $0x1;
	s4 =	sadd.s32 s21, s2  }
0x9d: {  	[timem:s6], [sflag:s22] =	dma.local [hbm:s4], s20  }
0x9e: {  	_ =	swait.ge [sflag:s22], s20  }
0x9f: {  	s3 =	ssub.s32 $0x0, s20;
	[sflag:s22] =	ssyncset.done $0x0  }
0xa0: {  	[sflag:s22] =	ssyncadd.s32 s3;
	_ =	sdelay $0x1  }
0xa1: {  	s23 =	simm.s32 $0x1B8B  }
0xa2: {  	_ =	swait.ge [sflag:s23], $0x1  }
0xa3: {  	[sflag:s23] =	ssyncset.done $0x0  }
0xa4: {  	s25 =	simm.s32 $0x1B8E;
	s24 =	sld [smem:$0x3FFE];
	[sflag:s23] =	ssyncadd.s32 $0xFFFFFFFF  }
0xa5: {  	s26 =	simm.s32 $execute0_lowered;
	[smem:$0x3FD2] =	sst s25  }
0xa6: {  	s4 =	sshll.u32 s26, $0x1;
	_ =	strace $0x8000004C;
	[dreg:$0x1] =	wrdreg $0xFFFFFFFF  }
0xa7: {  	s28 =	simm.s32 $_size_execute0_lowered;
	s2 =	sadd.s32 s2, s4;
	[dreg:$0x0] =	wrdreg $0x0  }
0xa8: {  	s4 =	sshll.u32 s28, $0x1;
	[dreg:$0x2] =	wrdreg s2  }
0xa9: {  	[dreg:$0x3] =	wrdreg s4  }
0xaa: {  	[dreg:$0x4] =	wrdreg $0xC0  }
0xab: {  	_ =	task [dreg:s6], $0x5FFFF  }
0xac: {  	[dreg:$0x1] =	wrdreg $0xFFFFFFFF  }
0xad: {  	[dreg:$0x0] =	wrdreg $0x60  }
0xae: {  	[dreg:$0x2] =	wrdreg s24  }
0xaf: {  	[dreg:$0x3] =	wrdreg $0xA9000  }
0xb0: {  	[dreg:$0x4] =	wrdreg $0x9  }
0xb1: {  	_ =	task.clear_ibuf [dreg:s6], $0x5FFFF;
	_ =	strace $0x9000004C  }
0xb2: {  	s29 =	simm.s32 $0x9;
	_ =	strace $0x8000004E  }
0xb3: {  	_ =	swait.ge [sflag:s29], $0x1  }
0xb4: {  	[sflag:s29] =	ssyncadd.s32 $0xFFFFFFFF  }
0xb5: {  	_ =	strace $0x9000004E  }
0xb6: {  	_ =	sfence  }
0xb7: {  	s30 =	sld [smem:$0x0];
	_ =	sdelay $0x2  }
0xb8: {  	s31 =	sshll.u32 s1, $0xD;
	s1 =	sshrl.u32 s1, $0x2  }
0xb9: {  	s3 =	sand.u32 $0x4000, s31;
	s1 =	sadd.s32 s1, s30  }
0xba: {  	s0 =	sor.u32 s3, s0;
	s1 =	sshll.u32 s1, $0x11  }
0xbb: {  	s0 =	sor.u32 s1, s0  }
0xbc: {  	s0 =	sadd.s32 $0x8F2B, s0  }
0xbd: {  	[sflag:s0] =	ssyncadd.remote.s32 $0x1  }
0xbe: {  	_ =	sfence.sel $0xFFFF  }
0xbf: {  	[dreg:$0x0] =	wrdreg $0xFFFFFFFF;
	(pc) =	sbr.abs _section_cstart, $3  }
0xc0: {  	[dreg:$0x1] =	wrdreg $0xFFFFFFFF  }
0xc1: {  	_ =	task.clear_ibuf [dreg:s6], $0x2FFFF;
	_ =	strace $0x9FFFFFFF  }
0xc2: {  	(tm) =	ssettm $0x7FFFFFFF  }
0xc3: {  	_ =	shalt  }
tec
execute0_lowered:
.L_overlay_start_1:
0x0: {  	(tag) =	ssettag $0x1  }
0x1: {  	s0 =	srdreg.scid  }
0x2: {  	s1 =	rddreg [dreg:$0x0];
	s21 =	stileid.u32  }
0x3: {  	s2 =	rddreg [dreg:$0x1];
	s20 =	simm.s32 $0x5;
	s22 =	simm.s32 $0x80  }
0x4: {  	s23 =	simm.s32 $0x2800;
	s24 =	simm.s32 $0x1;
	s8 =	smul.u32 $0x4E000, s21  }
0x5: {  	s28 =	simm.s32 $0x2880;
	s29 =	simm.s32 $0x2;
	s13 =	smul.u32 $0x2700, s21  }
0x6: {  	s30 =	simm.s32 $0x3;
	s0 =	sand.u32 $0x1, s0;
	s14 =	smul.u32 $0x2800, s21  }
0x7: {  	s19 =	sadd.s32 $0xE200, s1;
	p0 =	seq.s32 s21, $0xF;
	s10 =	smul.u32 $0x27100, s0  }
0x8: {  	s3 =	sshll.u32 s0, $0x4;
	s7 =	ssub.s32 $0x2, s0;
	s11 =	smul.u32 $0x138800, s0  }
0x9: {  	s0 =	smul.u32 $0x28000, s0;
	s4 =	sor.u32 s21, s3;
	s3 =	simm.s32 $0x0  }
0xa: {  	s9 =	sshrl.u32 s7, $0x1;
	s25 =	sshrl.u32 s8, $0x2;
	s8 =	sadd.s32 $0x134800, s2  }
0xb: {  	s21 =	simm.s32 $0x2900;
	s5 =	smul.u32 $0x2800, s4;
	[smem:$0x7FF] =	sst s3  }
0xc: {  	s4 =	sadd.s32 $0x18200, s1;
	s12 =	ssub.s32 s7, s9;
	s26 =	sshrl.u32 s11, $0x3  }
0xd: {  	s10 =	sadd.s32 s13, s10;
	s0 =	sadd.s32 s14, s0;
	_ =	strace $0x8000004D  }
0xe: {  	s31 =	sor.u32 $0x180, s0;
	s0 =	sor.u32 $0x200, s0;
	s5 =	sshrl.u32 s5, $0x3  }
0xf: {  	s12 =	smax.u32 s12, $0x1;
	s0 =	sshrl.u32 s0, $0x3;
	s6 =	sadd.s32 s5, s1  }
0x10: {  	s1 =	sadd.s32 $0x3F400, s1;
	s9 =	sadd.s32 s19, s5;
	s6 =	sadd.s32 $0x4200, s6  }
0x11: {  	s5 =	sadd.s32 s1, s26;
	s10 =	sadd.s32 s1, s10;
	s1 =	sadd.s32 $0x124800, s2  }
0x12: {  	s16 =	sadd.s32 $0x10, s9;
	s17 =	sadd.s32 $0x20, s9;
	s26 =	simm.s32 $0x6900  }
.Ltmp0:
0x13: {  	[dreg:$0x3] =	wrdreg s6;
	s6 =	sadd.s32 s25, s2;
	(pc) =	sbr.rel .LBB2_1-.Ltmp0, $4  }
0x14: {  	s11 =	sadd.s32 $0x24900, s5;
	s5 =	sshrl.u32 s31, $0x3;
	s25 =	sshrl.u32 @p0 s1, $0x3  }
0x15: {  	s1 =	simm.s32 $0x4;
	s7 =	sadd.s32 $0x10000, s6;
	s13 =	sadd.s32 $0x4000, s6  }
0x16: {  	s14 =	sadd.s32 $0x8000, s6;
	s15 =	sadd.s32 $0xC000, s6;
	s18 =	sadd.s32 s5, s19  }
0x17: {  	v0 =	vimm.f32 $0.0e+00;
	s19 =	sadd.s32 s0, s19;
	s0 =	simm.s32 $0x0;
	[dreg:$0x4] =	wrdreg s7  }
.LBB2_6:
0x18: {  	[spmem:s2] =	stream.indirect.scatter.add.f32 [tilespmem:s26], [sflag:$0x4], $0x80, s28, s22, $0xb8;
	[tilespmem:$0x1E580] =	vst v63  }
0x19: {  	_ =	swait.ge [sflag:s1], $0x4000  }
0x1a: {  	[sflag:s1] =	ssyncset.done $0x0  }
0x1b: {  	[sflag:s1] =	ssyncadd.s32 $0xFFFFC000  }
0x1c: {  	s5 =	simm.s32 @p0 $0x1FC5;
	[bflag:$0x0] =	sbarrier.arrive $0xFFFF  }
0x1d: {  	[hbm:s11], [sflag:s5] =	dma.local @p0 [spmem:s25], $0x2800  }
0x1e: {  	s5 =	simm.s32 @p0 $0x5  }
0x1f: {  	s7 =	stileid.u32;
	s0 =	sadd.s32 $0x1, s0;
	_ =	swait.ge @p0 [sflag:s5], $0x2800  }
0x20: {  	s7 =	sshll.u32 @!p0 s7, $0x6;
	p1 =	sne.s32 s0, s12;
	[sflag:s5] =	ssyncset.done @p0 $0x0  }
0x21: {  	[sflag:s5] =	ssyncadd.s32 @p0 $0xFFFFD800;
	s5 =	sor.u32 @!p0 $0x1C05, s7;
	s7 =	sshrl.u32 @!p0 s6, $0x3  }
0x22: {  	[hbm:s10], [sflag:s5] =	dma.local @!p0 [spmem:s7], $0x2700  }
.Ltmp1:
0x23: {  	_ = 	snop;
	(pc) =	sbr.rel @!p1 .LBB2_7-.Ltmp1, $4  }
0x24: {  	s5 =	simm.s32 @!p0 $0x5  }
0x25: {  	_ =	swait.ge @!p0 [sflag:s5], $0x2700  }
0x26: {  	[sflag:s5] =	ssyncset.done @!p0 $0x0  }
0x27: {  	[sflag:s5] =	ssyncadd.s32 @!p0 $0xFFFFD900  }
.LBB2_1:
0x28: {  	s5 =	rddreg [dreg:$0x3]  }
0x29: {  	[tilespmem:s3], [sflag:$0x5] =	stream.linear.gather [hbm4b:s5+s3], $0x2800, $0x38;
	[tilespmem:$0x1E580] =	vst v63  }
0x2a: {  	_ =	swait.ge [sflag:s20], $0x2800  }
0x2b: {  	[sflag:s20] =	ssyncset.done $0x0  }
0x2c: {  	s31 =	simm.s32 $0x200;
	s5 =	simm.s32 $0x0;
	[sflag:s20] =	ssyncadd.s32 $0xFFFFD800  }
.LBB2_2:
0x2d: {  	p1 =	sne.s32 s31, $0xFE00;
	[tilespmem:s5+$0x2970] =	vst v0  }
0x2e: {  	[tilespmem:s5+$0x2900] =	vst v0  }
0x2f: {  	[tilespmem:s5+$0x2910] =	vst v0  }
.Ltmp2:
0x30: {  	[tilespmem:s5+$0x2920] =	vst v0;
	(pc) =	sbr.rel @p1 .LBB2_2-.Ltmp2, $4  }
0x31: {  	[tilespmem:s5+$0x2930] =	vst v0  }
0x32: {  	[tilespmem:s5+$0x2940] =	vst v0  }
0x33: {  	[tilespmem:s5+$0x2950] =	vst v0  }
0x34: {  	[tilespmem:s5+$0x2960] =	vst v0;
	s5 =	sshra.s32 s31, $0x2;
	s31 =	sadd.s32 $0x200, s31  }
0x35: {  	[tilespmem:s5+$0x2970] =	vst v0  }
0x36: {  	[tilespmem:s5+$0x2900] =	vst v0  }
0x37: {  	[tilespmem:s5+$0x2910] =	vst v0  }
0x38: {  	[tilespmem:s5+$0x2920] =	vst v0  }
0x39: {  	[tilespmem:s5+$0x2930] =	vst v0  }
0x3a: {  	[tilespmem:s5+$0x2940] =	vst v0  }
0x3b: {  	[tilespmem:s5+$0x2950] =	vst v0  }
0x3c: {  	[tilespmem:s5+$0x2960] =	vst v0  }
0x3d: {  	[spmem:s6] =	stream.linear.scatter [tilespmem:s21], [sflag:$0x5], $0x4000, $0x38;
	[tilespmem:$0x1E580] =	vst v63  }
0x3e: {  	_ =	swait.ge [sflag:s20], $0x4000  }
0x3f: {  	[sflag:s20] =	ssyncset.done $0x0  }
0x40: {  	[sflag:s20] =	ssyncadd.s32 $0xFFFFC000  }
0x41: {  	[spmem:s13] =	stream.linear.scatter [tilespmem:s21], [sflag:$0x5], $0x4000, $0x38;
	[tilespmem:$0x1E580] =	vst v63  }
0x42: {  	_ =	swait.ge [sflag:s20], $0x4000  }
0x43: {  	[sflag:s20] =	ssyncset.done $0x0  }
0x44: {  	[sflag:s20] =	ssyncadd.s32 $0xFFFFC000  }
0x45: {  	[spmem:s14] =	stream.linear.scatter [tilespmem:s21], [sflag:$0x5], $0x4000, $0x38;
	[tilespmem:$0x1E580] =	vst v63  }
0x46: {  	_ =	swait.ge [sflag:s20], $0x4000  }
0x47: {  	[sflag:s20] =	ssyncset.done $0x0  }
0x48: {  	[sflag:s20] =	ssyncadd.s32 $0xFFFFC000  }
0x49: {  	[spmem:s15] =	stream.linear.scatter [tilespmem:s21], [sflag:$0x5], $0x4000, $0x38;
	[tilespmem:$0x1E580] =	vst v63  }
0x4a: {  	_ =	swait.ge [sflag:s20], $0x4000  }
0x4b: {  	[sflag:s20] =	ssyncset.done $0x0  }
0x4c: {  	s5 =	simm.s32 @p0 $0x2900;
	[sflag:s20] =	ssyncadd.s32 $0xFFFFC000  }
0x4d: {  	[spmem:s8] =	stream.linear.scatter @p0 [tilespmem:s5], [sflag:$0x5], $0x4000, $0x38;
	[tilespmem:$0x1E580] =	vst v63  }
0x4e: {  	s5 =	simm.s32 @p0 $0x5  }
0x4f: {  	_ =	swait.ge @p0 [sflag:s5], $0x4000  }
0x50: {  	[sflag:s5] =	ssyncset.done @p0 $0x0  }
0x51: {  	s7 =	rddreg [dreg:$0x4];
	[sflag:s5] =	ssyncadd.s32 @p0 $0xFFFFC000;
	s5 =	simm.s32 @!p0 $0x2900  }
0x52: {  	[spmem:s7] =	stream.linear.scatter @!p0 [tilespmem:s5], [sflag:$0x5], $0x3800, $0x38;
	[tilespmem:$0x1E580] =	vst v63  }
0x53: {  	s5 =	simm.s32 @!p0 $0x5  }
0x54: {  	_ =	swait.ge @!p0 [sflag:s5], $0x3800  }
0x55: {  	[sflag:s5] =	ssyncset.done @!p0 $0x0  }
0x56: {  	[sflag:s5] =	ssyncadd.s32 @!p0 $0xFFFFC800  }
0x57: {  	s31 =	simm.s32 $0x0;
	[bflag:$0x0] =	sbarrier.arrive $0xFFFF  }
0x58: {  	[tilespmem:s21], [sflag:$0x1] =	stream.indirect.gather [hbm4b:s4+s22], $0x80, s31, s22, $0xb8;
	[tilespmem:$0x1E580] =	vst v63  }
0x59: {  	_ = 	snop  }
0x5a: {  	[tilespmem:s23], [sflag:$0x1] =	stream.linear.gather [hbm4b:s9+s31], $0x80, $0x38;
	[tilespmem:$0x1E580] =	vst v63  }
0x5b: {  	_ =	swait.ge [sflag:s24], $0x4000  }
0x5c: {  	[sflag:s24] =	ssyncset.done $0x0  }
0x5d: {  	[sflag:s24] =	ssyncadd.s32 $0xFFFFC000  }
0x5e: {  	_ =	swait.ge [sflag:s24], $0x80  }
0x5f: {  	[sflag:s24] =	ssyncset.done $0x0  }
0x60: {  	[sflag:s24] =	ssyncadd.s32 $0xFFFFFF80  }
0x61: {  	[tilespmem:s26], [sflag:$0x2] =	stream.indirect.gather [hbm4b:s4+s22], $0x80, s22, s22, $0xb8;
	[tilespmem:$0x1E580] =	vst v63  }
0x62: {  	_ = 	snop  }
0x63: {  	[tilespmem:s28], [sflag:$0x2] =	stream.linear.gather [hbm4b:s16+s31], $0x80, $0x38;
	[tilespmem:$0x1E580] =	vst v63  }
0x64: {  	_ = 	snop  }
0x65: {  	[spmem:s2] =	stream.indirect.scatter.add.f32 [tilespmem:s21], [sflag:$0x3], $0x80, s23, s22, $0xb8;
	[tilespmem:$0x1E580] =	vst v63  }
0x66: {  	_ =	swait.ge [sflag:s29], $0x4000  }
0x67: {  	[sflag:s29] =	ssyncset.done $0x0  }
0x68: {  	[sflag:s29] =	ssyncadd.s32 $0xFFFFC000  }
0x69: {  	_ =	swait.ge [sflag:s29], $0x80  }
0x6a: {  	[sflag:s29] =	ssyncset.done $0x0  }
0x6b: {  	[sflag:s29] =	ssyncadd.s32 $0xFFFFFF80  }
0x6c: {  	_ =	swait.ge [sflag:s30], $0x4000  }
0x6d: {  	[sflag:s30] =	ssyncset.done $0x0  }
0x6e: {  	s7 =	simm.s32 $0x100;
	[sflag:s30] =	ssyncadd.s32 $0xFFFFC000  }
0x6f: {  	[tilespmem:s21], [sflag:$0x1] =	stream.indirect.gather [hbm4b:s4+s22], $0x80, s7, s22, $0xb8;
	[tilespmem:$0x1E580] =	vst v63  }
0x70: {  	_ = 	snop  }
0x71: {  	[tilespmem:s23], [sflag:$0x1] =	stream.linear.gather [hbm4b:s17+s31], $0x80, $0x38;
	[tilespmem:$0x1E580] =	vst v63  }
0x72: {  	s5 =	simm.s32 $0x180  }
0x73: {  	[spmem:s2] =	stream.indirect.scatter.add.f32 [tilespmem:s26], [sflag:$0x4], $0x80, s28, s22, $0xb8;
	[tilespmem:$0x1E580] =	vst v63  }
.LBB2_4:
0x74: {  	_ =	swait.ge [sflag:s24], $0x4000  }
0x75: {  	[sflag:s24] =	ssyncset.done $0x0  }
0x76: {  	[sflag:s24] =	ssyncadd.s32 $0xFFFFC000  }
0x77: {  	_ =	swait.ge [sflag:s24], $0x80  }
0x78: {  	[sflag:s24] =	ssyncset.done $0x0  }
0x79: {  	[sflag:s24] =	ssyncadd.s32 $0xFFFFFF80  }
0x7a: {  	_ =	swait.ge [sflag:s1], $0x4000  }
0x7b: {  	[sflag:s1] =	ssyncset.done $0x0  }
0x7c: {  	[sflag:s1] =	ssyncadd.s32 $0xFFFFC000  }
0x7d: {  	[tilespmem:s26], [sflag:$0x2] =	stream.indirect.gather [hbm4b:s4+s22], $0x80, s5, s22, $0xb8;
	[tilespmem:$0x1E580] =	vst v63  }
0x7e: {  	s7 =	sadd.s32 s31, s18  }
0x7f: {  	[tilespmem:s28], [sflag:$0x2] =	stream.linear.gather [hbm4b:s7+s3], $0x80, $0x38;
	[tilespmem:$0x1E580] =	vst v63  }
0x80: {  	_ = 	snop  }
0x81: {  	[spmem:s2] =	stream.indirect.scatter.add.f32 [tilespmem:s21], [sflag:$0x3], $0x80, s23, s22, $0xb8;
	[tilespmem:$0x1E580] =	vst v63  }
0x82: {  	_ =	swait.ge [sflag:s29], $0x4000  }
0x83: {  	[sflag:s29] =	ssyncset.done $0x0  }
0x84: {  	[sflag:s29] =	ssyncadd.s32 $0xFFFFC000  }
0x85: {  	p1 =	seq.s32 s31, $0x4C0;
	_ =	swait.ge [sflag:s29], $0x80  }
.Ltmp3:
0x86: {  	[sflag:s29] =	ssyncset.done $0x0;
	(pc) =	sbr.rel @p1 .LBB2_6-.Ltmp3, $4  }
0x87: {  	[sflag:s29] =	ssyncadd.s32 $0xFFFFFF80  }
0x88: {  	_ =	swait.ge [sflag:s30], $0x4000  }
0x89: {  	[sflag:s30] =	ssyncset.done $0x0  }
0x8a: {  	[sflag:s30] =	ssyncadd.s32 $0xFFFFC000  }
0x8b: {  	s7 =	sadd.s32 $0x80, s5  }
0x8c: {  	[tilespmem:s21], [sflag:$0x1] =	stream.indirect.gather [hbm4b:s4+s22], $0x80, s7, s22, $0xb8;
	[tilespmem:$0x1E580] =	vst v63  }
.Ltmp4:
0x8d: {  	_ = 	snop;
	(pc) =	sbr.rel .LBB2_4-.Ltmp4, $4  }
0x8e: {  	s7 =	sadd.s32 s31, s19  }
0x8f: {  	[tilespmem:s23], [sflag:$0x1] =	stream.linear.gather [hbm4b:s7+s3], $0x80, $0x38;
	[tilespmem:$0x1E580] =	vst v63  }
0x90: {  	s5 =	sadd.s32 $0x100, s5;
	s31 =	sadd.s32 $0x20, s31  }
0x91: {  	[spmem:s2] =	stream.indirect.scatter.add.f32 [tilespmem:s26], [sflag:$0x4], $0x80, s28, s22, $0xb8;
	[tilespmem:$0x1E580] =	vst v63  }
.LBB2_7:
0x92: {  	_ =	sfence.sel $0x180000  }
0x93: {  	[bflag:$0x0] =	sbarrier.arrive $0xFFFF  }
0x94: {  	_ =	strace $0x9000004D  }
0x95: {  	s0 =	stileid.u32;
	[bflag:$0x2] =	sbarrier.arrive $0xFFFF  }
0x96: {  	p0 =	sne.s32 s0, $0x0;
	s0 =	rddreg [dreg:$0x2]  }
0x97: {  	s0 =	sadd.s32 @!p0 $0x100000, s0  }
0x98: {  	[sflag:s0] =	ssyncadd.tile.s32 @!p0 $0x1;
	_ =	shalt  }
.Lfunc_end2:
_tile_overlayer_lowered:
.L_overlay_start_2:
0x99: {  	(tag) =	ssettag $0x2  }
0x9a: {  	s0 =	rddreg [dreg:$0x0];
	s2 =	stileid.u32  }
0x9b: {  	s1 =	rddreg [dreg:$0x1];
	p0 =	sne.s32 s2, $0x0  }
0x9c: {  	s3 =	rddreg [dreg:$0x2];
	[bflag:$0x3] =	sbarrier.arrive $0xFFFF;
	s2 =	simm.s32 @!p0 $0x1C05  }
0x9d: {  	[timem:s3], [sflag:s2] =	dma.local @!p0 [hbm:s0], s1  }
0x9e: {  	s0 =	simm.s32 @!p0 $0x5  }
0x9f: {  	_ =	swait.ge @!p0 [sflag:s0], s1  }
0xa0: {  	s1 =	ssub.s32 @!p0 $0x0, s1;
	[sflag:s0] =	ssyncset.done @!p0 $0x0  }
0xa1: {  	[sflag:s0] =	ssyncadd.s32 @!p0 s1  }
0xa2: {  	[bflag:$0x3] =	sbarrier.arrive $0xFFFF  }
0xa3: {  	_ =	shalt  }

// kernel: kernel.19.cloned.1.call-start
scs
__scs_entry_jumppad:
0x0: {  	(pc) =	sbr.rel $0x88, $3  }
0x1: {  	(tag) =	ssettag $0x0;
	lr =	simm.s32 $0x1  }
0x2: {  	[smem:$0x3F90] =	sst lr;
	_ =	strace $0xD0000000  }
0x3: {  	_ = 	snop  }
0x4: {  	_ = 	snop  }
0x5: {  	_ = 	snop  }
0x6: {  	_ = 	snop  }
0x7: {  	_ = 	snop  }
__scs_overlays_trampoline_lowered:
0x8: {  	[smem:$0x3F9F] =	sst s0  }
0x9: {  	[smem:$0x3FA0] =	sst s1  }
0xa: {  	[smem:$0x3FA1] =	sst s2  }
0xb: {  	[smem:$0x3FA2] =	sst s3  }
0xc: {  	[smem:$0x3FA3] =	sst s4  }
0xd: {  	[smem:$0x3FA4] =	sst s5  }
0xe: {  	[smem:$0x3FA5] =	sst s6  }
0xf: {  	[smem:$0x3FA6] =	sst s7  }
0x10: {  	[smem:$0x3FA7] =	sst s8  }
0x11: {  	[smem:$0x3FA8] =	sst s9;
	s0 =	simm.s32 @!p0 $0x0  }
0x12: {  	s1 =	sld [smem:$0x3F8E];
	s0 =	simm.s32 @p0 $0x1  }
0x13: {  	[smem:$0x3FA9] =	sst s0;
	s0 =	simm.s32 @!p1 $0x0  }
0x14: {  	s2 =	sld [smem:$0x3F8D];
	s0 =	simm.s32 @p1 $0x1  }
0x15: {  	[smem:$0x3FAA] =	sst s0;
	s0 =	simm.s32 @!p2 $0x0  }
0x16: {  	s3 =	sld [smem:$0x3FDB];
	s0 =	simm.s32 @p2 $0x1  }
0x17: {  	s4 =	simm.s32 $0x1BF5;
	[smem:$0x3FAC] =	sst s0  }
0x18: {  	s0 =	sld [smem:$0x3F8F];
	_ =	swait.ge [sflag:s4], $0x0  }
0x19: {  	s7 =	sld [smem:$0x3F90]  }
0x1a: {  	s8 =	sadd.s32 $0xFFFFE003, lr  }
0x1b: {  	s9 =	sadd.s32 $0xFFFFFEF7, lr;
	s5 =	simm.s32 $0xFFFFFFFF;
	p2 =	slt.u32 s8, $0xFFFFF086  }
0x1c: {  	p1 =	slt.u32 s9, $0xF7A;
	s5 =	simm.s32 @!p2 $0x0  }
0x1d: {  	s5 =	simm.s32 @p1 $0x1;
	p0 =	seq.s32 s7, s2  }
0x1e: {  	s7 =	smul.u32 @!p0 $0xF7A, s2;
	p2 =	seq.s32 @!p0 s5, $0x0  }
0x1f: {  	s9 =	smul.u32 $0xF7A, s1;
	s8 =	simm.s32 @!p0 $0x1BF5;
	p2 =	por !p2, p0  }
0x20: {  	[sflag:s8] =	ssyncset.s32 @!p0 $0xFFFFF086;
	s6 =	sadd.s32 @!p0 s3, s7;
	s7 =	simm.s32 @!p0 $0x108  }
0x21: {  	s3 =	sadd.s32 s3, s9;
	s6 =	sadd.s32 @!p0 $0x88, s6;
	s7 =	simm.s32 @p2 $0x1082  }
0x22: {  	[simem:s7], [sflag:s8] =	dma.local @!p0 [hbm:s6], $0xF7A  }
0x23: {  	s9 =	sor.u32 $0xD0000000, s2;
	s6 =	simm.s32 $0x108;
	_ =	swait.ge @!p0 [sflag:s8], $0x0  }
0x24: {  	s3 =	sadd.s32 $0x88, s3;
	s6 =	simm.s32 @!p1 $0x1082;
	[sflag:s4] =	ssyncset.s32 $0xFFFFF086  }
0x25: {  	[simem:s6], [sflag:s4] =	dma.local [hbm:s3], $0xF7A  }
0x26: {  	[smem:$0x3F90] =	sst s1;
	(tag) =	ssettag s2;
	_ =	strace s9  }
0x27: {  	s1 =	sld [smem:$0x3FA0]  }
0x28: {  	s2 =	sld [smem:$0x3FA1]  }
0x29: {  	s4 =	sld [smem:$0x3FA3]  }
0x2a: {  	p0 =	seq.s32 s5, $0x0;
	s5 =	sld [smem:$0x3FA4]  }
0x2b: {  	s6 =	sld [smem:$0x3FA5]  }
0x2c: {  	s7 =	sld [smem:$0x3FA6]  }
0x2d: {  	s3 =	simm.s32 $0x108;
	s8 =	sld [smem:$0x3FA7]  }
0x2e: {  	s3 =	simm.s32 @!p0 $0x1082;
	s9 =	sld [smem:$0x3FA8]  }
0x2f: {  	lr =	sadd.s32 s0, s3;
	s0 =	sld [smem:$0x3F9F]  }
0x30: {  	s3 =	sld [smem:$0x3FA2]  }
0x31: {  	[smem:$0x3FAB] =	sst s10  }
0x32: {  	s10 =	sld [smem:$0x3FA9];
	_ =	sdelay $0x3  }
0x33: {  	p0 =	seq.s32 s10, $0x1;
	s10 =	sld [smem:$0x3FAB];
	_ =	sdelay $0x3  }
0x34: {  	[smem:$0x3FAB] =	sst s10  }
0x35: {  	s10 =	sld [smem:$0x3FAA];
	_ =	sdelay $0x3  }
0x36: {  	p1 =	seq.s32 s10, $0x1;
	s10 =	sld [smem:$0x3FAB];
	_ =	sdelay $0x3  }
0x37: {  	[smem:$0x3FAB] =	sst s10  }
0x38: {  	s10 =	sld [smem:$0x3FAC]  }
0x39: {  	_ = 	snop;
	(pc) =	sbr.ind lr, $3  }
0x3a: {  	_ = 	snop  }
0x3b: {  	_ = 	snop  }
0x3c: {  	p2 =	seq.s32 s10, $0x1;
	s10 =	sld [smem:$0x3FAB]  }
0x3d: {  	_ =	shalt  }
0x3e: {  	_ =	shalt  }
0x3f: {  	_ =	shalt  }
0x40: {  	_ =	shalt  }
0x41: {  	_ =	shalt  }
0x42: {  	_ =	shalt  }
0x43: {  	_ =	shalt  }
0x44: {  	_ =	shalt  }
0x45: {  	_ =	shalt  }
0x46: {  	_ =	shalt  }
0x47: {  	_ =	shalt  }
0x48: {  	_ =	shalt  }
0x49: {  	_ =	shalt  }
0x4a: {  	_ =	shalt  }
0x4b: {  	_ =	shalt  }
0x4c: {  	_ =	shalt  }
0x4d: {  	_ =	shalt  }
0x4e: {  	_ =	shalt  }
0x4f: {  	_ =	shalt  }
0x50: {  	_ =	shalt  }
0x51: {  	_ =	shalt  }
0x52: {  	_ =	shalt  }
0x53: {  	_ =	shalt  }
0x54: {  	_ =	shalt  }
0x55: {  	_ =	shalt  }
0x56: {  	_ =	shalt  }
0x57: {  	_ =	shalt  }
0x58: {  	_ =	shalt  }
0x59: {  	_ =	shalt  }
0x5a: {  	_ =	shalt  }
0x5b: {  	_ =	shalt  }
0x5c: {  	_ =	shalt  }
0x5d: {  	_ =	shalt  }
0x5e: {  	_ =	shalt  }
0x5f: {  	_ =	shalt  }
0x60: {  	_ =	shalt  }
0x61: {  	_ =	shalt  }
0x62: {  	_ =	shalt  }
0x63: {  	_ =	shalt  }
0x64: {  	_ =	shalt  }
0x65: {  	_ =	shalt  }
0x66: {  	_ =	shalt  }
0x67: {  	_ =	shalt  }
0x68: {  	_ =	shalt  }
0x69: {  	_ =	shalt  }
0x6a: {  	_ =	shalt  }
0x6b: {  	_ =	shalt  }
0x6c: {  	_ =	shalt  }
0x6d: {  	_ =	shalt  }
0x6e: {  	_ =	shalt  }
0x6f: {  	_ =	shalt  }
0x70: {  	_ =	shalt  }
0x71: {  	_ =	shalt  }
0x72: {  	_ =	shalt  }
0x73: {  	_ =	shalt  }
0x74: {  	_ =	shalt  }
0x75: {  	_ =	shalt  }
0x76: {  	_ =	shalt  }
0x77: {  	_ =	shalt  }
0x78: {  	_ =	shalt  }
0x79: {  	_ =	shalt  }
0x7a: {  	_ =	shalt  }
0x7b: {  	_ =	shalt  }
0x7c: {  	_ =	shalt  }
0x7d: {  	_ =	shalt  }
0x7e: {  	_ =	shalt  }
0x7f: {  	_ =	shalt  }
0x80: {  	_ =	shalt  }
0x81: {  	_ =	shalt  }
0x82: {  	_ =	shalt  }
0x83: {  	_ =	shalt  }
0x84: {  	_ =	shalt  }
0x85: {  	_ =	shalt  }
0x86: {  	_ =	shalt  }
0x87: {  	_ =	shalt  }
.Lfunc_end0:
.L_simem_size_0:
called_computation.3_lowered:
.L_overlay_start_0:
0x88: {  	s2 =	sld [smem:$0x3FD9]  }
0x89: {  	s3 =	sld [smem:$0x3FFE];
	_ =	sdelay $0x1  }
0x8a: {  	s1 =	srdreg.scid  }
0x8b: {  	s0 =	sand.u32 $0x1, s1  }
0x8c: {  	s16 =	sshll.u32 s0, $0xA;
	s2 =	sadd.s32 s3, s2  }
0x8d: {  	s2 =	sadd.s32 s2, s16  }
0x8e: {  	[smem:$0x3FB7] =	sst s2  }
0x8f: {  	_ = 	snop  }
0x90: {  	(tm) =	ssettm $0x1  }
0x91: {  	s17 =	sld [smem:$0x3FFB];
	_ =	sdelay $0x3  }
0x92: {  	_ =	strace s17  }
0x93: {  	s2 =	sld [smem:$0x3FFC];
	_ =	sdelay $0x3  }
0x94: {  	_ =	strace s2  }
0x95: {  	s2 =	sld [smem:$0x3FFD];
	_ =	sdelay $0x3  }
0x96: {  	_ =	strace s2  }
0x97: {  	_ =	strace $0x8FFFFFFF  }
0x98: {  	s18 =	sld [smem:$0x3FDB];
	_ =	sdelay $0x1  }
0x99: {  	s19 =	simm.s32 $_scs_section_size  }
0x9a: {  	s4 =	simm.s32 $_size__tile_overlayer_lowered;
	s5 =	simm.s32 $_tile_overlayer_lowered  }
0x9b: {  	s22 =	simm.s32 $0x1BFF;
	s21 =	sshll.u32 s5, $0x1;
	s2 =	sadd.s32 s19, s18  }
0x9c: {  	s6 =	simm.s32 $0x0;
	s20 =	sshll.u32 s4, $0x1;
	s4 =	sadd.s32 s21, s2  }
0x9d: {  	[timem:s6], [sflag:s22] =	dma.local [hbm:s4], s20  }
0x9e: {  	_ =	swait.ge [sflag:s22], s20  }
0x9f: {  	s3 =	ssub.s32 $0x0, s20;
	[sflag:s22] =	ssyncset.done $0x0  }
0xa0: {  	[sflag:s22] =	ssyncadd.s32 s3;
	_ =	sdelay $0x1  }
0xa1: {  	s23 =	simm.s32 $0x1B8B  }
0xa2: {  	_ =	swait.ge [sflag:s23], $0x1  }
0xa3: {  	[sflag:s23] =	ssyncset.done $0x0  }
0xa4: {  	s25 =	simm.s32 $0x1B8E;
	s24 =	sld [smem:$0x3FFE];
	[sflag:s23] =	ssyncadd.s32 $0xFFFFFFFF  }
0xa5: {  	s26 =	simm.s32 $execute0_lowered;
	[smem:$0x3FD2] =	sst s25  }
0xa6: {  	s4 =	sshll.u32 s26, $0x1;
	_ =	strace $0x8000004F;
	[dreg:$0x1] =	wrdreg $0xFFFFFFFF  }
0xa7: {  	s28 =	simm.s32 $_size_execute0_lowered;
	s2 =	sadd.s32 s2, s4;
	[dreg:$0x0] =	wrdreg $0x0  }
0xa8: {  	s4 =	sshll.u32 s28, $0x1;
	[dreg:$0x2] =	wrdreg s2  }
0xa9: {  	[dreg:$0x3] =	wrdreg s4  }
0xaa: {  	[dreg:$0x4] =	wrdreg $0xC0  }
0xab: {  	_ =	task [dreg:s6], $0x5FFFF  }
0xac: {  	[dreg:$0x1] =	wrdreg $0xFFFFFFFF  }
0xad: {  	[dreg:$0x0] =	wrdreg $0x60  }
0xae: {  	[dreg:$0x2] =	wrdreg s24  }
0xaf: {  	[dreg:$0x3] =	wrdreg $0xA9000  }
0xb0: {  	[dreg:$0x4] =	wrdreg $0x9  }
0xb1: {  	_ =	task.clear_ibuf [dreg:s6], $0x5FFFF;
	_ =	strace $0x9000004F  }
0xb2: {  	s29 =	simm.s32 $0x9;
	_ =	strace $0x80000051  }
0xb3: {  	_ =	swait.ge [sflag:s29], $0x1  }
0xb4: {  	[sflag:s29] =	ssyncadd.s32 $0xFFFFFFFF  }
0xb5: {  	_ =	strace $0x90000051  }
0xb6: {  	_ =	sfence  }
0xb7: {  	s30 =	sld [smem:$0x0];
	_ =	sdelay $0x2  }
0xb8: {  	s31 =	sshll.u32 s1, $0xD;
	s1 =	sshrl.u32 s1, $0x2  }
0xb9: {  	s3 =	sand.u32 $0x4000, s31;
	s1 =	sadd.s32 s1, s30  }
0xba: {  	s0 =	sor.u32 s3, s0;
	s1 =	sshll.u32 s1, $0x11  }
0xbb: {  	s0 =	sor.u32 s1, s0  }
0xbc: {  	s0 =	sadd.s32 $0x8F2B, s0  }
0xbd: {  	[sflag:s0] =	ssyncadd.remote.s32 $0x1  }
0xbe: {  	_ =	sfence.sel $0xFFFF  }
0xbf: {  	[dreg:$0x0] =	wrdreg $0xFFFFFFFF;
	(pc) =	sbr.abs _section_cstart, $3  }
0xc0: {  	[dreg:$0x1] =	wrdreg $0xFFFFFFFF  }
0xc1: {  	_ =	task.clear_ibuf [dreg:s6], $0x2FFFF;
	_ =	strace $0x9FFFFFFF  }
0xc2: {  	(tm) =	ssettm $0x7FFFFFFF  }
0xc3: {  	_ =	shalt  }
tec
execute0_lowered:
.L_overlay_start_1:
0x0: {  	(tag) =	ssettag $0x1  }
0x1: {  	s0 =	srdreg.scid  }
0x2: {  	s1 =	rddreg [dreg:$0x0];
	s21 =	stileid.u32  }
0x3: {  	s2 =	rddreg [dreg:$0x1];
	s20 =	simm.s32 $0x5;
	s22 =	simm.s32 $0x80  }
0x4: {  	s23 =	simm.s32 $0x2800;
	s24 =	simm.s32 $0x1;
	s8 =	smul.u32 $0x4E000, s21  }
0x5: {  	s28 =	simm.s32 $0x2880;
	s29 =	simm.s32 $0x2;
	s13 =	smul.u32 $0x2700, s21  }
0x6: {  	s30 =	simm.s32 $0x3;
	s0 =	sand.u32 $0x1, s0;
	s14 =	smul.u32 $0x2800, s21  }
0x7: {  	s19 =	sadd.s32 $0xE200, s1;
	p0 =	seq.s32 s21, $0xF;
	s10 =	smul.u32 $0x27100, s0  }
0x8: {  	s3 =	sshll.u32 s0, $0x4;
	s7 =	ssub.s32 $0x2, s0;
	s11 =	smul.u32 $0x138800, s0  }
0x9: {  	s0 =	smul.u32 $0x28000, s0;
	s4 =	sor.u32 s21, s3;
	s3 =	simm.s32 $0x0  }
0xa: {  	s9 =	sshrl.u32 s7, $0x1;
	s25 =	sshrl.u32 s8, $0x2;
	s8 =	sadd.s32 $0x134800, s2  }
0xb: {  	s21 =	simm.s32 $0x2900;
	s5 =	smul.u32 $0x2800, s4;
	[smem:$0x7FF] =	sst s3  }
0xc: {  	s4 =	sadd.s32 $0x18200, s1;
	s12 =	ssub.s32 s7, s9;
	s26 =	sshrl.u32 s11, $0x3  }
0xd: {  	s10 =	sadd.s32 s13, s10;
	s0 =	sadd.s32 s14, s0;
	_ =	strace $0x80000050  }
0xe: {  	s31 =	sor.u32 $0x180, s0;
	s0 =	sor.u32 $0x200, s0;
	s5 =	sshrl.u32 s5, $0x3  }
0xf: {  	s12 =	smax.u32 s12, $0x1;
	s0 =	sshrl.u32 s0, $0x3;
	s6 =	sadd.s32 s5, s1  }
0x10: {  	s1 =	sadd.s32 $0x3F400, s1;
	s9 =	sadd.s32 s19, s5;
	s6 =	sadd.s32 $0x4200, s6  }
0x11: {  	s5 =	sadd.s32 s1, s26;
	s10 =	sadd.s32 s1, s10;
	s1 =	sadd.s32 $0x124800, s2  }
0x12: {  	s16 =	sadd.s32 $0x10, s9;
	s17 =	sadd.s32 $0x20, s9;
	s26 =	simm.s32 $0x6900  }
.Ltmp0:
0x13: {  	[dreg:$0x3] =	wrdreg s6;
	s6 =	sadd.s32 s25, s2;
	(pc) =	sbr.rel .LBB2_1-.Ltmp0, $4  }
0x14: {  	s11 =	sadd.s32 $0x24900, s5;
	s5 =	sshrl.u32 s31, $0x3;
	s25 =	sshrl.u32 @p0 s1, $0x3  }
0x15: {  	s1 =	simm.s32 $0x4;
	s7 =	sadd.s32 $0x10000, s6;
	s13 =	sadd.s32 $0x4000, s6  }
0x16: {  	s14 =	sadd.s32 $0x8000, s6;
	s15 =	sadd.s32 $0xC000, s6;
	s18 =	sadd.s32 s5, s19  }
0x17: {  	v0 =	vimm.f32 $0.0e+00;
	s19 =	sadd.s32 s0, s19;
	s0 =	simm.s32 $0x0;
	[dreg:$0x4] =	wrdreg s7  }
.LBB2_6:
0x18: {  	[spmem:s2] =	stream.indirect.scatter.add.f32 [tilespmem:s26], [sflag:$0x4], $0x80, s28, s22, $0xb8;
	[tilespmem:$0x1E580] =	vst v63  }
0x19: {  	_ =	swait.ge [sflag:s1], $0x4000  }
0x1a: {  	[sflag:s1] =	ssyncset.done $0x0  }
0x1b: {  	[sflag:s1] =	ssyncadd.s32 $0xFFFFC000  }
0x1c: {  	s5 =	simm.s32 @p0 $0x1FC5;
	[bflag:$0x0] =	sbarrier.arrive $0xFFFF  }
0x1d: {  	[hbm:s11], [sflag:s5] =	dma.local @p0 [spmem:s25], $0x2800  }
0x1e: {  	s5 =	simm.s32 @p0 $0x5  }
0x1f: {  	s7 =	stileid.u32;
	s0 =	sadd.s32 $0x1, s0;
	_ =	swait.ge @p0 [sflag:s5], $0x2800  }
0x20: {  	s7 =	sshll.u32 @!p0 s7, $0x6;
	p1 =	sne.s32 s0, s12;
	[sflag:s5] =	ssyncset.done @p0 $0x0  }
0x21: {  	[sflag:s5] =	ssyncadd.s32 @p0 $0xFFFFD800;
	s5 =	sor.u32 @!p0 $0x1C05, s7;
	s7 =	sshrl.u32 @!p0 s6, $0x3  }
0x22: {  	[hbm:s10], [sflag:s5] =	dma.local @!p0 [spmem:s7], $0x2700  }
.Ltmp1:
0x23: {  	_ = 	snop;
	(pc) =	sbr.rel @!p1 .LBB2_7-.Ltmp1, $4  }
0x24: {  	s5 =	simm.s32 @!p0 $0x5  }
0x25: {  	_ =	swait.ge @!p0 [sflag:s5], $0x2700  }
0x26: {  	[sflag:s5] =	ssyncset.done @!p0 $0x0  }
0x27: {  	[sflag:s5] =	ssyncadd.s32 @!p0 $0xFFFFD900  }
.LBB2_1:
0x28: {  	s5 =	rddreg [dreg:$0x3]  }
0x29: {  	[tilespmem:s3], [sflag:$0x5] =	stream.linear.gather [hbm4b:s5+s3], $0x2800, $0x38;
	[tilespmem:$0x1E580] =	vst v63  }
0x2a: {  	_ =	swait.ge [sflag:s20], $0x2800  }
0x2b: {  	[sflag:s20] =	ssyncset.done $0x0  }
0x2c: {  	s31 =	simm.s32 $0x200;
	s5 =	simm.s32 $0x0;
	[sflag:s20] =	ssyncadd.s32 $0xFFFFD800  }
.LBB2_2:
0x2d: {  	p1 =	sne.s32 s31, $0xFE00;
	[tilespmem:s5+$0x2970] =	vst v0  }
0x2e: {  	[tilespmem:s5+$0x2900] =	vst v0  }
0x2f: {  	[tilespmem:s5+$0x2910] =	vst v0  }
.Ltmp2:
0x30: {  	[tilespmem:s5+$0x2920] =	vst v0;
	(pc) =	sbr.rel @p1 .LBB2_2-.Ltmp2, $4  }
0x31: {  	[tilespmem:s5+$0x2930] =	vst v0  }
0x32: {  	[tilespmem:s5+$0x2940] =	vst v0  }
0x33: {  	[tilespmem:s5+$0x2950] =	vst v0  }
0x34: {  	[tilespmem:s5+$0x2960] =	vst v0;
	s5 =	sshra.s32 s31, $0x2;
	s31 =	sadd.s32 $0x200, s31  }
0x35: {  	[tilespmem:s5+$0x2970] =	vst v0  }
0x36: {  	[tilespmem:s5+$0x2900] =	vst v0  }
0x37: {  	[tilespmem:s5+$0x2910] =	vst v0  }
0x38: {  	[tilespmem:s5+$0x2920] =	vst v0  }
0x39: {  	[tilespmem:s5+$0x2930] =	vst v0  }
0x3a: {  	[tilespmem:s5+$0x2940] =	vst v0  }
0x3b: {  	[tilespmem:s5+$0x2950] =	vst v0  }
0x3c: {  	[tilespmem:s5+$0x2960] =	vst v0  }
0x3d: {  	[spmem:s6] =	stream.linear.scatter [tilespmem:s21], [sflag:$0x5], $0x4000, $0x38;
	[tilespmem:$0x1E580] =	vst v63  }
0x3e: {  	_ =	swait.ge [sflag:s20], $0x4000  }
0x3f: {  	[sflag:s20] =	ssyncset.done $0x0  }
0x40: {  	[sflag:s20] =	ssyncadd.s32 $0xFFFFC000  }
0x41: {  	[spmem:s13] =	stream.linear.scatter [tilespmem:s21], [sflag:$0x5], $0x4000, $0x38;
	[tilespmem:$0x1E580] =	vst v63  }
0x42: {  	_ =	swait.ge [sflag:s20], $0x4000  }
0x43: {  	[sflag:s20] =	ssyncset.done $0x0  }
0x44: {  	[sflag:s20] =	ssyncadd.s32 $0xFFFFC000  }
0x45: {  	[spmem:s14] =	stream.linear.scatter [tilespmem:s21], [sflag:$0x5], $0x4000, $0x38;
	[tilespmem:$0x1E580] =	vst v63  }
0x46: {  	_ =	swait.ge [sflag:s20], $0x4000  }
0x47: {  	[sflag:s20] =	ssyncset.done $0x0  }
0x48: {  	[sflag:s20] =	ssyncadd.s32 $0xFFFFC000  }
0x49: {  	[spmem:s15] =	stream.linear.scatter [tilespmem:s21], [sflag:$0x5], $0x4000, $0x38;
	[tilespmem:$0x1E580] =	vst v63  }
0x4a: {  	_ =	swait.ge [sflag:s20], $0x4000  }
0x4b: {  	[sflag:s20] =	ssyncset.done $0x0  }
0x4c: {  	s5 =	simm.s32 @p0 $0x2900;
	[sflag:s20] =	ssyncadd.s32 $0xFFFFC000  }
0x4d: {  	[spmem:s8] =	stream.linear.scatter @p0 [tilespmem:s5], [sflag:$0x5], $0x4000, $0x38;
	[tilespmem:$0x1E580] =	vst v63  }
0x4e: {  	s5 =	simm.s32 @p0 $0x5  }
0x4f: {  	_ =	swait.ge @p0 [sflag:s5], $0x4000  }
0x50: {  	[sflag:s5] =	ssyncset.done @p0 $0x0  }
0x51: {  	s7 =	rddreg [dreg:$0x4];
	[sflag:s5] =	ssyncadd.s32 @p0 $0xFFFFC000;
	s5 =	simm.s32 @!p0 $0x2900  }
0x52: {  	[spmem:s7] =	stream.linear.scatter @!p0 [tilespmem:s5], [sflag:$0x5], $0x3800, $0x38;
	[tilespmem:$0x1E580] =	vst v63  }
0x53: {  	s5 =	simm.s32 @!p0 $0x5  }
0x54: {  	_ =	swait.ge @!p0 [sflag:s5], $0x3800  }
0x55: {  	[sflag:s5] =	ssyncset.done @!p0 $0x0  }
0x56: {  	[sflag:s5] =	ssyncadd.s32 @!p0 $0xFFFFC800  }
0x57: {  	s31 =	simm.s32 $0x0;
	[bflag:$0x0] =	sbarrier.arrive $0xFFFF  }
0x58: {  	[tilespmem:s21], [sflag:$0x1] =	stream.indirect.gather [hbm4b:s4+s22], $0x80, s31, s22, $0xb8;
	[tilespmem:$0x1E580] =	vst v63  }
0x59: {  	_ = 	snop  }
0x5a: {  	[tilespmem:s23], [sflag:$0x1] =	stream.linear.gather [hbm4b:s9+s31], $0x80, $0x38;
	[tilespmem:$0x1E580] =	vst v63  }
0x5b: {  	_ =	swait.ge [sflag:s24], $0x4000  }
0x5c: {  	[sflag:s24] =	ssyncset.done $0x0  }
0x5d: {  	[sflag:s24] =	ssyncadd.s32 $0xFFFFC000  }
0x5e: {  	_ =	swait.ge [sflag:s24], $0x80  }
0x5f: {  	[sflag:s24] =	ssyncset.done $0x0  }
0x60: {  	[sflag:s24] =	ssyncadd.s32 $0xFFFFFF80  }
0x61: {  	[tilespmem:s26], [sflag:$0x2] =	stream.indirect.gather [hbm4b:s4+s22], $0x80, s22, s22, $0xb8;
	[tilespmem:$0x1E580] =	vst v63  }
0x62: {  	_ = 	snop  }
0x63: {  	[tilespmem:s28], [sflag:$0x2] =	stream.linear.gather [hbm4b:s16+s31], $0x80, $0x38;
	[tilespmem:$0x1E580] =	vst v63  }
0x64: {  	_ = 	snop  }
0x65: {  	[spmem:s2] =	stream.indirect.scatter.add.f32 [tilespmem:s21], [sflag:$0x3], $0x80, s23, s22, $0xb8;
	[tilespmem:$0x1E580] =	vst v63  }
0x66: {  	_ =	swait.ge [sflag:s29], $0x4000  }
0x67: {  	[sflag:s29] =	ssyncset.done $0x0  }
0x68: {  	[sflag:s29] =	ssyncadd.s32 $0xFFFFC000  }
0x69: {  	_ =	swait.ge [sflag:s29], $0x80  }
0x6a: {  	[sflag:s29] =	ssyncset.done $0x0  }
0x6b: {  	[sflag:s29] =	ssyncadd.s32 $0xFFFFFF80  }
0x6c: {  	_ =	swait.ge [sflag:s30], $0x4000  }
0x6d: {  	[sflag:s30] =	ssyncset.done $0x0  }
0x6e: {  	s7 =	simm.s32 $0x100;
	[sflag:s30] =	ssyncadd.s32 $0xFFFFC000  }
0x6f: {  	[tilespmem:s21], [sflag:$0x1] =	stream.indirect.gather [hbm4b:s4+s22], $0x80, s7, s22, $0xb8;
	[tilespmem:$0x1E580] =	vst v63  }
0x70: {  	_ = 	snop  }
0x71: {  	[tilespmem:s23], [sflag:$0x1] =	stream.linear.gather [hbm4b:s17+s31], $0x80, $0x38;
	[tilespmem:$0x1E580] =	vst v63  }
0x72: {  	s5 =	simm.s32 $0x180  }
0x73: {  	[spmem:s2] =	stream.indirect.scatter.add.f32 [tilespmem:s26], [sflag:$0x4], $0x80, s28, s22, $0xb8;
	[tilespmem:$0x1E580] =	vst v63  }
.LBB2_4:
0x74: {  	_ =	swait.ge [sflag:s24], $0x4000  }
0x75: {  	[sflag:s24] =	ssyncset.done $0x0  }
0x76: {  	[sflag:s24] =	ssyncadd.s32 $0xFFFFC000  }
0x77: {  	_ =	swait.ge [sflag:s24], $0x80  }
0x78: {  	[sflag:s24] =	ssyncset.done $0x0  }
0x79: {  	[sflag:s24] =	ssyncadd.s32 $0xFFFFFF80  }
0x7a: {  	_ =	swait.ge [sflag:s1], $0x4000  }
0x7b: {  	[sflag:s1] =	ssyncset.done $0x0  }
0x7c: {  	[sflag:s1] =	ssyncadd.s32 $0xFFFFC000  }
0x7d: {  	[tilespmem:s26], [sflag:$0x2] =	stream.indirect.gather [hbm4b:s4+s22], $0x80, s5, s22, $0xb8;
	[tilespmem:$0x1E580] =	vst v63  }
0x7e: {  	s7 =	sadd.s32 s31, s18  }
0x7f: {  	[tilespmem:s28], [sflag:$0x2] =	stream.linear.gather [hbm4b:s7+s3], $0x80, $0x38;
	[tilespmem:$0x1E580] =	vst v63  }
0x80: {  	_ = 	snop  }
0x81: {  	[spmem:s2] =	stream.indirect.scatter.add.f32 [tilespmem:s21], [sflag:$0x3], $0x80, s23, s22, $0xb8;
	[tilespmem:$0x1E580] =	vst v63  }
0x82: {  	_ =	swait.ge [sflag:s29], $0x4000  }
0x83: {  	[sflag:s29] =	ssyncset.done $0x0  }
0x84: {  	[sflag:s29] =	ssyncadd.s32 $0xFFFFC000  }
0x85: {  	p1 =	seq.s32 s31, $0x4C0;
	_ =	swait.ge [sflag:s29], $0x80  }
.Ltmp3:
0x86: {  	[sflag:s29] =	ssyncset.done $0x0;
	(pc) =	sbr.rel @p1 .LBB2_6-.Ltmp3, $4  }
0x87: {  	[sflag:s29] =	ssyncadd.s32 $0xFFFFFF80  }
0x88: {  	_ =	swait.ge [sflag:s30], $0x4000  }
0x89: {  	[sflag:s30] =	ssyncset.done $0x0  }
0x8a: {  	[sflag:s30] =	ssyncadd.s32 $0xFFFFC000  }
0x8b: {  	s7 =	sadd.s32 $0x80, s5  }
0x8c: {  	[tilespmem:s21], [sflag:$0x1] =	stream.indirect.gather [hbm4b:s4+s22], $0x80, s7, s22, $0xb8;
	[tilespmem:$0x1E580] =	vst v63  }
.Ltmp4:
0x8d: {  	_ = 	snop;
	(pc) =	sbr.rel .LBB2_4-.Ltmp4, $4  }
0x8e: {  	s7 =	sadd.s32 s31, s19  }
0x8f: {  	[tilespmem:s23], [sflag:$0x1] =	stream.linear.gather [hbm4b:s7+s3], $0x80, $0x38;
	[tilespmem:$0x1E580] =	vst v63  }
0x90: {  	s5 =	sadd.s32 $0x100, s5;
	s31 =	sadd.s32 $0x20, s31  }
0x91: {  	[spmem:s2] =	stream.indirect.scatter.add.f32 [tilespmem:s26], [sflag:$0x4], $0x80, s28, s22, $0xb8;
	[tilespmem:$0x1E580] =	vst v63  }
.LBB2_7:
0x92: {  	_ =	sfence.sel $0x180000  }
0x93: {  	[bflag:$0x0] =	sbarrier.arrive $0xFFFF  }
0x94: {  	_ =	strace $0x90000050  }
0x95: {  	s0 =	stileid.u32;
	[bflag:$0x2] =	sbarrier.arrive $0xFFFF  }
0x96: {  	p0 =	sne.s32 s0, $0x0;
	s0 =	rddreg [dreg:$0x2]  }
0x97: {  	s0 =	sadd.s32 @!p0 $0x100000, s0  }
0x98: {  	[sflag:s0] =	ssyncadd.tile.s32 @!p0 $0x1;
	_ =	shalt  }
.Lfunc_end2:
_tile_overlayer_lowered:
.L_overlay_start_2:
0x99: {  	(tag) =	ssettag $0x2  }
0x9a: {  	s0 =	rddreg [dreg:$0x0];
	s2 =	stileid.u32  }
0x9b: {  	s1 =	rddreg [dreg:$0x1];
	p0 =	sne.s32 s2, $0x0  }
0x9c: {  	s3 =	rddreg [dreg:$0x2];
	[bflag:$0x3] =	sbarrier.arrive $0xFFFF;
	s2 =	simm.s32 @!p0 $0x1C05  }
0x9d: {  	[timem:s3], [sflag:s2] =	dma.local @!p0 [hbm:s0], s1  }
0x9e: {  	s0 =	simm.s32 @!p0 $0x5  }
0x9f: {  	_ =	swait.ge @!p0 [sflag:s0], s1  }
0xa0: {  	s1 =	ssub.s32 @!p0 $0x0, s1;
	[sflag:s0] =	ssyncset.done @!p0 $0x0  }
0xa1: {  	[sflag:s0] =	ssyncadd.s32 @!p0 s1  }
0xa2: {  	[bflag:$0x3] =	sbarrier.arrive $0xFFFF  }
0xa3: {  	_ =	shalt  }

</sc_bundles>
